<compile_context>
chip_gen: v7x
topology: tpu7x:2x2x1
jax: 0.10.2.dev20260603
libtpu: 0.0.44.dev20260713+nightly
codegen_flags: <defaults>
</compile_context>

<pallas_src>
import functools

import jax
import jax.numpy as jnp
from jax import lax
from jax.experimental import pallas as pl
from jax.experimental.pallas import tpu as pltpu
from jax.experimental.pallas import tpu_sc as plsc

_R, _C = 16384, 4096
_N = _R * _C
_NW = 32
_WROWS = _R // _NW
_CR = 4
_CHUNK = _CR * _C
_HALF = _CHUNK // 2
_NCHUNK = _WROWS // _CR
_SHIFT = 12


def _sc_gather(x1d, idx2):
    mesh = plsc.VectorSubcoreMesh(core_axis_name="c", subcore_axis_name="s")

    @functools.partial(
        pl.kernel,
        mesh=mesh,
        out_type=jax.ShapeDtypeStruct((_R, _C), jnp.float32),
        scratch_types=[
            pltpu.VMEM((_CHUNK,), jnp.int32),
            pltpu.VMEM((_CHUNK,), jnp.int32),
            pltpu.VMEM((_HALF,), jnp.int32),
            pltpu.VMEM((_HALF,), jnp.int32),
            pltpu.VMEM((_HALF,), jnp.int32),
            pltpu.VMEM((_HALF,), jnp.int32),
            pltpu.VMEM((_HALF,), jnp.float32),
            pltpu.VMEM((_HALF,), jnp.float32),
            pltpu.VMEM((_HALF,), jnp.float32),
            pltpu.VMEM((_HALF,), jnp.float32),
            pltpu.SemaphoreType.DMA,
            pltpu.SemaphoreType.DMA,
            pltpu.SemaphoreType.DMA,
            pltpu.SemaphoreType.DMA,
            pltpu.SemaphoreType.DMA,
            pltpu.SemaphoreType.DMA,
        ],
    )
    def k(x_hbm, idx_hbm, out_hbm, idx_a, idx_b,
          fidx_a1, fidx_a2, fidx_b1, fidx_b2,
          data_a1, data_a2, data_b1, data_b2,
          sem_in, sem_out, sem_ga1, sem_ga2, sem_gb1, sem_gb2):
        wid = lax.axis_index("s") * 2 + lax.axis_index("c")
        base = wid * _WROWS
        lane = lax.iota(jnp.int32, 16)

        def idx_start(c, idx_v):
            for r in range(_CR):
                pltpu.make_async_copy(
                    idx_hbm.at[base + c * _CR + r],
                    idx_v.at[pl.ds(r * _C, _C)], sem_in).start()

        def idx_wait(c, idx_v):
            for r in range(_CR):
                pltpu.make_async_copy(
                    idx_hbm.at[base + c * _CR + r],
                    idx_v.at[pl.ds(r * _C, _C)], sem_in).wait()

        def fidx_compute(idx_v, fidx_1, fidx_2):
            def frow(r, carry):
                col = (lax.rem(r, _C // 16) << 4) + lane
                fidx_1[pl.ds(r * 16, 16)] = (
                    (idx_v[pl.ds(r * 16, 16)] << _SHIFT) | col)
                fidx_2[pl.ds(r * 16, 16)] = (
                    (idx_v[pl.ds(_HALF + r * 16, 16)] << _SHIFT) | col)
                return carry
            lax.fori_loop(0, _HALF // 16, frow, 0, unroll=8)

        def gather_start(fidx_v, data_v, sem):
            pltpu.make_async_copy(x_hbm.at[fidx_v], data_v, sem).start()

        def gather_wait(fidx_v, data_v, sem):
            pltpu.make_async_copy(x_hbm.at[fidx_v], data_v, sem).wait()

        def out_start(c, data_1, data_2):
            for r in range(_CR):
                d = data_1 if r < _CR // 2 else data_2
                o = (r % (_CR // 2)) * _C
                pltpu.make_async_copy(
                    d.at[pl.ds(o, _C)],
                    out_hbm.at[base + c * _CR + r], sem_out).start()

        def out_wait(c, data_1, data_2):
            for r in range(_CR):
                d = data_1 if r < _CR // 2 else data_2
                o = (r % (_CR // 2)) * _C
                pltpu.make_async_copy(
                    d.at[pl.ds(o, _C)],
                    out_hbm.at[base + c * _CR + r], sem_out).wait()

        idx_start(0, idx_a)
        idx_start(1, idx_b)
        idx_wait(0, idx_a)
        fidx_compute(idx_a, fidx_a1, fidx_a2)
        gather_start(fidx_a1, data_a1, sem_ga1)
        gather_start(fidx_a2, data_a2, sem_ga2)

        def half(c, cur, nxt):
            (idx_c, fidx_c1, fidx_c2, data_c1, data_c2, sem_c1, sem_c2) = cur
            (idx_n, fidx_n1, fidx_n2, data_n1, data_n2, sem_n1, sem_n2) = nxt

            @pl.when(c + 1 < _NCHUNK)
            def _stage_next():
                idx_wait(c + 1, idx_n)
                fidx_compute(idx_n, fidx_n1, fidx_n2)

            @pl.when(c > 0)
            def _drain_prev_out():
                out_wait(c - 1, data_n1, data_n2)

            @pl.when(c + 1 < _NCHUNK)
            def _fire_next():
                gather_start(fidx_n1, data_n1, sem_n1)
                gather_start(fidx_n2, data_n2, sem_n2)

            gather_wait(fidx_c1, data_c1, sem_c1)
            gather_wait(fidx_c2, data_c2, sem_c2)
            out_start(c, data_c1, data_c2)

            @pl.when(c + 2 < _NCHUNK)
            def _prefetch():
                idx_start(c + 2, idx_c)

        bufs_a = (idx_a, fidx_a1, fidx_a2, data_a1, data_a2, sem_ga1, sem_ga2)
        bufs_b = (idx_b, fidx_b1, fidx_b2, data_b1, data_b2, sem_gb1, sem_gb2)

        def pair_body(cp, carry):
            half(2 * cp, bufs_a, bufs_b)
            half(2 * cp + 1, bufs_b, bufs_a)
            return carry

        lax.fori_loop(0, _NCHUNK // 2, pair_body, 0)
        out_wait(_NCHUNK - 1, data_b1, data_b2)

    return k(x1d, idx2)


def kernel(x, index):
    x1d = x.reshape(_N)
    return _sc_gather(x1d, index)

# --- scband reference (transcript-rebuilt; emitter-appended) ---
"""Pipeline reference for scband-bench-torch-gather-9517647528313 (READ-ONLY COPY).

The authoritative reference and input builder live on the scoring server;
editing this copy changes nothing except your own understanding.
"""

import jax, jax.numpy as jnp
import numpy as np

DIMS = (16384, 4096)
AXIS = 0

def setup_inputs(seed: int = 0) -> dict:
    key = jax.random.key(seed)
    k1, k2 = jax.random.split(key)
    x = jax.random.normal(k1, DIMS, dtype=jnp.float32)
    # module state: random index of same shape as dims, values in [0, dims[axis])
    index = jax.random.randint(k2, DIMS, 0, DIMS[AXIS], dtype=jnp.int32)
    return {"x": x, "index": index}

def reference(x, index):
    # torch.gather(x, 0, index): out[i, j] = x[index[i, j], j]
    return jnp.take_along_axis(x, index, axis=AXIS)

if __name__ == "__main__":
    import jax
    _d = setup_inputs()
    print(jax.jit(kernel)(*tuple(_d.values())))

</pallas_src>

<mosaic_0001>
#map = affine_map<(d0, d1) -> (0)>
#map1 = affine_map<(d0, d1) -> (0, 0)>
module attributes {stable_mosaic.version = 14 : i64} {
  func.func @k(%arg0: i32, %arg1: i32, %arg2: memref<67108864xf32, #tpu.memory_space<hbm>>, %arg3: memref<16384x4096xi32, #tpu.memory_space<hbm>>, %arg4: memref<16384x4096xf32, #tpu.memory_space<hbm>>, %arg5: memref<16384xi32, #tpu.memory_space<vmem>>, %arg6: memref<16384xi32, #tpu.memory_space<vmem>>, %arg7: memref<8192xi32, #tpu.memory_space<vmem>>, %arg8: memref<8192xi32, #tpu.memory_space<vmem>>, %arg9: memref<8192xi32, #tpu.memory_space<vmem>>, %arg10: memref<8192xi32, #tpu.memory_space<vmem>>, %arg11: memref<8192xf32, #tpu.memory_space<vmem>>, %arg12: memref<8192xf32, #tpu.memory_space<vmem>>, %arg13: memref<8192xf32, #tpu.memory_space<vmem>>, %arg14: memref<8192xf32, #tpu.memory_space<vmem>>, %arg15: memref<!tpu.dma_semaphore, #tpu.memory_space<semaphore_mem>>, %arg16: memref<!tpu.dma_semaphore, #tpu.memory_space<semaphore_mem>>, %arg17: memref<!tpu.dma_semaphore, #tpu.memory_space<semaphore_mem>>, %arg18: memref<!tpu.dma_semaphore, #tpu.memory_space<semaphore_mem>>, %arg19: memref<!tpu.dma_semaphore, #tpu.memory_space<semaphore_mem>>, %arg20: memref<!tpu.dma_semaphore, #tpu.memory_space<semaphore_mem>>) attributes {dimension_semantics = [#tpu.dimension_semantics<core_parallel>, #tpu.dimension_semantics<subcore_parallel>], iteration_bounds = array<i64: 2, 16>, scalar_prefetch = 0 : i64, scratch_operands = 16 : i64, tpu.core_type = #tpu.core_type<sc_vector_subcore>, window_params = [{transform_indices = #map}, {transform_indices = #map1}, {transform_indices = #map1}]} {
    %mul3A = arith.constant 2 : i32
    %mul3A_0 = arith.muli %arg1, %mul3A : i32
    %add3A = arith.addi %mul3A_0, %arg0 : i32
    %mul3A_1 = arith.constant 512 : i32
    %mul3A_2 = arith.muli %add3A, %mul3A_1 : i32
    %iota3A = tpu.iota {dimensions = array<i32: 0>} : vector<16xi32>
    %add3A_3 = arith.constant 0 : i32
    %add3A_4 = arith.addi %mul3A_2, %add3A_3 : i32
    %add3A_5 = arith.constant 0 : i32
    %add3A_6 = arith.addi %add3A_4, %add3A_5 : i32
    %dma_start3A = arith.constant 0 : i32
    %dma_start3A_7 = tpu.memref_slice %arg5[%dma_start3A] : memref<16384xi32, #tpu.memory_space<vmem>> -> memref<4096xi32, #tpu.memory_space<vmem>>
    %dma_start3A_8 = arith.constant 0 : i32
    %dma_start3A_9 = tpu.memref_slice %arg3[%add3A_6, %dma_start3A_8] : memref<16384x4096xi32, #tpu.memory_space<hbm>> -> memref<1x4096xi32, #tpu.memory_space<hbm>>
    %dma_start3A_10 = tpu.memref_squeeze %dma_start3A_9 : memref<1x4096xi32, #tpu.memory_space<hbm>> -> memref<4096xi32, #tpu.memory_space<hbm>>
    %dma_start3A_11 = arith.constant 0 : i32
    %dma_start3A_12 = tpu.memref_slice %arg5[%dma_start3A_11] : memref<16384xi32, #tpu.memory_space<vmem>> -> memref<4096xi32, #tpu.memory_space<vmem>>
    %dma_start3A_13 = arith.constant 0 : i32
    %dma_start3A_14 = tpu.memref_slice %arg3[%add3A_6, %dma_start3A_13] : memref<16384x4096xi32, #tpu.memory_space<hbm>> -> memref<1x4096xi32, #tpu.memory_space<hbm>>
    %dma_start3A_15 = tpu.memref_squeeze %dma_start3A_14 : memref<1x4096xi32, #tpu.memory_space<hbm>> -> memref<4096xi32, #tpu.memory_space<hbm>>
    tpu.enqueue_dma source(%dma_start3A_15 : memref<4096xi32, #tpu.memory_space<hbm>>) target(%dma_start3A_12 : memref<4096xi32, #tpu.memory_space<vmem>>) target_semaphore(%arg15 : memref<!tpu.dma_semaphore, #tpu.memory_space<semaphore_mem>>)
    %add3A_16 = arith.constant 0 : i32
    %add3A_17 = arith.addi %mul3A_2, %add3A_16 : i32
    %add3A_18 = arith.constant 1 : i32
    %add3A_19 = arith.addi %add3A_17, %add3A_18 : i32
    %dma_start3A_20 = arith.constant 4096 : i32
    %dma_start3A_21 = tpu.memref_slice %arg5[%dma_start3A_20] : memref<16384xi32, #tpu.memory_space<vmem>> -> memref<4096xi32, #tpu.memory_space<vmem>>
    %dma_start3A_22 = arith.constant 0 : i32
    %dma_start3A_23 = tpu.memref_slice %arg3[%add3A_19, %dma_start3A_22] : memref<16384x4096xi32, #tpu.memory_space<hbm>> -> memref<1x4096xi32, #tpu.memory_space<hbm>>
    %dma_start3A_24 = tpu.memref_squeeze %dma_start3A_23 : memref<1x4096xi32, #tpu.memory_space<hbm>> -> memref<4096xi32, #tpu.memory_space<hbm>>
    %dma_start3A_25 = arith.constant 4096 : i32
    %dma_start3A_26 = tpu.memref_slice %arg5[%dma_start3A_25] : memref<16384xi32, #tpu.memory_space<vmem>> -> memref<4096xi32, #tpu.memory_space<vmem>>
    %dma_start3A_27 = arith.constant 0 : i32
    %dma_start3A_28 = tpu.memref_slice %arg3[%add3A_19, %dma_start3A_27] : memref<16384x4096xi32, #tpu.memory_space<hbm>> -> memref<1x4096xi32, #tpu.memory_space<hbm>>
    %dma_start3A_29 = tpu.memref_squeeze %dma_start3A_28 : memref<1x4096xi32, #tpu.memory_space<hbm>> -> memref<4096xi32, #tpu.memory_space<hbm>>
    tpu.enqueue_dma source(%dma_start3A_29 : memref<4096xi32, #tpu.memory_space<hbm>>) target(%dma_start3A_26 : memref<4096xi32, #tpu.memory_space<vmem>>) target_semaphore(%arg15 : memref<!tpu.dma_semaphore, #tpu.memory_space<semaphore_mem>>)
    %add3A_30 = arith.constant 0 : i32
    %add3A_31 = arith.addi %mul3A_2, %add3A_30 : i32
    %add3A_32 = arith.constant 2 : i32
    %add3A_33 = arith.addi %add3A_31, %add3A_32 : i32
    %dma_start3A_34 = arith.constant 8192 : i32
    %dma_start3A_35 = tpu.memref_slice %arg5[%dma_start3A_34] : memref<16384xi32, #tpu.memory_space<vmem>> -> memref<4096xi32, #tpu.memory_space<vmem>>
    %dma_start3A_36 = arith.constant 0 : i32
    %dma_start3A_37 = tpu.memref_slice %arg3[%add3A_33, %dma_start3A_36] : memref<16384x4096xi32, #tpu.memory_space<hbm>> -> memref<1x4096xi32, #tpu.memory_space<hbm>>
    %dma_start3A_38 = tpu.memref_squeeze %dma_start3A_37 : memref<1x4096xi32, #tpu.memory_space<hbm>> -> memref<4096xi32, #tpu.memory_space<hbm>>
    %dma_start3A_39 = arith.constant 8192 : i32
    %dma_start3A_40 = tpu.memref_slice %arg5[%dma_start3A_39] : memref<16384xi32, #tpu.memory_space<vmem>> -> memref<4096xi32, #tpu.memory_space<vmem>>
    %dma_start3A_41 = arith.constant 0 : i32
    %dma_start3A_42 = tpu.memref_slice %arg3[%add3A_33, %dma_start3A_41] : memref<16384x4096xi32, #tpu.memory_space<hbm>> -> memref<1x4096xi32, #tpu.memory_space<hbm>>
    %dma_start3A_43 = tpu.memref_squeeze %dma_start3A_42 : memref<1x4096xi32, #tpu.memory_space<hbm>> -> memref<4096xi32, #tpu.memory_space<hbm>>
    tpu.enqueue_dma source(%dma_start3A_43 : memref<4096xi32, #tpu.memory_space<hbm>>) target(%dma_start3A_40 : memref<4096xi32, #tpu.memory_space<vmem>>) target_semaphore(%arg15 : memref<!tpu.dma_semaphore, #tpu.memory_space<semaphore_mem>>)
    %add3A_44 = arith.constant 0 : i32
    %add3A_45 = arith.addi %mul3A_2, %add3A_44 : i32
    %add3A_46 = arith.constant 3 : i32
    %add3A_47 = arith.addi %add3A_45, %add3A_46 : i32
    %dma_start3A_48 = arith.constant 12288 : i32
    %dma_start3A_49 = tpu.memref_slice %arg5[%dma_start3A_48] : memref<16384xi32, #tpu.memory_space<vmem>> -> memref<4096xi32, #tpu.memory_space<vmem>>
    %dma_start3A_50 = arith.constant 0 : i32
    %dma_start3A_51 = tpu.memref_slice %arg3[%add3A_47, %dma_start3A_50] : memref<16384x4096xi32, #tpu.memory_space<hbm>> -> memref<1x4096xi32, #tpu.memory_space<hbm>>
    %dma_start3A_52 = tpu.memref_squeeze %dma_start3A_51 : memref<1x4096xi32, #tpu.memory_space<hbm>> -> memref<4096xi32, #tpu.memory_space<hbm>>
    %dma_start3A_53 = arith.constant 12288 : i32
    %dma_start3A_54 = tpu.memref_slice %arg5[%dma_start3A_53] : memref<16384xi32, #tpu.memory_space<vmem>> -> memref<4096xi32, #tpu.memory_space<vmem>>
    %dma_start3A_55 = arith.constant 0 : i32
    %dma_start3A_56 = tpu.memref_slice %arg3[%add3A_47, %dma_start3A_55] : memref<16384x4096xi32, #tpu.memory_space<hbm>> -> memref<1x4096xi32, #tpu.memory_space<hbm>>
    %dma_start3A_57 = tpu.memref_squeeze %dma_start3A_56 : memref<1x4096xi32, #tpu.memory_space<hbm>> -> memref<4096xi32, #tpu.memory_space<hbm>>
    tpu.enqueue_dma source(%dma_start3A_57 : memref<4096xi32, #tpu.memory_space<hbm>>) target(%dma_start3A_54 : memref<4096xi32, #tpu.memory_space<vmem>>) target_semaphore(%arg15 : memref<!tpu.dma_semaphore, #tpu.memory_space<semaphore_mem>>)
    %add3A_58 = arith.constant 4 : i32
    %add3A_59 = arith.addi %mul3A_2, %add3A_58 : i32
    %add3A_60 = arith.constant 0 : i32
    %add3A_61 = arith.addi %add3A_59, %add3A_60 : i32
    %dma_start3A_62 = arith.constant 0 : i32
    %dma_start3A_63 = tpu.memref_slice %arg6[%dma_start3A_62] : memref<16384xi32, #tpu.memory_space<vmem>> -> memref<4096xi32, #tpu.memory_space<vmem>>
    %dma_start3A_64 = arith.constant 0 : i32
    %dma_start3A_65 = tpu.memref_slice %arg3[%add3A_61, %dma_start3A_64] : memref<16384x4096xi32, #tpu.memory_space<hbm>> -> memref<1x4096xi32, #tpu.memory_space<hbm>>
    %dma_start3A_66 = tpu.memref_squeeze %dma_start3A_65 : memref<1x4096xi32, #tpu.memory_space<hbm>> -> memref<4096xi32, #tpu.memory_space<hbm>>
    %dma_start3A_67 = arith.constant 0 : i32
    %dma_start3A_68 = tpu.memref_slice %arg6[%dma_start3A_67] : memref<16384xi32, #tpu.memory_space<vmem>> -> memref<4096xi32, #tpu.memory_space<vmem>>
    %dma_start3A_69 = arith.constant 0 : i32
    %dma_start3A_70 = tpu.memref_slice %arg3[%add3A_61, %dma_start3A_69] : memref<16384x4096xi32, #tpu.memory_space<hbm>> -> memref<1x4096xi32, #tpu.memory_space<hbm>>
    %dma_start3A_71 = tpu.memref_squeeze %dma_start3A_70 : memref<1x4096xi32, #tpu.memory_space<hbm>> -> memref<4096xi32, #tpu.memory_space<hbm>>
    tpu.enqueue_dma source(%dma_start3A_71 : memref<4096xi32, #tpu.memory_space<hbm>>) target(%dma_start3A_68 : memref<4096xi32, #tpu.memory_space<vmem>>) target_semaphore(%arg15 : memref<!tpu.dma_semaphore, #tpu.memory_space<semaphore_mem>>)
    %add3A_72 = arith.constant 4 : i32
    %add3A_73 = arith.addi %mul3A_2, %add3A_72 : i32
    %add3A_74 = arith.constant 1 : i32
    %add3A_75 = arith.addi %add3A_73, %add3A_74 : i32
    %dma_start3A_76 = arith.constant 4096 : i32
    %dma_start3A_77 = tpu.memref_slice %arg6[%dma_start3A_76] : memref<16384xi32, #tpu.memory_space<vmem>> -> memref<4096xi32, #tpu.memory_space<vmem>>
    %dma_start3A_78 = arith.constant 0 : i32
    %dma_start3A_79 = tpu.memref_slice %arg3[%add3A_75, %dma_start3A_78] : memref<16384x4096xi32, #tpu.memory_space<hbm>> -> memref<1x4096xi32, #tpu.memory_space<hbm>>
    %dma_start3A_80 = tpu.memref_squeeze %dma_start3A_79 : memref<1x4096xi32, #tpu.memory_space<hbm>> -> memref<4096xi32, #tpu.memory_space<hbm>>
    %dma_start3A_81 = arith.constant 4096 : i32
    %dma_start3A_82 = tpu.memref_slice %arg6[%dma_start3A_81] : memref<16384xi32, #tpu.memory_space<vmem>> -> memref<4096xi32, #tpu.memory_space<vmem>>
    %dma_start3A_83 = arith.constant 0 : i32
    %dma_start3A_84 = tpu.memref_slice %arg3[%add3A_75, %dma_start3A_83] : memref<16384x4096xi32, #tpu.memory_space<hbm>> -> memref<1x4096xi32, #tpu.memory_space<hbm>>
    %dma_start3A_85 = tpu.memref_squeeze %dma_start3A_84 : memref<1x4096xi32, #tpu.memory_space<hbm>> -> memref<4096xi32, #tpu.memory_space<hbm>>
    tpu.enqueue_dma source(%dma_start3A_85 : memref<4096xi32, #tpu.memory_space<hbm>>) target(%dma_start3A_82 : memref<4096xi32, #tpu.memory_space<vmem>>) target_semaphore(%arg15 : memref<!tpu.dma_semaphore, #tpu.memory_space<semaphore_mem>>)
    %add3A_86 = arith.constant 4 : i32
    %add3A_87 = arith.addi %mul3A_2, %add3A_86 : i32
    %add3A_88 = arith.constant 2 : i32
    %add3A_89 = arith.addi %add3A_87, %add3A_88 : i32
    %dma_start3A_90 = arith.constant 8192 : i32
    %dma_start3A_91 = tpu.memref_slice %arg6[%dma_start3A_90] : memref<16384xi32, #tpu.memory_space<vmem>> -> memref<4096xi32, #tpu.memory_space<vmem>>
    %dma_start3A_92 = arith.constant 0 : i32
    %dma_start3A_93 = tpu.memref_slice %arg3[%add3A_89, %dma_start3A_92] : memref<16384x4096xi32, #tpu.memory_space<hbm>> -> memref<1x4096xi32, #tpu.memory_space<hbm>>
    %dma_start3A_94 = tpu.memref_squeeze %dma_start3A_93 : memref<1x4096xi32, #tpu.memory_space<hbm>> -> memref<4096xi32, #tpu.memory_space<hbm>>
    %dma_start3A_95 = arith.constant 8192 : i32
    %dma_start3A_96 = tpu.memref_slice %arg6[%dma_start3A_95] : memref<16384xi32, #tpu.memory_space<vmem>> -> memref<4096xi32, #tpu.memory_space<vmem>>
    %dma_start3A_97 = arith.constant 0 : i32
    %dma_start3A_98 = tpu.memref_slice %arg3[%add3A_89, %dma_start3A_97] : memref<16384x4096xi32, #tpu.memory_space<hbm>> -> memref<1x4096xi32, #tpu.memory_space<hbm>>
    %dma_start3A_99 = tpu.memref_squeeze %dma_start3A_98 : memref<1x4096xi32, #tpu.memory_space<hbm>> -> memref<4096xi32, #tpu.memory_space<hbm>>
    tpu.enqueue_dma source(%dma_start3A_99 : memref<4096xi32, #tpu.memory_space<hbm>>) target(%dma_start3A_96 : memref<4096xi32, #tpu.memory_space<vmem>>) target_semaphore(%arg15 : memref<!tpu.dma_semaphore, #tpu.memory_space<semaphore_mem>>)
    %add3A_100 = arith.constant 4 : i32
    %add3A_101 = arith.addi %mul3A_2, %add3A_100 : i32
    %add3A_102 = arith.constant 3 : i32
    %add3A_103 = arith.addi %add3A_101, %add3A_102 : i32
    %dma_start3A_104 = arith.constant 12288 : i32
    %dma_start3A_105 = tpu.memref_slice %arg6[%dma_start3A_104] : memref<16384xi32, #tpu.memory_space<vmem>> -> memref<4096xi32, #tpu.memory_space<vmem>>
    %dma_start3A_106 = arith.constant 0 : i32
    %dma_start3A_107 = tpu.memref_slice %arg3[%add3A_103, %dma_start3A_106] : memref<16384x4096xi32, #tpu.memory_space<hbm>> -> memref<1x4096xi32, #tpu.memory_space<hbm>>
    %dma_start3A_108 = tpu.memref_squeeze %dma_start3A_107 : memref<1x4096xi32, #tpu.memory_space<hbm>> -> memref<4096xi32, #tpu.memory_space<hbm>>
    %dma_start3A_109 = arith.constant 12288 : i32
    %dma_start3A_110 = tpu.memref_slice %arg6[%dma_start3A_109] : memref<16384xi32, #tpu.memory_space<vmem>> -> memref<4096xi32, #tpu.memory_space<vmem>>
    %dma_start3A_111 = arith.constant 0 : i32
    %dma_start3A_112 = tpu.memref_slice %arg3[%add3A_103, %dma_start3A_111] : memref<16384x4096xi32, #tpu.memory_space<hbm>> -> memref<1x4096xi32, #tpu.memory_space<hbm>>
    %dma_start3A_113 = tpu.memref_squeeze %dma_start3A_112 : memref<1x4096xi32, #tpu.memory_space<hbm>> -> memref<4096xi32, #tpu.memory_space<hbm>>
    tpu.enqueue_dma source(%dma_start3A_113 : memref<4096xi32, #tpu.memory_space<hbm>>) target(%dma_start3A_110 : memref<4096xi32, #tpu.memory_space<vmem>>) target_semaphore(%arg15 : memref<!tpu.dma_semaphore, #tpu.memory_space<semaphore_mem>>)
    %add3A_114 = arith.constant 0 : i32
    %add3A_115 = arith.addi %mul3A_2, %add3A_114 : i32
    %add3A_116 = arith.constant 0 : i32
    %add3A_117 = arith.addi %add3A_115, %add3A_116 : i32
    %dma_wait3A = arith.constant 0 : i32
    %dma_wait3A_118 = tpu.memref_slice %arg5[%dma_wait3A] : memref<16384xi32, #tpu.memory_space<vmem>> -> memref<4096xi32, #tpu.memory_space<vmem>>
    %dma_wait3A_119 = arith.constant 0 : i32
    %dma_wait3A_120 = tpu.memref_slice %arg3[%add3A_117, %dma_wait3A_119] : memref<16384x4096xi32, #tpu.memory_space<hbm>> -> memref<1x4096xi32, #tpu.memory_space<hbm>>
    %dma_wait3A_121 = tpu.memref_squeeze %dma_wait3A_120 : memref<1x4096xi32, #tpu.memory_space<hbm>> -> memref<4096xi32, #tpu.memory_space<hbm>>
    %dma_wait3A_122 = arith.constant 0 : i32
    %dma_wait3A_123 = tpu.memref_slice %arg5[%dma_wait3A_122] : memref<16384xi32, #tpu.memory_space<vmem>> -> memref<4096xi32, #tpu.memory_space<vmem>>
    %dma_wait3A_124 = arith.constant 0 : i32
    %dma_wait3A_125 = tpu.memref_slice %arg3[%add3A_117, %dma_wait3A_124] : memref<16384x4096xi32, #tpu.memory_space<hbm>> -> memref<1x4096xi32, #tpu.memory_space<hbm>>
    %dma_wait3A_126 = tpu.memref_squeeze %dma_wait3A_125 : memref<1x4096xi32, #tpu.memory_space<hbm>> -> memref<4096xi32, #tpu.memory_space<hbm>>
    tpu.wait_dma2 semaphore(%arg15 : memref<!tpu.dma_semaphore, #tpu.memory_space<semaphore_mem>>) src(%dma_wait3A_126 : memref<4096xi32, #tpu.memory_space<hbm>>) dst(%dma_wait3A_123 : memref<4096xi32, #tpu.memory_space<vmem>>)
    %add3A_127 = arith.constant 0 : i32
    %add3A_128 = arith.addi %mul3A_2, %add3A_127 : i32
    %add3A_129 = arith.constant 1 : i32
    %add3A_130 = arith.addi %add3A_128, %add3A_129 : i32
    %dma_wait3A_131 = arith.constant 4096 : i32
    %dma_wait3A_132 = tpu.memref_slice %arg5[%dma_wait3A_131] : memref<16384xi32, #tpu.memory_space<vmem>> -> memref<4096xi32, #tpu.memory_space<vmem>>
    %dma_wait3A_133 = arith.constant 0 : i32
    %dma_wait3A_134 = tpu.memref_slice %arg3[%add3A_130, %dma_wait3A_133] : memref<16384x4096xi32, #tpu.memory_space<hbm>> -> memref<1x4096xi32, #tpu.memory_space<hbm>>
    %dma_wait3A_135 = tpu.memref_squeeze %dma_wait3A_134 : memref<1x4096xi32, #tpu.memory_space<hbm>> -> memref<4096xi32, #tpu.memory_space<hbm>>
    %dma_wait3A_136 = arith.constant 4096 : i32
    %dma_wait3A_137 = tpu.memref_slice %arg5[%dma_wait3A_136] : memref<16384xi32, #tpu.memory_space<vmem>> -> memref<4096xi32, #tpu.memory_space<vmem>>
    %dma_wait3A_138 = arith.constant 0 : i32
    %dma_wait3A_139 = tpu.memref_slice %arg3[%add3A_130, %dma_wait3A_138] : memref<16384x4096xi32, #tpu.memory_space<hbm>> -> memref<1x4096xi32, #tpu.memory_space<hbm>>
    %dma_wait3A_140 = tpu.memref_squeeze %dma_wait3A_139 : memref<1x4096xi32, #tpu.memory_space<hbm>> -> memref<4096xi32, #tpu.memory_space<hbm>>
    tpu.wait_dma2 semaphore(%arg15 : memref<!tpu.dma_semaphore, #tpu.memory_space<semaphore_mem>>) src(%dma_wait3A_140 : memref<4096xi32, #tpu.memory_space<hbm>>) dst(%dma_wait3A_137 : memref<4096xi32, #tpu.memory_space<vmem>>)
    %add3A_141 = arith.constant 0 : i32
    %add3A_142 = arith.addi %mul3A_2, %add3A_141 : i32
    %add3A_143 = arith.constant 2 : i32
    %add3A_144 = arith.addi %add3A_142, %add3A_143 : i32
    %dma_wait3A_145 = arith.constant 8192 : i32
    %dma_wait3A_146 = tpu.memref_slice %arg5[%dma_wait3A_145] : memref<16384xi32, #tpu.memory_space<vmem>> -> memref<4096xi32, #tpu.memory_space<vmem>>
    %dma_wait3A_147 = arith.constant 0 : i32
    %dma_wait3A_148 = tpu.memref_slice %arg3[%add3A_144, %dma_wait3A_147] : memref<16384x4096xi32, #tpu.memory_space<hbm>> -> memref<1x4096xi32, #tpu.memory_space<hbm>>
    %dma_wait3A_149 = tpu.memref_squeeze %dma_wait3A_148 : memref<1x4096xi32, #tpu.memory_space<hbm>> -> memref<4096xi32, #tpu.memory_space<hbm>>
    %dma_wait3A_150 = arith.constant 8192 : i32
    %dma_wait3A_151 = tpu.memref_slice %arg5[%dma_wait3A_150] : memref<16384xi32, #tpu.memory_space<vmem>> -> memref<4096xi32, #tpu.memory_space<vmem>>
    %dma_wait3A_152 = arith.constant 0 : i32
    %dma_wait3A_153 = tpu.memref_slice %arg3[%add3A_144, %dma_wait3A_152] : memref<16384x4096xi32, #tpu.memory_space<hbm>> -> memref<1x4096xi32, #tpu.memory_space<hbm>>
    %dma_wait3A_154 = tpu.memref_squeeze %dma_wait3A_153 : memref<1x4096xi32, #tpu.memory_space<hbm>> -> memref<4096xi32, #tpu.memory_space<hbm>>
    tpu.wait_dma2 semaphore(%arg15 : memref<!tpu.dma_semaphore, #tpu.memory_space<semaphore_mem>>) src(%dma_wait3A_154 : memref<4096xi32, #tpu.memory_space<hbm>>) dst(%dma_wait3A_151 : memref<4096xi32, #tpu.memory_space<vmem>>)
    %add3A_155 = arith.constant 0 : i32
    %add3A_156 = arith.addi %mul3A_2, %add3A_155 : i32
    %add3A_157 = arith.constant 3 : i32
    %add3A_158 = arith.addi %add3A_156, %add3A_157 : i32
    %dma_wait3A_159 = arith.constant 12288 : i32
    %dma_wait3A_160 = tpu.memref_slice %arg5[%dma_wait3A_159] : memref<16384xi32, #tpu.memory_space<vmem>> -> memref<4096xi32, #tpu.memory_space<vmem>>
    %dma_wait3A_161 = arith.constant 0 : i32
    %dma_wait3A_162 = tpu.memref_slice %arg3[%add3A_158, %dma_wait3A_161] : memref<16384x4096xi32, #tpu.memory_space<hbm>> -> memref<1x4096xi32, #tpu.memory_space<hbm>>
    %dma_wait3A_163 = tpu.memref_squeeze %dma_wait3A_162 : memref<1x4096xi32, #tpu.memory_space<hbm>> -> memref<4096xi32, #tpu.memory_space<hbm>>
    %dma_wait3A_164 = arith.constant 12288 : i32
    %dma_wait3A_165 = tpu.memref_slice %arg5[%dma_wait3A_164] : memref<16384xi32, #tpu.memory_space<vmem>> -> memref<4096xi32, #tpu.memory_space<vmem>>
    %dma_wait3A_166 = arith.constant 0 : i32
    %dma_wait3A_167 = tpu.memref_slice %arg3[%add3A_158, %dma_wait3A_166] : memref<16384x4096xi32, #tpu.memory_space<hbm>> -> memref<1x4096xi32, #tpu.memory_space<hbm>>
    %dma_wait3A_168 = tpu.memref_squeeze %dma_wait3A_167 : memref<1x4096xi32, #tpu.memory_space<hbm>> -> memref<4096xi32, #tpu.memory_space<hbm>>
    tpu.wait_dma2 semaphore(%arg15 : memref<!tpu.dma_semaphore, #tpu.memory_space<semaphore_mem>>) src(%dma_wait3A_168 : memref<4096xi32, #tpu.memory_space<hbm>>) dst(%dma_wait3A_165 : memref<4096xi32, #tpu.memory_space<vmem>>)
    %scan3A = arith.constant 0 : i32
    %scan3A_169 = arith.constant 0 : i32
    %scan3A_170 = arith.constant 512 : i32
    %scan3A_171 = arith.addi %scan3A_169, %scan3A_170 : i32
    %scan3A_172 = arith.constant 8 : i32
    scf.for %scan3A_240 = %scan3A_169 to %scan3A_171 step %scan3A_172  : i32 {
      %rem3A = arith.constant 256 : i32
      %rem3A_241 = arith.remsi %scan3A_240, %rem3A : i32
      %shift_left3A = arith.constant 4 : i32
      %shift_left3A_242 = arith.shli %rem3A_241, %shift_left3A : i32
      %add3A_243 = vector.broadcast %shift_left3A_242 : i32 to vector<16xi32>
      %add3A_244 = arith.addi %add3A_243, %iota3A : vector<16xi32>
      %mul3A_245 = arith.constant 16 : i32
      %mul3A_246 = arith.muli %scan3A_240, %mul3A_245 : i32
      %get3A = arith.index_cast %mul3A_246 : i32 to index
      %get3A_247 = tpu.vector_load %arg5[%get3A] {strides = array<i32>} : memref<16384xi32, #tpu.memory_space<vmem>>, vector<16xi32>,
      %get3A_248 = vector.shape_cast %get3A_247 : vector<16xi32> to vector<16xi32>
      %shift_left3A_249 = arith.constant 12 : i32
      %shift_left3A_250 = vector.broadcast %shift_left3A_249 : i32 to vector<16xi32>
      %shift_left3A_251 = arith.shli %get3A_248, %shift_left3A_250 : vector<16xi32>
      %or3A = arith.ori %shift_left3A_251, %add3A_244 : vector<16xi32>
      %mul3A_252 = arith.constant 16 : i32
      %mul3A_253 = arith.muli %scan3A_240, %mul3A_252 : i32
      %swap3A = arith.index_cast %mul3A_253 : i32 to index
      %swap3A_254 = tpu.vector_load %arg7[%swap3A] {strides = array<i32>} : memref<8192xi32, #tpu.memory_space<vmem>>, vector<16xi32>,
      %swap3A_255 = vector.shape_cast %swap3A_254 : vector<16xi32> to vector<16xi32>
      %swap3A_256 = vector.shape_cast %or3A : vector<16xi32> to vector<16xi32>
      tpu.vector_store %arg7[%swap3A], %swap3A_256 {strides = array<i32>} : memref<8192xi32, #tpu.memory_space<vmem>>, vector<16xi32>,
      %mul3A_257 = arith.constant 16 : i32
      %mul3A_258 = arith.muli %scan3A_240, %mul3A_257 : i32
      %add3A_259 = arith.constant 8192 : i32
      %add3A_260 = arith.addi %add3A_259, %mul3A_258 : i32
      %get3A_261 = arith.index_cast %add3A_260 : i32 to index
      %get3A_262 = tpu.vector_load %arg5[%get3A_261] {strides = array<i32>} : memref<16384xi32, #tpu.memory_space<vmem>>, vector<16xi32>,
      %get3A_263 = vector.shape_cast %get3A_262 : vector<16xi32> to vector<16xi32>
      %shift_left3A_264 = arith.constant 12 : i32
      %shift_left3A_265 = vector.broadcast %shift_left3A_264 : i32 to vector<16xi32>
      %shift_left3A_266 = arith.shli %get3A_263, %shift_left3A_265 : vector<16xi32>
      %or3A_267 = arith.ori %shift_left3A_266, %add3A_244 : vector<16xi32>
      %mul3A_268 = arith.constant 16 : i32
      %mul3A_269 = arith.muli %scan3A_240, %mul3A_268 : i32
      %swap3A_270 = arith.index_cast %mul3A_269 : i32 to index
      %swap3A_271 = tpu.vector_load %arg8[%swap3A_270] {strides = array<i32>} : memref<8192xi32, #tpu.memory_space<vmem>>, vector<16xi32>,
      %swap3A_272 = vector.shape_cast %swap3A_271 : vector<16xi32> to vector<16xi32>
      %swap3A_273 = vector.shape_cast %or3A_267 : vector<16xi32> to vector<16xi32>
      tpu.vector_store %arg8[%swap3A_270], %swap3A_273 {strides = array<i32>} : memref<8192xi32, #tpu.memory_space<vmem>>, vector<16xi32>,
      %scan3A_274 = arith.constant 1 : i32
      %scan3A_275 = arith.addi %scan3A_240, %scan3A_274 : i32
      %rem3A_276 = arith.constant 256 : i32
      %rem3A_277 = arith.remsi %scan3A_275, %rem3A_276 : i32
      %shift_left3A_278 = arith.constant 4 : i32
      %shift_left3A_279 = arith.shli %rem3A_277, %shift_left3A_278 : i32
      %add3A_280 = vector.broadcast %shift_left3A_279 : i32 to vector<16xi32>
      %add3A_281 = arith.addi %add3A_280, %iota3A : vector<16xi32>
      %mul3A_282 = arith.constant 16 : i32
      %mul3A_283 = arith.muli %scan3A_275, %mul3A_282 : i32
      %get3A_284 = arith.index_cast %mul3A_283 : i32 to index
      %get3A_285 = tpu.vector_load %arg5[%get3A_284] {strides = array<i32>} : memref<16384xi32, #tpu.memory_space<vmem>>, vector<16xi32>,
      %get3A_286 = vector.shape_cast %get3A_285 : vector<16xi32> to vector<16xi32>
      %shift_left3A_287 = arith.constant 12 : i32
      %shift_left3A_288 = vector.broadcast %shift_left3A_287 : i32 to vector<16xi32>
      %shift_left3A_289 = arith.shli %get3A_286, %shift_left3A_288 : vector<16xi32>
      %or3A_290 = arith.ori %shift_left3A_289, %add3A_281 : vector<16xi32>
      %mul3A_291 = arith.constant 16 : i32
      %mul3A_292 = arith.muli %scan3A_275, %mul3A_291 : i32
      %swap3A_293 = arith.index_cast %mul3A_292 : i32 to index
      %swap3A_294 = tpu.vector_load %arg7[%swap3A_293] {strides = array<i32>} : memref<8192xi32, #tpu.memory_space<vmem>>, vector<16xi32>,
      %swap3A_295 = vector.shape_cast %swap3A_294 : vector<16xi32> to vector<16xi32>
      %swap3A_296 = vector.shape_cast %or3A_290 : vector<16xi32> to vector<16xi32>
      tpu.vector_store %arg7[%swap3A_293], %swap3A_296 {strides = array<i32>} : memref<8192xi32, #tpu.memory_space<vmem>>, vector<16xi32>,
      %mul3A_297 = arith.constant 16 : i32
      %mul3A_298 = arith.muli %scan3A_275, %mul3A_297 : i32
      %add3A_299 = arith.constant 8192 : i32
      %add3A_300 = arith.addi %add3A_299, %mul3A_298 : i32
      %get3A_301 = arith.index_cast %add3A_300 : i32 to index
      %get3A_302 = tpu.vector_load %arg5[%get3A_301] {strides = array<i32>} : memref<16384xi32, #tpu.memory_space<vmem>>, vector<16xi32>,
      %get3A_303 = vector.shape_cast %get3A_302 : vector<16xi32> to vector<16xi32>
      %shift_left3A_304 = arith.constant 12 : i32
      %shift_left3A_305 = vector.broadcast %shift_left3A_304 : i32 to vector<16xi32>
      %shift_left3A_306 = arith.shli %get3A_303, %shift_left3A_305 : vector<16xi32>
      %or3A_307 = arith.ori %shift_left3A_306, %add3A_281 : vector<16xi32>
      %mul3A_308 = arith.constant 16 : i32
      %mul3A_309 = arith.muli %scan3A_275, %mul3A_308 : i32
      %swap3A_310 = arith.index_cast %mul3A_309 : i32 to index
      %swap3A_311 = tpu.vector_load %arg8[%swap3A_310] {strides = array<i32>} : memref<8192xi32, #tpu.memory_space<vmem>>, vector<16xi32>,
      %swap3A_312 = vector.shape_cast %swap3A_311 : vector<16xi32> to vector<16xi32>
      %swap3A_313 = vector.shape_cast %or3A_307 : vector<16xi32> to vector<16xi32>
      tpu.vector_store %arg8[%swap3A_310], %swap3A_313 {strides = array<i32>} : memref<8192xi32, #tpu.memory_space<vmem>>, vector<16xi32>,
      %scan3A_314 = arith.constant 2 : i32
      %scan3A_315 = arith.addi %scan3A_240, %scan3A_314 : i32
      %rem3A_316 = arith.constant 256 : i32
      %rem3A_317 = arith.remsi %scan3A_315, %rem3A_316 : i32
      %shift_left3A_318 = arith.constant 4 : i32
      %shift_left3A_319 = arith.shli %rem3A_317, %shift_left3A_318 : i32
      %add3A_320 = vector.broadcast %shift_left3A_319 : i32 to vector<16xi32>
      %add3A_321 = arith.addi %add3A_320, %iota3A : vector<16xi32>
      %mul3A_322 = arith.constant 16 : i32
      %mul3A_323 = arith.muli %scan3A_315, %mul3A_322 : i32
      %get3A_324 = arith.index_cast %mul3A_323 : i32 to index
      %get3A_325 = tpu.vector_load %arg5[%get3A_324] {strides = array<i32>} : memref<16384xi32, #tpu.memory_space<vmem>>, vector<16xi32>,
      %get3A_326 = vector.shape_cast %get3A_325 : vector<16xi32> to vector<16xi32>
      %shift_left3A_327 = arith.constant 12 : i32
      %shift_left3A_328 = vector.broadcast %shift_left3A_327 : i32 to vector<16xi32>
      %shift_left3A_329 = arith.shli %get3A_326, %shift_left3A_328 : vector<16xi32>
      %or3A_330 = arith.ori %shift_left3A_329, %add3A_321 : vector<16xi32>
      %mul3A_331 = arith.constant 16 : i32
      %mul3A_332 = arith.muli %scan3A_315, %mul3A_331 : i32
      %swap3A_333 = arith.index_cast %mul3A_332 : i32 to index
      %swap3A_334 = tpu.vector_load %arg7[%swap3A_333] {strides = array<i32>} : memref<8192xi32, #tpu.memory_space<vmem>>, vector<16xi32>,
      %swap3A_335 = vector.shape_cast %swap3A_334 : vector<16xi32> to vector<16xi32>
      %swap3A_336 = vector.shape_cast %or3A_330 : vector<16xi32> to vector<16xi32>
      tpu.vector_store %arg7[%swap3A_333], %swap3A_336 {strides = array<i32>} : memref<8192xi32, #tpu.memory_space<vmem>>, vector<16xi32>,
      %mul3A_337 = arith.constant 16 : i32
      %mul3A_338 = arith.muli %scan3A_315, %mul3A_337 : i32
      %add3A_339 = arith.constant 8192 : i32
      %add3A_340 = arith.addi %add3A_339, %mul3A_338 : i32
      %get3A_341 = arith.index_cast %add3A_340 : i32 to index
      %get3A_342 = tpu.vector_load %arg5[%get3A_341] {strides = array<i32>} : memref<16384xi32, #tpu.memory_space<vmem>>, vector<16xi32>,
      %get3A_343 = vector.shape_cast %get3A_342 : vector<16xi32> to vector<16xi32>
      %shift_left3A_344 = arith.constant 12 : i32
      %shift_left3A_345 = vector.broadcast %shift_left3A_344 : i32 to vector<16xi32>
      %shift_left3A_346 = arith.shli %get3A_343, %shift_left3A_345 : vector<16xi32>
      %or3A_347 = arith.ori %shift_left3A_346, %add3A_321 : vector<16xi32>
      %mul3A_348 = arith.constant 16 : i32
      %mul3A_349 = arith.muli %scan3A_315, %mul3A_348 : i32
      %swap3A_350 = arith.index_cast %mul3A_349 : i32 to index
      %swap3A_351 = tpu.vector_load %arg8[%swap3A_350] {strides = array<i32>} : memref<8192xi32, #tpu.memory_space<vmem>>, vector<16xi32>,
      %swap3A_352 = vector.shape_cast %swap3A_351 : vector<16xi32> to vector<16xi32>
      %swap3A_353 = vector.shape_cast %or3A_347 : vector<16xi32> to vector<16xi32>
      tpu.vector_store %arg8[%swap3A_350], %swap3A_353 {strides = array<i32>} : memref<8192xi32, #tpu.memory_space<vmem>>, vector<16xi32>,
      %scan3A_354 = arith.constant 3 : i32
      %scan3A_355 = arith.addi %scan3A_240, %scan3A_354 : i32
      %rem3A_356 = arith.constant 256 : i32
      %rem3A_357 = arith.remsi %scan3A_355, %rem3A_356 : i32
      %shift_left3A_358 = arith.constant 4 : i32
      %shift_left3A_359 = arith.shli %rem3A_357, %shift_left3A_358 : i32
      %add3A_360 = vector.broadcast %shift_left3A_359 : i32 to vector<16xi32>
      %add3A_361 = arith.addi %add3A_360, %iota3A : vector<16xi32>
      %mul3A_362 = arith.constant 16 : i32
      %mul3A_363 = arith.muli %scan3A_355, %mul3A_362 : i32
      %get3A_364 = arith.index_cast %mul3A_363 : i32 to index
      %get3A_365 = tpu.vector_load %arg5[%get3A_364] {strides = array<i32>} : memref<16384xi32, #tpu.memory_space<vmem>>, vector<16xi32>,
      %get3A_366 = vector.shape_cast %get3A_365 : vector<16xi32> to vector<16xi32>
      %shift_left3A_367 = arith.constant 12 : i32
      %shift_left3A_368 = vector.broadcast %shift_left3A_367 : i32 to vector<16xi32>
      %shift_left3A_369 = arith.shli %get3A_366, %shift_left3A_368 : vector<16xi32>
      %or3A_370 = arith.ori %shift_left3A_369, %add3A_361 : vector<16xi32>
      %mul3A_371 = arith.constant 16 : i32
      %mul3A_372 = arith.muli %scan3A_355, %mul3A_371 : i32
      %swap3A_373 = arith.index_cast %mul3A_372 : i32 to index
      %swap3A_374 = tpu.vector_load %arg7[%swap3A_373] {strides = array<i32>} : memref<8192xi32, #tpu.memory_space<vmem>>, vector<16xi32>,
      %swap3A_375 = vector.shape_cast %swap3A_374 : vector<16xi32> to vector<16xi32>
      %swap3A_376 = vector.shape_cast %or3A_370 : vector<16xi32> to vector<16xi32>
      tpu.vector_store %arg7[%swap3A_373], %swap3A_376 {strides = array<i32>} : memref<8192xi32, #tpu.memory_space<vmem>>, vector<16xi32>,
      %mul3A_377 = arith.constant 16 : i32
      %mul3A_378 = arith.muli %scan3A_355, %mul3A_377 : i32
      %add3A_379 = arith.constant 8192 : i32
      %add3A_380 = arith.addi %add3A_379, %mul3A_378 : i32
      %get3A_381 = arith.index_cast %add3A_380 : i32 to index
      %get3A_382 = tpu.vector_load %arg5[%get3A_381] {strides = array<i32>} : memref<16384xi32, #tpu.memory_space<vmem>>, vector<16xi32>,
      %get3A_383 = vector.shape_cast %get3A_382 : vector<16xi32> to vector<16xi32>
      %shift_left3A_384 = arith.constant 12 : i32
      %shift_left3A_385 = vector.broadcast %shift_left3A_384 : i32 to vector<16xi32>
      %shift_left3A_386 = arith.shli %get3A_383, %shift_left3A_385 : vector<16xi32>
      %or3A_387 = arith.ori %shift_left3A_386, %add3A_361 : vector<16xi32>
      %mul3A_388 = arith.constant 16 : i32
      %mul3A_389 = arith.muli %scan3A_355, %mul3A_388 : i32
      %swap3A_390 = arith.index_cast %mul3A_389 : i32 to index
      %swap3A_391 = tpu.vector_load %arg8[%swap3A_390] {strides = array<i32>} : memref<8192xi32, #tpu.memory_space<vmem>>, vector<16xi32>,
      %swap3A_392 = vector.shape_cast %swap3A_391 : vector<16xi32> to vector<16xi32>
      %swap3A_393 = vector.shape_cast %or3A_387 : vector<16xi32> to vector<16xi32>
      tpu.vector_store %arg8[%swap3A_390], %swap3A_393 {strides = array<i32>} : memref<8192xi32, #tpu.memory_space<vmem>>, vector<16xi32>,
      %scan3A_394 = arith.constant 4 : i32
      %scan3A_395 = arith.addi %scan3A_240, %scan3A_394 : i32
      %rem3A_396 = arith.constant 256 : i32
      %rem3A_397 = arith.remsi %scan3A_395, %rem3A_396 : i32
      %shift_left3A_398 = arith.constant 4 : i32
      %shift_left3A_399 = arith.shli %rem3A_397, %shift_left3A_398 : i32
      %add3A_400 = vector.broadcast %shift_left3A_399 : i32 to vector<16xi32>
      %add3A_401 = arith.addi %add3A_400, %iota3A : vector<16xi32>
      %mul3A_402 = arith.constant 16 : i32
      %mul3A_403 = arith.muli %scan3A_395, %mul3A_402 : i32
      %get3A_404 = arith.index_cast %mul3A_403 : i32 to index
      %get3A_405 = tpu.vector_load %arg5[%get3A_404] {strides = array<i32>} : memref<16384xi32, #tpu.memory_space<vmem>>, vector<16xi32>,
      %get3A_406 = vector.shape_cast %get3A_405 : vector<16xi32> to vector<16xi32>
      %shift_left3A_407 = arith.constant 12 : i32
      %shift_left3A_408 = vector.broadcast %shift_left3A_407 : i32 to vector<16xi32>
      %shift_left3A_409 = arith.shli %get3A_406, %shift_left3A_408 : vector<16xi32>
      %or3A_410 = arith.ori %shift_left3A_409, %add3A_401 : vector<16xi32>
      %mul3A_411 = arith.constant 16 : i32
      %mul3A_412 = arith.muli %scan3A_395, %mul3A_411 : i32
      %swap3A_413 = arith.index_cast %mul3A_412 : i32 to index
      %swap3A_414 = tpu.vector_load %arg7[%swap3A_413] {strides = array<i32>} : memref<8192xi32, #tpu.memory_space<vmem>>, vector<16xi32>,
      %swap3A_415 = vector.shape_cast %swap3A_414 : vector<16xi32> to vector<16xi32>
      %swap3A_416 = vector.shape_cast %or3A_410 : vector<16xi32> to vector<16xi32>
      tpu.vector_store %arg7[%swap3A_413], %swap3A_416 {strides = array<i32>} : memref<8192xi32, #tpu.memory_space<vmem>>, vector<16xi32>,
      %mul3A_417 = arith.constant 16 : i32
      %mul3A_418 = arith.muli %scan3A_395, %mul3A_417 : i32
      %add3A_419 = arith.constant 8192 : i32
      %add3A_420 = arith.addi %add3A_419, %mul3A_418 : i32
      %get3A_421 = arith.index_cast %add3A_420 : i32 to index
      %get3A_422 = tpu.vector_load %arg5[%get3A_421] {strides = array<i32>} : memref<16384xi32, #tpu.memory_space<vmem>>, vector<16xi32>,
      %get3A_423 = vector.shape_cast %get3A_422 : vector<16xi32> to vector<16xi32>
      %shift_left3A_424 = arith.constant 12 : i32
      %shift_left3A_425 = vector.broadcast %shift_left3A_424 : i32 to vector<16xi32>
      %shift_left3A_426 = arith.shli %get3A_423, %shift_left3A_425 : vector<16xi32>
      %or3A_427 = arith.ori %shift_left3A_426, %add3A_401 : vector<16xi32>
      %mul3A_428 = arith.constant 16 : i32
      %mul3A_429 = arith.muli %scan3A_395, %mul3A_428 : i32
      %swap3A_430 = arith.index_cast %mul3A_429 : i32 to index
      %swap3A_431 = tpu.vector_load %arg8[%swap3A_430] {strides = array<i32>} : memref<8192xi32, #tpu.memory_space<vmem>>, vector<16xi32>,
      %swap3A_432 = vector.shape_cast %swap3A_431 : vector<16xi32> to vector<16xi32>
      %swap3A_433 = vector.shape_cast %or3A_427 : vector<16xi32> to vector<16xi32>
      tpu.vector_store %arg8[%swap3A_430], %swap3A_433 {strides = array<i32>} : memref<8192xi32, #tpu.memory_space<vmem>>, vector<16xi32>,
      %scan3A_434 = arith.constant 5 : i32
      %scan3A_435 = arith.addi %scan3A_240, %scan3A_434 : i32
      %rem3A_436 = arith.constant 256 : i32
      %rem3A_437 = arith.remsi %scan3A_435, %rem3A_436 : i32
      %shift_left3A_438 = arith.constant 4 : i32
      %shift_left3A_439 = arith.shli %rem3A_437, %shift_left3A_438 : i32
      %add3A_440 = vector.broadcast %shift_left3A_439 : i32 to vector<16xi32>
      %add3A_441 = arith.addi %add3A_440, %iota3A : vector<16xi32>
      %mul3A_442 = arith.constant 16 : i32
      %mul3A_443 = arith.muli %scan3A_435, %mul3A_442 : i32
      %get3A_444 = arith.index_cast %mul3A_443 : i32 to index
      %get3A_445 = tpu.vector_load %arg5[%get3A_444] {strides = array<i32>} : memref<16384xi32, #tpu.memory_space<vmem>>, vector<16xi32>,
      %get3A_446 = vector.shape_cast %get3A_445 : vector<16xi32> to vector<16xi32>
      %shift_left3A_447 = arith.constant 12 : i32
      %shift_left3A_448 = vector.broadcast %shift_left3A_447 : i32 to vector<16xi32>
      %shift_left3A_449 = arith.shli %get3A_446, %shift_left3A_448 : vector<16xi32>
      %or3A_450 = arith.ori %shift_left3A_449, %add3A_441 : vector<16xi32>
      %mul3A_451 = arith.constant 16 : i32
      %mul3A_452 = arith.muli %scan3A_435, %mul3A_451 : i32
      %swap3A_453 = arith.index_cast %mul3A_452 : i32 to index
      %swap3A_454 = tpu.vector_load %arg7[%swap3A_453] {strides = array<i32>} : memref<8192xi32, #tpu.memory_space<vmem>>, vector<16xi32>,
      %swap3A_455 = vector.shape_cast %swap3A_454 : vector<16xi32> to vector<16xi32>
      %swap3A_456 = vector.shape_cast %or3A_450 : vector<16xi32> to vector<16xi32>
      tpu.vector_store %arg7[%swap3A_453], %swap3A_456 {strides = array<i32>} : memref<8192xi32, #tpu.memory_space<vmem>>, vector<16xi32>,
      %mul3A_457 = arith.constant 16 : i32
      %mul3A_458 = arith.muli %scan3A_435, %mul3A_457 : i32
      %add3A_459 = arith.constant 8192 : i32
      %add3A_460 = arith.addi %add3A_459, %mul3A_458 : i32
      %get3A_461 = arith.index_cast %add3A_460 : i32 to index
      %get3A_462 = tpu.vector_load %arg5[%get3A_461] {strides = array<i32>} : memref<16384xi32, #tpu.memory_space<vmem>>, vector<16xi32>,
      %get3A_463 = vector.shape_cast %get3A_462 : vector<16xi32> to vector<16xi32>
      %shift_left3A_464 = arith.constant 12 : i32
      %shift_left3A_465 = vector.broadcast %shift_left3A_464 : i32 to vector<16xi32>
      %shift_left3A_466 = arith.shli %get3A_463, %shift_left3A_465 : vector<16xi32>
      %or3A_467 = arith.ori %shift_left3A_466, %add3A_441 : vector<16xi32>
      %mul3A_468 = arith.constant 16 : i32
      %mul3A_469 = arith.muli %scan3A_435, %mul3A_468 : i32
      %swap3A_470 = arith.index_cast %mul3A_469 : i32 to index
      %swap3A_471 = tpu.vector_load %arg8[%swap3A_470] {strides = array<i32>} : memref<8192xi32, #tpu.memory_space<vmem>>, vector<16xi32>,
      %swap3A_472 = vector.shape_cast %swap3A_471 : vector<16xi32> to vector<16xi32>
      %swap3A_473 = vector.shape_cast %or3A_467 : vector<16xi32> to vector<16xi32>
      tpu.vector_store %arg8[%swap3A_470], %swap3A_473 {strides = array<i32>} : memref<8192xi32, #tpu.memory_space<vmem>>, vector<16xi32>,
      %scan3A_474 = arith.constant 6 : i32
      %scan3A_475 = arith.addi %scan3A_240, %scan3A_474 : i32
      %rem3A_476 = arith.constant 256 : i32
      %rem3A_477 = arith.remsi %scan3A_475, %rem3A_476 : i32
      %shift_left3A_478 = arith.constant 4 : i32
      %shift_left3A_479 = arith.shli %rem3A_477, %shift_left3A_478 : i32
      %add3A_480 = vector.broadcast %shift_left3A_479 : i32 to vector<16xi32>
      %add3A_481 = arith.addi %add3A_480, %iota3A : vector<16xi32>
      %mul3A_482 = arith.constant 16 : i32
      %mul3A_483 = arith.muli %scan3A_475, %mul3A_482 : i32
      %get3A_484 = arith.index_cast %mul3A_483 : i32 to index
      %get3A_485 = tpu.vector_load %arg5[%get3A_484] {strides = array<i32>} : memref<16384xi32, #tpu.memory_space<vmem>>, vector<16xi32>,
      %get3A_486 = vector.shape_cast %get3A_485 : vector<16xi32> to vector<16xi32>
      %shift_left3A_487 = arith.constant 12 : i32
      %shift_left3A_488 = vector.broadcast %shift_left3A_487 : i32 to vector<16xi32>
      %shift_left3A_489 = arith.shli %get3A_486, %shift_left3A_488 : vector<16xi32>
      %or3A_490 = arith.ori %shift_left3A_489, %add3A_481 : vector<16xi32>
      %mul3A_491 = arith.constant 16 : i32
      %mul3A_492 = arith.muli %scan3A_475, %mul3A_491 : i32
      %swap3A_493 = arith.index_cast %mul3A_492 : i32 to index
      %swap3A_494 = tpu.vector_load %arg7[%swap3A_493] {strides = array<i32>} : memref<8192xi32, #tpu.memory_space<vmem>>, vector<16xi32>,
      %swap3A_495 = vector.shape_cast %swap3A_494 : vector<16xi32> to vector<16xi32>
      %swap3A_496 = vector.shape_cast %or3A_490 : vector<16xi32> to vector<16xi32>
      tpu.vector_store %arg7[%swap3A_493], %swap3A_496 {strides = array<i32>} : memref<8192xi32, #tpu.memory_space<vmem>>, vector<16xi32>,
      %mul3A_497 = arith.constant 16 : i32
      %mul3A_498 = arith.muli %scan3A_475, %mul3A_497 : i32
      %add3A_499 = arith.constant 8192 : i32
      %add3A_500 = arith.addi %add3A_499, %mul3A_498 : i32
      %get3A_501 = arith.index_cast %add3A_500 : i32 to index
      %get3A_502 = tpu.vector_load %arg5[%get3A_501] {strides = array<i32>} : memref<16384xi32, #tpu.memory_space<vmem>>, vector<16xi32>,
      %get3A_503 = vector.shape_cast %get3A_502 : vector<16xi32> to vector<16xi32>
      %shift_left3A_504 = arith.constant 12 : i32
      %shift_left3A_505 = vector.broadcast %shift_left3A_504 : i32 to vector<16xi32>
      %shift_left3A_506 = arith.shli %get3A_503, %shift_left3A_505 : vector<16xi32>
      %or3A_507 = arith.ori %shift_left3A_506, %add3A_481 : vector<16xi32>
      %mul3A_508 = arith.constant 16 : i32
      %mul3A_509 = arith.muli %scan3A_475, %mul3A_508 : i32
      %swap3A_510 = arith.index_cast %mul3A_509 : i32 to index
      %swap3A_511 = tpu.vector_load %arg8[%swap3A_510] {strides = array<i32>} : memref<8192xi32, #tpu.memory_space<vmem>>, vector<16xi32>,
      %swap3A_512 = vector.shape_cast %swap3A_511 : vector<16xi32> to vector<16xi32>
      %swap3A_513 = vector.shape_cast %or3A_507 : vector<16xi32> to vector<16xi32>
      tpu.vector_store %arg8[%swap3A_510], %swap3A_513 {strides = array<i32>} : memref<8192xi32, #tpu.memory_space<vmem>>, vector<16xi32>,
      %scan3A_514 = arith.constant 7 : i32
      %scan3A_515 = arith.addi %scan3A_240, %scan3A_514 : i32
      %rem3A_516 = arith.constant 256 : i32
      %rem3A_517 = arith.remsi %scan3A_515, %rem3A_516 : i32
      %shift_left3A_518 = arith.constant 4 : i32
      %shift_left3A_519 = arith.shli %rem3A_517, %shift_left3A_518 : i32
      %add3A_520 = vector.broadcast %shift_left3A_519 : i32 to vector<16xi32>
      %add3A_521 = arith.addi %add3A_520, %iota3A : vector<16xi32>
      %mul3A_522 = arith.constant 16 : i32
      %mul3A_523 = arith.muli %scan3A_515, %mul3A_522 : i32
      %get3A_524 = arith.index_cast %mul3A_523 : i32 to index
      %get3A_525 = tpu.vector_load %arg5[%get3A_524] {strides = array<i32>} : memref<16384xi32, #tpu.memory_space<vmem>>, vector<16xi32>,
      %get3A_526 = vector.shape_cast %get3A_525 : vector<16xi32> to vector<16xi32>
      %shift_left3A_527 = arith.constant 12 : i32
      %shift_left3A_528 = vector.broadcast %shift_left3A_527 : i32 to vector<16xi32>
      %shift_left3A_529 = arith.shli %get3A_526, %shift_left3A_528 : vector<16xi32>
      %or3A_530 = arith.ori %shift_left3A_529, %add3A_521 : vector<16xi32>
      %mul3A_531 = arith.constant 16 : i32
      %mul3A_532 = arith.muli %scan3A_515, %mul3A_531 : i32
      %swap3A_533 = arith.index_cast %mul3A_532 : i32 to index
      %swap3A_534 = tpu.vector_load %arg7[%swap3A_533] {strides = array<i32>} : memref<8192xi32, #tpu.memory_space<vmem>>, vector<16xi32>,
      %swap3A_535 = vector.shape_cast %swap3A_534 : vector<16xi32> to vector<16xi32>
      %swap3A_536 = vector.shape_cast %or3A_530 : vector<16xi32> to vector<16xi32>
      tpu.vector_store %arg7[%swap3A_533], %swap3A_536 {strides = array<i32>} : memref<8192xi32, #tpu.memory_space<vmem>>, vector<16xi32>,
      %mul3A_537 = arith.constant 16 : i32
      %mul3A_538 = arith.muli %scan3A_515, %mul3A_537 : i32
      %add3A_539 = arith.constant 8192 : i32
      %add3A_540 = arith.addi %add3A_539, %mul3A_538 : i32
      %get3A_541 = arith.index_cast %add3A_540 : i32 to index
      %get3A_542 = tpu.vector_load %arg5[%get3A_541] {strides = array<i32>} : memref<16384xi32, #tpu.memory_space<vmem>>, vector<16xi32>,
      %get3A_543 = vector.shape_cast %get3A_542 : vector<16xi32> to vector<16xi32>
      %shift_left3A_544 = arith.constant 12 : i32
      %shift_left3A_545 = vector.broadcast %shift_left3A_544 : i32 to vector<16xi32>
      %shift_left3A_546 = arith.shli %get3A_543, %shift_left3A_545 : vector<16xi32>
      %or3A_547 = arith.ori %shift_left3A_546, %add3A_521 : vector<16xi32>
      %mul3A_548 = arith.constant 16 : i32
      %mul3A_549 = arith.muli %scan3A_515, %mul3A_548 : i32
      %swap3A_550 = arith.index_cast %mul3A_549 : i32 to index
      %swap3A_551 = tpu.vector_load %arg8[%swap3A_550] {strides = array<i32>} : memref<8192xi32, #tpu.memory_space<vmem>>, vector<16xi32>,
      %swap3A_552 = vector.shape_cast %swap3A_551 : vector<16xi32> to vector<16xi32>
      %swap3A_553 = vector.shape_cast %or3A_547 : vector<16xi32> to vector<16xi32>
      tpu.vector_store %arg8[%swap3A_550], %swap3A_553 {strides = array<i32>} : memref<8192xi32, #tpu.memory_space<vmem>>, vector<16xi32>,
    }
    %scan3A_173 = arith.constant 512 : i32
    %dma_start3A_174 = arith.constant 0 : i32
    %dma_start3A_175 = tpu.memref_slice %arg2[%dma_start3A_174] : memref<67108864xf32, #tpu.memory_space<hbm>> -> memref<67108864xf32, #tpu.memory_space<hbm>>
    tpu.enqueue_indirect_dma source(%dma_start3A_175 : memref<67108864xf32, #tpu.memory_space<hbm>>) target(%arg11 : memref<8192xf32, #tpu.memory_space<vmem>>) offsets(%arg7 : memref<8192xi32, #tpu.memory_space<vmem>>) semaphore(%arg17 : memref<!tpu.dma_semaphore, #tpu.memory_space<semaphore_mem>>)
    %dma_start3A_176 = arith.constant 0 : i32
    %dma_start3A_177 = tpu.memref_slice %arg2[%dma_start3A_176] : memref<67108864xf32, #tpu.memory_space<hbm>> -> memref<67108864xf32, #tpu.memory_space<hbm>>
    tpu.enqueue_indirect_dma source(%dma_start3A_177 : memref<67108864xf32, #tpu.memory_space<hbm>>) target(%arg12 : memref<8192xf32, #tpu.memory_space<vmem>>) offsets(%arg8 : memref<8192xi32, #tpu.memory_space<vmem>>) semaphore(%arg18 : memref<!tpu.dma_semaphore, #tpu.memory_space<semaphore_mem>>)
    %scan3A_178 = arith.constant 0 : i32
    %scan3A_179 = arith.constant 0 : i32
    %scan3A_180 = arith.constant 64 : i32
    %scan3A_181 = arith.addi %scan3A_179, %scan3A_180 : i32
    %scan3A_182 = arith.constant 1 : i32
    scf.for %scan3A_240 = %scan3A_179 to %scan3A_181 step %scan3A_182  : i32 {
      %mul3A_241 = arith.constant 2 : i32
      %mul3A_242 = arith.muli %mul3A_241, %scan3A_240 : i32
      %add3A_243 = arith.constant 1 : i32
      %add3A_244 = arith.addi %mul3A_242, %add3A_243 : i32
      %lt3A = arith.constant 128 : i32
      %lt3A_245 = arith.cmpi slt, %add3A_244, %lt3A : i32
      %convert_element_type3A = arith.extui %lt3A_245 : i1 to i32
      %cond3A = arith.constant 0 : i32
      %cond3A_246 = arith.cmpi ne, %convert_element_type3A, %cond3A : i32
      scf.if %cond3A_246 {
        %add3A_423 = arith.constant 1 : i32
        %add3A_424 = arith.addi %mul3A_242, %add3A_423 : i32
        %mul3A_425 = arith.constant 4 : i32
        %mul3A_426 = arith.muli %add3A_424, %mul3A_425 : i32
        %add3A_427 = arith.addi %mul3A_2, %mul3A_426 : i32
        %add3A_428 = arith.constant 0 : i32
        %add3A_429 = arith.addi %add3A_427, %add3A_428 : i32
        %dma_wait3A_430 = arith.constant 0 : i32
        %dma_wait3A_431 = tpu.memref_slice %arg6[%dma_wait3A_430] : memref<16384xi32, #tpu.memory_space<vmem>> -> memref<4096xi32, #tpu.memory_space<vmem>>
        %dma_wait3A_432 = arith.constant 0 : i32
        %dma_wait3A_433 = tpu.memref_slice %arg3[%add3A_429, %dma_wait3A_432] : memref<16384x4096xi32, #tpu.memory_space<hbm>> -> memref<1x4096xi32, #tpu.memory_space<hbm>>
        %dma_wait3A_434 = tpu.memref_squeeze %dma_wait3A_433 : memref<1x4096xi32, #tpu.memory_space<hbm>> -> memref<4096xi32, #tpu.memory_space<hbm>>
        %dma_wait3A_435 = arith.constant 0 : i32
        %dma_wait3A_436 = tpu.memref_slice %arg6[%dma_wait3A_435] : memref<16384xi32, #tpu.memory_space<vmem>> -> memref<4096xi32, #tpu.memory_space<vmem>>
        %dma_wait3A_437 = arith.constant 0 : i32
        %dma_wait3A_438 = tpu.memref_slice %arg3[%add3A_429, %dma_wait3A_437] : memref<16384x4096xi32, #tpu.memory_space<hbm>> -> memref<1x4096xi32, #tpu.memory_space<hbm>>
        %dma_wait3A_439 = tpu.memref_squeeze %dma_wait3A_438 : memref<1x4096xi32, #tpu.memory_space<hbm>> -> memref<4096xi32, #tpu.memory_space<hbm>>
        tpu.wait_dma2 semaphore(%arg15 : memref<!tpu.dma_semaphore, #tpu.memory_space<semaphore_mem>>) src(%dma_wait3A_439 : memref<4096xi32, #tpu.memory_space<hbm>>) dst(%dma_wait3A_436 : memref<4096xi32, #tpu.memory_space<vmem>>)
        %mul3A_440 = arith.constant 4 : i32
        %mul3A_441 = arith.muli %add3A_424, %mul3A_440 : i32
        %add3A_442 = arith.addi %mul3A_2, %mul3A_441 : i32
        %add3A_443 = arith.constant 1 : i32
        %add3A_444 = arith.addi %add3A_442, %add3A_443 : i32
        %dma_wait3A_445 = arith.constant 4096 : i32
        %dma_wait3A_446 = tpu.memref_slice %arg6[%dma_wait3A_445] : memref<16384xi32, #tpu.memory_space<vmem>> -> memref<4096xi32, #tpu.memory_space<vmem>>
        %dma_wait3A_447 = arith.constant 0 : i32
        %dma_wait3A_448 = tpu.memref_slice %arg3[%add3A_444, %dma_wait3A_447] : memref<16384x4096xi32, #tpu.memory_space<hbm>> -> memref<1x4096xi32, #tpu.memory_space<hbm>>
        %dma_wait3A_449 = tpu.memref_squeeze %dma_wait3A_448 : memref<1x4096xi32, #tpu.memory_space<hbm>> -> memref<4096xi32, #tpu.memory_space<hbm>>
        %dma_wait3A_450 = arith.constant 4096 : i32
        %dma_wait3A_451 = tpu.memref_slice %arg6[%dma_wait3A_450] : memref<16384xi32, #tpu.memory_space<vmem>> -> memref<4096xi32, #tpu.memory_space<vmem>>
        %dma_wait3A_452 = arith.constant 0 : i32
        %dma_wait3A_453 = tpu.memref_slice %arg3[%add3A_444, %dma_wait3A_452] : memref<16384x4096xi32, #tpu.memory_space<hbm>> -> memref<1x4096xi32, #tpu.memory_space<hbm>>
        %dma_wait3A_454 = tpu.memref_squeeze %dma_wait3A_453 : memref<1x4096xi32, #tpu.memory_space<hbm>> -> memref<4096xi32, #tpu.memory_space<hbm>>
        tpu.wait_dma2 semaphore(%arg15 : memref<!tpu.dma_semaphore, #tpu.memory_space<semaphore_mem>>) src(%dma_wait3A_454 : memref<4096xi32, #tpu.memory_space<hbm>>) dst(%dma_wait3A_451 : memref<4096xi32, #tpu.memory_space<vmem>>)
        %mul3A_455 = arith.constant 4 : i32
        %mul3A_456 = arith.muli %add3A_424, %mul3A_455 : i32
        %add3A_457 = arith.addi %mul3A_2, %mul3A_456 : i32
        %add3A_458 = arith.constant 2 : i32
        %add3A_459 = arith.addi %add3A_457, %add3A_458 : i32
        %dma_wait3A_460 = arith.constant 8192 : i32
        %dma_wait3A_461 = tpu.memref_slice %arg6[%dma_wait3A_460] : memref<16384xi32, #tpu.memory_space<vmem>> -> memref<4096xi32, #tpu.memory_space<vmem>>
        %dma_wait3A_462 = arith.constant 0 : i32
        %dma_wait3A_463 = tpu.memref_slice %arg3[%add3A_459, %dma_wait3A_462] : memref<16384x4096xi32, #tpu.memory_space<hbm>> -> memref<1x4096xi32, #tpu.memory_space<hbm>>
        %dma_wait3A_464 = tpu.memref_squeeze %dma_wait3A_463 : memref<1x4096xi32, #tpu.memory_space<hbm>> -> memref<4096xi32, #tpu.memory_space<hbm>>
        %dma_wait3A_465 = arith.constant 8192 : i32
        %dma_wait3A_466 = tpu.memref_slice %arg6[%dma_wait3A_465] : memref<16384xi32, #tpu.memory_space<vmem>> -> memref<4096xi32, #tpu.memory_space<vmem>>
        %dma_wait3A_467 = arith.constant 0 : i32
        %dma_wait3A_468 = tpu.memref_slice %arg3[%add3A_459, %dma_wait3A_467] : memref<16384x4096xi32, #tpu.memory_space<hbm>> -> memref<1x4096xi32, #tpu.memory_space<hbm>>
        %dma_wait3A_469 = tpu.memref_squeeze %dma_wait3A_468 : memref<1x4096xi32, #tpu.memory_space<hbm>> -> memref<4096xi32, #tpu.memory_space<hbm>>
        tpu.wait_dma2 semaphore(%arg15 : memref<!tpu.dma_semaphore, #tpu.memory_space<semaphore_mem>>) src(%dma_wait3A_469 : memref<4096xi32, #tpu.memory_space<hbm>>) dst(%dma_wait3A_466 : memref<4096xi32, #tpu.memory_space<vmem>>)
        %mul3A_470 = arith.constant 4 : i32
        %mul3A_471 = arith.muli %add3A_424, %mul3A_470 : i32
        %add3A_472 = arith.addi %mul3A_2, %mul3A_471 : i32
        %add3A_473 = arith.constant 3 : i32
        %add3A_474 = arith.addi %add3A_472, %add3A_473 : i32
        %dma_wait3A_475 = arith.constant 12288 : i32
        %dma_wait3A_476 = tpu.memref_slice %arg6[%dma_wait3A_475] : memref<16384xi32, #tpu.memory_space<vmem>> -> memref<4096xi32, #tpu.memory_space<vmem>>
        %dma_wait3A_477 = arith.constant 0 : i32
        %dma_wait3A_478 = tpu.memref_slice %arg3[%add3A_474, %dma_wait3A_477] : memref<16384x4096xi32, #tpu.memory_space<hbm>> -> memref<1x4096xi32, #tpu.memory_space<hbm>>
        %dma_wait3A_479 = tpu.memref_squeeze %dma_wait3A_478 : memref<1x4096xi32, #tpu.memory_space<hbm>> -> memref<4096xi32, #tpu.memory_space<hbm>>
        %dma_wait3A_480 = arith.constant 12288 : i32
        %dma_wait3A_481 = tpu.memref_slice %arg6[%dma_wait3A_480] : memref<16384xi32, #tpu.memory_space<vmem>> -> memref<4096xi32, #tpu.memory_space<vmem>>
        %dma_wait3A_482 = arith.constant 0 : i32
        %dma_wait3A_483 = tpu.memref_slice %arg3[%add3A_474, %dma_wait3A_482] : memref<16384x4096xi32, #tpu.memory_space<hbm>> -> memref<1x4096xi32, #tpu.memory_space<hbm>>
        %dma_wait3A_484 = tpu.memref_squeeze %dma_wait3A_483 : memref<1x4096xi32, #tpu.memory_space<hbm>> -> memref<4096xi32, #tpu.memory_space<hbm>>
        tpu.wait_dma2 semaphore(%arg15 : memref<!tpu.dma_semaphore, #tpu.memory_space<semaphore_mem>>) src(%dma_wait3A_484 : memref<4096xi32, #tpu.memory_space<hbm>>) dst(%dma_wait3A_481 : memref<4096xi32, #tpu.memory_space<vmem>>)
        %scan3A_485 = arith.constant 0 : i32
        %scan3A_486 = arith.constant 0 : i32
        %scan3A_487 = arith.constant 512 : i32
        %scan3A_488 = arith.addi %scan3A_486, %scan3A_487 : i32
        %scan3A_489 = arith.constant 8 : i32
        scf.for %scan3A_491 = %scan3A_486 to %scan3A_488 step %scan3A_489  : i32 {
          %rem3A = arith.constant 256 : i32
          %rem3A_492 = arith.remsi %scan3A_491, %rem3A : i32
          %shift_left3A = arith.constant 4 : i32
          %shift_left3A_493 = arith.shli %rem3A_492, %shift_left3A : i32
          %add3A_494 = vector.broadcast %shift_left3A_493 : i32 to vector<16xi32>
          %add3A_495 = arith.addi %add3A_494, %iota3A : vector<16xi32>
          %mul3A_496 = arith.constant 16 : i32
          %mul3A_497 = arith.muli %scan3A_491, %mul3A_496 : i32
          %get3A = arith.index_cast %mul3A_497 : i32 to index
          %get3A_498 = tpu.vector_load %arg6[%get3A] {strides = array<i32>} : memref<16384xi32, #tpu.memory_space<vmem>>, vector<16xi32>,
          %get3A_499 = vector.shape_cast %get3A_498 : vector<16xi32> to vector<16xi32>
          %shift_left3A_500 = arith.constant 12 : i32
          %shift_left3A_501 = vector.broadcast %shift_left3A_500 : i32 to vector<16xi32>
          %shift_left3A_502 = arith.shli %get3A_499, %shift_left3A_501 : vector<16xi32>
          %or3A = arith.ori %shift_left3A_502, %add3A_495 : vector<16xi32>
          %mul3A_503 = arith.constant 16 : i32
          %mul3A_504 = arith.muli %scan3A_491, %mul3A_503 : i32
          %swap3A = arith.index_cast %mul3A_504 : i32 to index
          %swap3A_505 = tpu.vector_load %arg9[%swap3A] {strides = array<i32>} : memref<8192xi32, #tpu.memory_space<vmem>>, vector<16xi32>,
          %swap3A_506 = vector.shape_cast %swap3A_505 : vector<16xi32> to vector<16xi32>
          %swap3A_507 = vector.shape_cast %or3A : vector<16xi32> to vector<16xi32>
          tpu.vector_store %arg9[%swap3A], %swap3A_507 {strides = array<i32>} : memref<8192xi32, #tpu.memory_space<vmem>>, vector<16xi32>,
          %mul3A_508 = arith.constant 16 : i32
          %mul3A_509 = arith.muli %scan3A_491, %mul3A_508 : i32
          %add3A_510 = arith.constant 8192 : i32
          %add3A_511 = arith.addi %add3A_510, %mul3A_509 : i32
          %get3A_512 = arith.index_cast %add3A_511 : i32 to index
          %get3A_513 = tpu.vector_load %arg6[%get3A_512] {strides = array<i32>} : memref<16384xi32, #tpu.memory_space<vmem>>, vector<16xi32>,
          %get3A_514 = vector.shape_cast %get3A_513 : vector<16xi32> to vector<16xi32>
          %shift_left3A_515 = arith.constant 12 : i32
          %shift_left3A_516 = vector.broadcast %shift_left3A_515 : i32 to vector<16xi32>
          %shift_left3A_517 = arith.shli %get3A_514, %shift_left3A_516 : vector<16xi32>
          %or3A_518 = arith.ori %shift_left3A_517, %add3A_495 : vector<16xi32>
          %mul3A_519 = arith.constant 16 : i32
          %mul3A_520 = arith.muli %scan3A_491, %mul3A_519 : i32
          %swap3A_521 = arith.index_cast %mul3A_520 : i32 to index
          %swap3A_522 = tpu.vector_load %arg10[%swap3A_521] {strides = array<i32>} : memref<8192xi32, #tpu.memory_space<vmem>>, vector<16xi32>,
          %swap3A_523 = vector.shape_cast %swap3A_522 : vector<16xi32> to vector<16xi32>
          %swap3A_524 = vector.shape_cast %or3A_518 : vector<16xi32> to vector<16xi32>
          tpu.vector_store %arg10[%swap3A_521], %swap3A_524 {strides = array<i32>} : memref<8192xi32, #tpu.memory_space<vmem>>, vector<16xi32>,
          %scan3A_525 = arith.constant 1 : i32
          %scan3A_526 = arith.addi %scan3A_491, %scan3A_525 : i32
          %rem3A_527 = arith.constant 256 : i32
          %rem3A_528 = arith.remsi %scan3A_526, %rem3A_527 : i32
          %shift_left3A_529 = arith.constant 4 : i32
          %shift_left3A_530 = arith.shli %rem3A_528, %shift_left3A_529 : i32
          %add3A_531 = vector.broadcast %shift_left3A_530 : i32 to vector<16xi32>
          %add3A_532 = arith.addi %add3A_531, %iota3A : vector<16xi32>
          %mul3A_533 = arith.constant 16 : i32
          %mul3A_534 = arith.muli %scan3A_526, %mul3A_533 : i32
          %get3A_535 = arith.index_cast %mul3A_534 : i32 to index
          %get3A_536 = tpu.vector_load %arg6[%get3A_535] {strides = array<i32>} : memref<16384xi32, #tpu.memory_space<vmem>>, vector<16xi32>,
          %get3A_537 = vector.shape_cast %get3A_536 : vector<16xi32> to vector<16xi32>
          %shift_left3A_538 = arith.constant 12 : i32
          %shift_left3A_539 = vector.broadcast %shift_left3A_538 : i32 to vector<16xi32>
          %shift_left3A_540 = arith.shli %get3A_537, %shift_left3A_539 : vector<16xi32>
          %or3A_541 = arith.ori %shift_left3A_540, %add3A_532 : vector<16xi32>
          %mul3A_542 = arith.constant 16 : i32
          %mul3A_543 = arith.muli %scan3A_526, %mul3A_542 : i32
          %swap3A_544 = arith.index_cast %mul3A_543 : i32 to index
          %swap3A_545 = tpu.vector_load %arg9[%swap3A_544] {strides = array<i32>} : memref<8192xi32, #tpu.memory_space<vmem>>, vector<16xi32>,
          %swap3A_546 = vector.shape_cast %swap3A_545 : vector<16xi32> to vector<16xi32>
          %swap3A_547 = vector.shape_cast %or3A_541 : vector<16xi32> to vector<16xi32>
          tpu.vector_store %arg9[%swap3A_544], %swap3A_547 {strides = array<i32>} : memref<8192xi32, #tpu.memory_space<vmem>>, vector<16xi32>,
          %mul3A_548 = arith.constant 16 : i32
          %mul3A_549 = arith.muli %scan3A_526, %mul3A_548 : i32
          %add3A_550 = arith.constant 8192 : i32
          %add3A_551 = arith.addi %add3A_550, %mul3A_549 : i32
          %get3A_552 = arith.index_cast %add3A_551 : i32 to index
          %get3A_553 = tpu.vector_load %arg6[%get3A_552] {strides = array<i32>} : memref<16384xi32, #tpu.memory_space<vmem>>, vector<16xi32>,
          %get3A_554 = vector.shape_cast %get3A_553 : vector<16xi32> to vector<16xi32>
          %shift_left3A_555 = arith.constant 12 : i32
          %shift_left3A_556 = vector.broadcast %shift_left3A_555 : i32 to vector<16xi32>
          %shift_left3A_557 = arith.shli %get3A_554, %shift_left3A_556 : vector<16xi32>
          %or3A_558 = arith.ori %shift_left3A_557, %add3A_532 : vector<16xi32>
          %mul3A_559 = arith.constant 16 : i32
          %mul3A_560 = arith.muli %scan3A_526, %mul3A_559 : i32
          %swap3A_561 = arith.index_cast %mul3A_560 : i32 to index
          %swap3A_562 = tpu.vector_load %arg10[%swap3A_561] {strides = array<i32>} : memref<8192xi32, #tpu.memory_space<vmem>>, vector<16xi32>,
          %swap3A_563 = vector.shape_cast %swap3A_562 : vector<16xi32> to vector<16xi32>
          %swap3A_564 = vector.shape_cast %or3A_558 : vector<16xi32> to vector<16xi32>
          tpu.vector_store %arg10[%swap3A_561], %swap3A_564 {strides = array<i32>} : memref<8192xi32, #tpu.memory_space<vmem>>, vector<16xi32>,
          %scan3A_565 = arith.constant 2 : i32
          %scan3A_566 = arith.addi %scan3A_491, %scan3A_565 : i32
          %rem3A_567 = arith.constant 256 : i32
          %rem3A_568 = arith.remsi %scan3A_566, %rem3A_567 : i32
          %shift_left3A_569 = arith.constant 4 : i32
          %shift_left3A_570 = arith.shli %rem3A_568, %shift_left3A_569 : i32
          %add3A_571 = vector.broadcast %shift_left3A_570 : i32 to vector<16xi32>
          %add3A_572 = arith.addi %add3A_571, %iota3A : vector<16xi32>
          %mul3A_573 = arith.constant 16 : i32
          %mul3A_574 = arith.muli %scan3A_566, %mul3A_573 : i32
          %get3A_575 = arith.index_cast %mul3A_574 : i32 to index
          %get3A_576 = tpu.vector_load %arg6[%get3A_575] {strides = array<i32>} : memref<16384xi32, #tpu.memory_space<vmem>>, vector<16xi32>,
          %get3A_577 = vector.shape_cast %get3A_576 : vector<16xi32> to vector<16xi32>
          %shift_left3A_578 = arith.constant 12 : i32
          %shift_left3A_579 = vector.broadcast %shift_left3A_578 : i32 to vector<16xi32>
          %shift_left3A_580 = arith.shli %get3A_577, %shift_left3A_579 : vector<16xi32>
          %or3A_581 = arith.ori %shift_left3A_580, %add3A_572 : vector<16xi32>
          %mul3A_582 = arith.constant 16 : i32
          %mul3A_583 = arith.muli %scan3A_566, %mul3A_582 : i32
          %swap3A_584 = arith.index_cast %mul3A_583 : i32 to index
          %swap3A_585 = tpu.vector_load %arg9[%swap3A_584] {strides = array<i32>} : memref<8192xi32, #tpu.memory_space<vmem>>, vector<16xi32>,
          %swap3A_586 = vector.shape_cast %swap3A_585 : vector<16xi32> to vector<16xi32>
          %swap3A_587 = vector.shape_cast %or3A_581 : vector<16xi32> to vector<16xi32>
          tpu.vector_store %arg9[%swap3A_584], %swap3A_587 {strides = array<i32>} : memref<8192xi32, #tpu.memory_space<vmem>>, vector<16xi32>,
          %mul3A_588 = arith.constant 16 : i32
          %mul3A_589 = arith.muli %scan3A_566, %mul3A_588 : i32
          %add3A_590 = arith.constant 8192 : i32
          %add3A_591 = arith.addi %add3A_590, %mul3A_589 : i32
          %get3A_592 = arith.index_cast %add3A_591 : i32 to index
          %get3A_593 = tpu.vector_load %arg6[%get3A_592] {strides = array<i32>} : memref<16384xi32, #tpu.memory_space<vmem>>, vector<16xi32>,
          %get3A_594 = vector.shape_cast %get3A_593 : vector<16xi32> to vector<16xi32>
          %shift_left3A_595 = arith.constant 12 : i32
          %shift_left3A_596 = vector.broadcast %shift_left3A_595 : i32 to vector<16xi32>
          %shift_left3A_597 = arith.shli %get3A_594, %shift_left3A_596 : vector<16xi32>
          %or3A_598 = arith.ori %shift_left3A_597, %add3A_572 : vector<16xi32>
          %mul3A_599 = arith.constant 16 : i32
          %mul3A_600 = arith.muli %scan3A_566, %mul3A_599 : i32
          %swap3A_601 = arith.index_cast %mul3A_600 : i32 to index
          %swap3A_602 = tpu.vector_load %arg10[%swap3A_601] {strides = array<i32>} : memref<8192xi32, #tpu.memory_space<vmem>>, vector<16xi32>,
          %swap3A_603 = vector.shape_cast %swap3A_602 : vector<16xi32> to vector<16xi32>
          %swap3A_604 = vector.shape_cast %or3A_598 : vector<16xi32> to vector<16xi32>
          tpu.vector_store %arg10[%swap3A_601], %swap3A_604 {strides = array<i32>} : memref<8192xi32, #tpu.memory_space<vmem>>, vector<16xi32>,
          %scan3A_605 = arith.constant 3 : i32
          %scan3A_606 = arith.addi %scan3A_491, %scan3A_605 : i32
          %rem3A_607 = arith.constant 256 : i32
          %rem3A_608 = arith.remsi %scan3A_606, %rem3A_607 : i32
          %shift_left3A_609 = arith.constant 4 : i32
          %shift_left3A_610 = arith.shli %rem3A_608, %shift_left3A_609 : i32
          %add3A_611 = vector.broadcast %shift_left3A_610 : i32 to vector<16xi32>
          %add3A_612 = arith.addi %add3A_611, %iota3A : vector<16xi32>
          %mul3A_613 = arith.constant 16 : i32
          %mul3A_614 = arith.muli %scan3A_606, %mul3A_613 : i32
          %get3A_615 = arith.index_cast %mul3A_614 : i32 to index
          %get3A_616 = tpu.vector_load %arg6[%get3A_615] {strides = array<i32>} : memref<16384xi32, #tpu.memory_space<vmem>>, vector<16xi32>,
          %get3A_617 = vector.shape_cast %get3A_616 : vector<16xi32> to vector<16xi32>
          %shift_left3A_618 = arith.constant 12 : i32
          %shift_left3A_619 = vector.broadcast %shift_left3A_618 : i32 to vector<16xi32>
          %shift_left3A_620 = arith.shli %get3A_617, %shift_left3A_619 : vector<16xi32>
          %or3A_621 = arith.ori %shift_left3A_620, %add3A_612 : vector<16xi32>
          %mul3A_622 = arith.constant 16 : i32
          %mul3A_623 = arith.muli %scan3A_606, %mul3A_622 : i32
          %swap3A_624 = arith.index_cast %mul3A_623 : i32 to index
          %swap3A_625 = tpu.vector_load %arg9[%swap3A_624] {strides = array<i32>} : memref<8192xi32, #tpu.memory_space<vmem>>, vector<16xi32>,
          %swap3A_626 = vector.shape_cast %swap3A_625 : vector<16xi32> to vector<16xi32>
          %swap3A_627 = vector.shape_cast %or3A_621 : vector<16xi32> to vector<16xi32>
          tpu.vector_store %arg9[%swap3A_624], %swap3A_627 {strides = array<i32>} : memref<8192xi32, #tpu.memory_space<vmem>>, vector<16xi32>,
          %mul3A_628 = arith.constant 16 : i32
          %mul3A_629 = arith.muli %scan3A_606, %mul3A_628 : i32
          %add3A_630 = arith.constant 8192 : i32
          %add3A_631 = arith.addi %add3A_630, %mul3A_629 : i32
          %get3A_632 = arith.index_cast %add3A_631 : i32 to index
          %get3A_633 = tpu.vector_load %arg6[%get3A_632] {strides = array<i32>} : memref<16384xi32, #tpu.memory_space<vmem>>, vector<16xi32>,
          %get3A_634 = vector.shape_cast %get3A_633 : vector<16xi32> to vector<16xi32>
          %shift_left3A_635 = arith.constant 12 : i32
          %shift_left3A_636 = vector.broadcast %shift_left3A_635 : i32 to vector<16xi32>
          %shift_left3A_637 = arith.shli %get3A_634, %shift_left3A_636 : vector<16xi32>
          %or3A_638 = arith.ori %shift_left3A_637, %add3A_612 : vector<16xi32>
          %mul3A_639 = arith.constant 16 : i32
          %mul3A_640 = arith.muli %scan3A_606, %mul3A_639 : i32
          %swap3A_641 = arith.index_cast %mul3A_640 : i32 to index
          %swap3A_642 = tpu.vector_load %arg10[%swap3A_641] {strides = array<i32>} : memref<8192xi32, #tpu.memory_space<vmem>>, vector<16xi32>,
          %swap3A_643 = vector.shape_cast %swap3A_642 : vector<16xi32> to vector<16xi32>
          %swap3A_644 = vector.shape_cast %or3A_638 : vector<16xi32> to vector<16xi32>
          tpu.vector_store %arg10[%swap3A_641], %swap3A_644 {strides = array<i32>} : memref<8192xi32, #tpu.memory_space<vmem>>, vector<16xi32>,
          %scan3A_645 = arith.constant 4 : i32
          %scan3A_646 = arith.addi %scan3A_491, %scan3A_645 : i32
          %rem3A_647 = arith.constant 256 : i32
          %rem3A_648 = arith.remsi %scan3A_646, %rem3A_647 : i32
          %shift_left3A_649 = arith.constant 4 : i32
          %shift_left3A_650 = arith.shli %rem3A_648, %shift_left3A_649 : i32
          %add3A_651 = vector.broadcast %shift_left3A_650 : i32 to vector<16xi32>
          %add3A_652 = arith.addi %add3A_651, %iota3A : vector<16xi32>
          %mul3A_653 = arith.constant 16 : i32
          %mul3A_654 = arith.muli %scan3A_646, %mul3A_653 : i32
          %get3A_655 = arith.index_cast %mul3A_654 : i32 to index
          %get3A_656 = tpu.vector_load %arg6[%get3A_655] {strides = array<i32>} : memref<16384xi32, #tpu.memory_space<vmem>>, vector<16xi32>,
          %get3A_657 = vector.shape_cast %get3A_656 : vector<16xi32> to vector<16xi32>
          %shift_left3A_658 = arith.constant 12 : i32
          %shift_left3A_659 = vector.broadcast %shift_left3A_658 : i32 to vector<16xi32>
          %shift_left3A_660 = arith.shli %get3A_657, %shift_left3A_659 : vector<16xi32>
          %or3A_661 = arith.ori %shift_left3A_660, %add3A_652 : vector<16xi32>
          %mul3A_662 = arith.constant 16 : i32
          %mul3A_663 = arith.muli %scan3A_646, %mul3A_662 : i32
          %swap3A_664 = arith.index_cast %mul3A_663 : i32 to index
          %swap3A_665 = tpu.vector_load %arg9[%swap3A_664] {strides = array<i32>} : memref<8192xi32, #tpu.memory_space<vmem>>, vector<16xi32>,
          %swap3A_666 = vector.shape_cast %swap3A_665 : vector<16xi32> to vector<16xi32>
          %swap3A_667 = vector.shape_cast %or3A_661 : vector<16xi32> to vector<16xi32>
          tpu.vector_store %arg9[%swap3A_664], %swap3A_667 {strides = array<i32>} : memref<8192xi32, #tpu.memory_space<vmem>>, vector<16xi32>,
          %mul3A_668 = arith.constant 16 : i32
          %mul3A_669 = arith.muli %scan3A_646, %mul3A_668 : i32
          %add3A_670 = arith.constant 8192 : i32
          %add3A_671 = arith.addi %add3A_670, %mul3A_669 : i32
          %get3A_672 = arith.index_cast %add3A_671 : i32 to index
          %get3A_673 = tpu.vector_load %arg6[%get3A_672] {strides = array<i32>} : memref<16384xi32, #tpu.memory_space<vmem>>, vector<16xi32>,
          %get3A_674 = vector.shape_cast %get3A_673 : vector<16xi32> to vector<16xi32>
          %shift_left3A_675 = arith.constant 12 : i32
          %shift_left3A_676 = vector.broadcast %shift_left3A_675 : i32 to vector<16xi32>
          %shift_left3A_677 = arith.shli %get3A_674, %shift_left3A_676 : vector<16xi32>
          %or3A_678 = arith.ori %shift_left3A_677, %add3A_652 : vector<16xi32>
          %mul3A_679 = arith.constant 16 : i32
          %mul3A_680 = arith.muli %scan3A_646, %mul3A_679 : i32
          %swap3A_681 = arith.index_cast %mul3A_680 : i32 to index
          %swap3A_682 = tpu.vector_load %arg10[%swap3A_681] {strides = array<i32>} : memref<8192xi32, #tpu.memory_space<vmem>>, vector<16xi32>,
          %swap3A_683 = vector.shape_cast %swap3A_682 : vector<16xi32> to vector<16xi32>
          %swap3A_684 = vector.shape_cast %or3A_678 : vector<16xi32> to vector<16xi32>
          tpu.vector_store %arg10[%swap3A_681], %swap3A_684 {strides = array<i32>} : memref<8192xi32, #tpu.memory_space<vmem>>, vector<16xi32>,
          %scan3A_685 = arith.constant 5 : i32
          %scan3A_686 = arith.addi %scan3A_491, %scan3A_685 : i32
          %rem3A_687 = arith.constant 256 : i32
          %rem3A_688 = arith.remsi %scan3A_686, %rem3A_687 : i32
          %shift_left3A_689 = arith.constant 4 : i32
          %shift_left3A_690 = arith.shli %rem3A_688, %shift_left3A_689 : i32
          %add3A_691 = vector.broadcast %shift_left3A_690 : i32 to vector<16xi32>
          %add3A_692 = arith.addi %add3A_691, %iota3A : vector<16xi32>
          %mul3A_693 = arith.constant 16 : i32
          %mul3A_694 = arith.muli %scan3A_686, %mul3A_693 : i32
          %get3A_695 = arith.index_cast %mul3A_694 : i32 to index
          %get3A_696 = tpu.vector_load %arg6[%get3A_695] {strides = array<i32>} : memref<16384xi32, #tpu.memory_space<vmem>>, vector<16xi32>,
          %get3A_697 = vector.shape_cast %get3A_696 : vector<16xi32> to vector<16xi32>
          %shift_left3A_698 = arith.constant 12 : i32
          %shift_left3A_699 = vector.broadcast %shift_left3A_698 : i32 to vector<16xi32>
          %shift_left3A_700 = arith.shli %get3A_697, %shift_left3A_699 : vector<16xi32>
          %or3A_701 = arith.ori %shift_left3A_700, %add3A_692 : vector<16xi32>
          %mul3A_702 = arith.constant 16 : i32
          %mul3A_703 = arith.muli %scan3A_686, %mul3A_702 : i32
          %swap3A_704 = arith.index_cast %mul3A_703 : i32 to index
          %swap3A_705 = tpu.vector_load %arg9[%swap3A_704] {strides = array<i32>} : memref<8192xi32, #tpu.memory_space<vmem>>, vector<16xi32>,
          %swap3A_706 = vector.shape_cast %swap3A_705 : vector<16xi32> to vector<16xi32>
          %swap3A_707 = vector.shape_cast %or3A_701 : vector<16xi32> to vector<16xi32>
          tpu.vector_store %arg9[%swap3A_704], %swap3A_707 {strides = array<i32>} : memref<8192xi32, #tpu.memory_space<vmem>>, vector<16xi32>,
          %mul3A_708 = arith.constant 16 : i32
          %mul3A_709 = arith.muli %scan3A_686, %mul3A_708 : i32
          %add3A_710 = arith.constant 8192 : i32
          %add3A_711 = arith.addi %add3A_710, %mul3A_709 : i32
          %get3A_712 = arith.index_cast %add3A_711 : i32 to index
          %get3A_713 = tpu.vector_load %arg6[%get3A_712] {strides = array<i32>} : memref<16384xi32, #tpu.memory_space<vmem>>, vector<16xi32>,
          %get3A_714 = vector.shape_cast %get3A_713 : vector<16xi32> to vector<16xi32>
          %shift_left3A_715 = arith.constant 12 : i32
          %shift_left3A_716 = vector.broadcast %shift_left3A_715 : i32 to vector<16xi32>
          %shift_left3A_717 = arith.shli %get3A_714, %shift_left3A_716 : vector<16xi32>
          %or3A_718 = arith.ori %shift_left3A_717, %add3A_692 : vector<16xi32>
          %mul3A_719 = arith.constant 16 : i32
          %mul3A_720 = arith.muli %scan3A_686, %mul3A_719 : i32
          %swap3A_721 = arith.index_cast %mul3A_720 : i32 to index
          %swap3A_722 = tpu.vector_load %arg10[%swap3A_721] {strides = array<i32>} : memref<8192xi32, #tpu.memory_space<vmem>>, vector<16xi32>,
          %swap3A_723 = vector.shape_cast %swap3A_722 : vector<16xi32> to vector<16xi32>
          %swap3A_724 = vector.shape_cast %or3A_718 : vector<16xi32> to vector<16xi32>
          tpu.vector_store %arg10[%swap3A_721], %swap3A_724 {strides = array<i32>} : memref<8192xi32, #tpu.memory_space<vmem>>, vector<16xi32>,
          %scan3A_725 = arith.constant 6 : i32
          %scan3A_726 = arith.addi %scan3A_491, %scan3A_725 : i32
          %rem3A_727 = arith.constant 256 : i32
          %rem3A_728 = arith.remsi %scan3A_726, %rem3A_727 : i32
          %shift_left3A_729 = arith.constant 4 : i32
          %shift_left3A_730 = arith.shli %rem3A_728, %shift_left3A_729 : i32
          %add3A_731 = vector.broadcast %shift_left3A_730 : i32 to vector<16xi32>
          %add3A_732 = arith.addi %add3A_731, %iota3A : vector<16xi32>
          %mul3A_733 = arith.constant 16 : i32
          %mul3A_734 = arith.muli %scan3A_726, %mul3A_733 : i32
          %get3A_735 = arith.index_cast %mul3A_734 : i32 to index
          %get3A_736 = tpu.vector_load %arg6[%get3A_735] {strides = array<i32>} : memref<16384xi32, #tpu.memory_space<vmem>>, vector<16xi32>,
          %get3A_737 = vector.shape_cast %get3A_736 : vector<16xi32> to vector<16xi32>
          %shift_left3A_738 = arith.constant 12 : i32
          %shift_left3A_739 = vector.broadcast %shift_left3A_738 : i32 to vector<16xi32>
          %shift_left3A_740 = arith.shli %get3A_737, %shift_left3A_739 : vector<16xi32>
          %or3A_741 = arith.ori %shift_left3A_740, %add3A_732 : vector<16xi32>
          %mul3A_742 = arith.constant 16 : i32
          %mul3A_743 = arith.muli %scan3A_726, %mul3A_742 : i32
          %swap3A_744 = arith.index_cast %mul3A_743 : i32 to index
          %swap3A_745 = tpu.vector_load %arg9[%swap3A_744] {strides = array<i32>} : memref<8192xi32, #tpu.memory_space<vmem>>, vector<16xi32>,
          %swap3A_746 = vector.shape_cast %swap3A_745 : vector<16xi32> to vector<16xi32>
          %swap3A_747 = vector.shape_cast %or3A_741 : vector<16xi32> to vector<16xi32>
          tpu.vector_store %arg9[%swap3A_744], %swap3A_747 {strides = array<i32>} : memref<8192xi32, #tpu.memory_space<vmem>>, vector<16xi32>,
          %mul3A_748 = arith.constant 16 : i32
          %mul3A_749 = arith.muli %scan3A_726, %mul3A_748 : i32
          %add3A_750 = arith.constant 8192 : i32
          %add3A_751 = arith.addi %add3A_750, %mul3A_749 : i32
          %get3A_752 = arith.index_cast %add3A_751 : i32 to index
          %get3A_753 = tpu.vector_load %arg6[%get3A_752] {strides = array<i32>} : memref<16384xi32, #tpu.memory_space<vmem>>, vector<16xi32>,
          %get3A_754 = vector.shape_cast %get3A_753 : vector<16xi32> to vector<16xi32>
          %shift_left3A_755 = arith.constant 12 : i32
          %shift_left3A_756 = vector.broadcast %shift_left3A_755 : i32 to vector<16xi32>
          %shift_left3A_757 = arith.shli %get3A_754, %shift_left3A_756 : vector<16xi32>
          %or3A_758 = arith.ori %shift_left3A_757, %add3A_732 : vector<16xi32>
          %mul3A_759 = arith.constant 16 : i32
          %mul3A_760 = arith.muli %scan3A_726, %mul3A_759 : i32
          %swap3A_761 = arith.index_cast %mul3A_760 : i32 to index
          %swap3A_762 = tpu.vector_load %arg10[%swap3A_761] {strides = array<i32>} : memref<8192xi32, #tpu.memory_space<vmem>>, vector<16xi32>,
          %swap3A_763 = vector.shape_cast %swap3A_762 : vector<16xi32> to vector<16xi32>
          %swap3A_764 = vector.shape_cast %or3A_758 : vector<16xi32> to vector<16xi32>
          tpu.vector_store %arg10[%swap3A_761], %swap3A_764 {strides = array<i32>} : memref<8192xi32, #tpu.memory_space<vmem>>, vector<16xi32>,
          %scan3A_765 = arith.constant 7 : i32
          %scan3A_766 = arith.addi %scan3A_491, %scan3A_765 : i32
          %rem3A_767 = arith.constant 256 : i32
          %rem3A_768 = arith.remsi %scan3A_766, %rem3A_767 : i32
          %shift_left3A_769 = arith.constant 4 : i32
          %shift_left3A_770 = arith.shli %rem3A_768, %shift_left3A_769 : i32
          %add3A_771 = vector.broadcast %shift_left3A_770 : i32 to vector<16xi32>
          %add3A_772 = arith.addi %add3A_771, %iota3A : vector<16xi32>
          %mul3A_773 = arith.constant 16 : i32
          %mul3A_774 = arith.muli %scan3A_766, %mul3A_773 : i32
          %get3A_775 = arith.index_cast %mul3A_774 : i32 to index
          %get3A_776 = tpu.vector_load %arg6[%get3A_775] {strides = array<i32>} : memref<16384xi32, #tpu.memory_space<vmem>>, vector<16xi32>,
          %get3A_777 = vector.shape_cast %get3A_776 : vector<16xi32> to vector<16xi32>
          %shift_left3A_778 = arith.constant 12 : i32
          %shift_left3A_779 = vector.broadcast %shift_left3A_778 : i32 to vector<16xi32>
          %shift_left3A_780 = arith.shli %get3A_777, %shift_left3A_779 : vector<16xi32>
          %or3A_781 = arith.ori %shift_left3A_780, %add3A_772 : vector<16xi32>
          %mul3A_782 = arith.constant 16 : i32
          %mul3A_783 = arith.muli %scan3A_766, %mul3A_782 : i32
          %swap3A_784 = arith.index_cast %mul3A_783 : i32 to index
          %swap3A_785 = tpu.vector_load %arg9[%swap3A_784] {strides = array<i32>} : memref<8192xi32, #tpu.memory_space<vmem>>, vector<16xi32>,
          %swap3A_786 = vector.shape_cast %swap3A_785 : vector<16xi32> to vector<16xi32>
          %swap3A_787 = vector.shape_cast %or3A_781 : vector<16xi32> to vector<16xi32>
          tpu.vector_store %arg9[%swap3A_784], %swap3A_787 {strides = array<i32>} : memref<8192xi32, #tpu.memory_space<vmem>>, vector<16xi32>,
          %mul3A_788 = arith.constant 16 : i32
          %mul3A_789 = arith.muli %scan3A_766, %mul3A_788 : i32
          %add3A_790 = arith.constant 8192 : i32
          %add3A_791 = arith.addi %add3A_790, %mul3A_789 : i32
          %get3A_792 = arith.index_cast %add3A_791 : i32 to index
          %get3A_793 = tpu.vector_load %arg6[%get3A_792] {strides = array<i32>} : memref<16384xi32, #tpu.memory_space<vmem>>, vector<16xi32>,
          %get3A_794 = vector.shape_cast %get3A_793 : vector<16xi32> to vector<16xi32>
          %shift_left3A_795 = arith.constant 12 : i32
          %shift_left3A_796 = vector.broadcast %shift_left3A_795 : i32 to vector<16xi32>
          %shift_left3A_797 = arith.shli %get3A_794, %shift_left3A_796 : vector<16xi32>
          %or3A_798 = arith.ori %shift_left3A_797, %add3A_772 : vector<16xi32>
          %mul3A_799 = arith.constant 16 : i32
          %mul3A_800 = arith.muli %scan3A_766, %mul3A_799 : i32
          %swap3A_801 = arith.index_cast %mul3A_800 : i32 to index
          %swap3A_802 = tpu.vector_load %arg10[%swap3A_801] {strides = array<i32>} : memref<8192xi32, #tpu.memory_space<vmem>>, vector<16xi32>,
          %swap3A_803 = vector.shape_cast %swap3A_802 : vector<16xi32> to vector<16xi32>
          %swap3A_804 = vector.shape_cast %or3A_798 : vector<16xi32> to vector<16xi32>
          tpu.vector_store %arg10[%swap3A_801], %swap3A_804 {strides = array<i32>} : memref<8192xi32, #tpu.memory_space<vmem>>, vector<16xi32>,
        }
        %scan3A_490 = arith.constant 512 : i32
      } else {
      }
      %gt3A = arith.constant 0 : i32
      %gt3A_247 = arith.cmpi sgt, %mul3A_242, %gt3A : i32
      %convert_element_type3A_248 = arith.extui %gt3A_247 : i1 to i32
      %cond3A_249 = arith.constant 0 : i32
      %cond3A_250 = arith.cmpi ne, %convert_element_type3A_248, %cond3A_249 : i32
      scf.if %cond3A_250 {
        %sub3A = arith.constant 1 : i32
        %sub3A_423 = arith.subi %mul3A_242, %sub3A : i32
        %mul3A_424 = arith.constant 4 : i32
        %mul3A_425 = arith.muli %sub3A_423, %mul3A_424 : i32
        %add3A_426 = arith.addi %mul3A_2, %mul3A_425 : i32
        %add3A_427 = arith.constant 0 : i32
        %add3A_428 = arith.addi %add3A_426, %add3A_427 : i32
        %dma_wait3A_429 = arith.constant 0 : i32
        %dma_wait3A_430 = tpu.memref_slice %arg13[%dma_wait3A_429] : memref<8192xf32, #tpu.memory_space<vmem>> -> memref<4096xf32, #tpu.memory_space<vmem>>
        %dma_wait3A_431 = arith.constant 0 : i32
        %dma_wait3A_432 = tpu.memref_slice %arg4[%add3A_428, %dma_wait3A_431] : memref<16384x4096xf32, #tpu.memory_space<hbm>> -> memref<1x4096xf32, #tpu.memory_space<hbm>>
        %dma_wait3A_433 = tpu.memref_squeeze %dma_wait3A_432 : memref<1x4096xf32, #tpu.memory_space<hbm>> -> memref<4096xf32, #tpu.memory_space<hbm>>
        %dma_wait3A_434 = arith.constant 0 : i32
        %dma_wait3A_435 = tpu.memref_slice %arg4[%add3A_428, %dma_wait3A_434] : memref<16384x4096xf32, #tpu.memory_space<hbm>> -> memref<1x4096xf32, #tpu.memory_space<hbm>>
        %dma_wait3A_436 = tpu.memref_squeeze %dma_wait3A_435 : memref<1x4096xf32, #tpu.memory_space<hbm>> -> memref<4096xf32, #tpu.memory_space<hbm>>
        %dma_wait3A_437 = arith.constant 0 : i32
        %dma_wait3A_438 = tpu.memref_slice %arg13[%dma_wait3A_437] : memref<8192xf32, #tpu.memory_space<vmem>> -> memref<4096xf32, #tpu.memory_space<vmem>>
        tpu.wait_dma2 semaphore(%arg16 : memref<!tpu.dma_semaphore, #tpu.memory_space<semaphore_mem>>) src(%dma_wait3A_438 : memref<4096xf32, #tpu.memory_space<vmem>>) dst(%dma_wait3A_436 : memref<4096xf32, #tpu.memory_space<hbm>>)
        %mul3A_439 = arith.constant 4 : i32
        %mul3A_440 = arith.muli %sub3A_423, %mul3A_439 : i32
        %add3A_441 = arith.addi %mul3A_2, %mul3A_440 : i32
        %add3A_442 = arith.constant 1 : i32
        %add3A_443 = arith.addi %add3A_441, %add3A_442 : i32
        %dma_wait3A_444 = arith.constant 4096 : i32
        %dma_wait3A_445 = tpu.memref_slice %arg13[%dma_wait3A_444] : memref<8192xf32, #tpu.memory_space<vmem>> -> memref<4096xf32, #tpu.memory_space<vmem>>
        %dma_wait3A_446 = arith.constant 0 : i32
        %dma_wait3A_447 = tpu.memref_slice %arg4[%add3A_443, %dma_wait3A_446] : memref<16384x4096xf32, #tpu.memory_space<hbm>> -> memref<1x4096xf32, #tpu.memory_space<hbm>>
        %dma_wait3A_448 = tpu.memref_squeeze %dma_wait3A_447 : memref<1x4096xf32, #tpu.memory_space<hbm>> -> memref<4096xf32, #tpu.memory_space<hbm>>
        %dma_wait3A_449 = arith.constant 0 : i32
        %dma_wait3A_450 = tpu.memref_slice %arg4[%add3A_443, %dma_wait3A_449] : memref<16384x4096xf32, #tpu.memory_space<hbm>> -> memref<1x4096xf32, #tpu.memory_space<hbm>>
        %dma_wait3A_451 = tpu.memref_squeeze %dma_wait3A_450 : memref<1x4096xf32, #tpu.memory_space<hbm>> -> memref<4096xf32, #tpu.memory_space<hbm>>
        %dma_wait3A_452 = arith.constant 4096 : i32
        %dma_wait3A_453 = tpu.memref_slice %arg13[%dma_wait3A_452] : memref<8192xf32, #tpu.memory_space<vmem>> -> memref<4096xf32, #tpu.memory_space<vmem>>
        tpu.wait_dma2 semaphore(%arg16 : memref<!tpu.dma_semaphore, #tpu.memory_space<semaphore_mem>>) src(%dma_wait3A_453 : memref<4096xf32, #tpu.memory_space<vmem>>) dst(%dma_wait3A_451 : memref<4096xf32, #tpu.memory_space<hbm>>)
        %mul3A_454 = arith.constant 4 : i32
        %mul3A_455 = arith.muli %sub3A_423, %mul3A_454 : i32
        %add3A_456 = arith.addi %mul3A_2, %mul3A_455 : i32
        %add3A_457 = arith.constant 2 : i32
        %add3A_458 = arith.addi %add3A_456, %add3A_457 : i32
        %dma_wait3A_459 = arith.constant 0 : i32
        %dma_wait3A_460 = tpu.memref_slice %arg14[%dma_wait3A_459] : memref<8192xf32, #tpu.memory_space<vmem>> -> memref<4096xf32, #tpu.memory_space<vmem>>
        %dma_wait3A_461 = arith.constant 0 : i32
        %dma_wait3A_462 = tpu.memref_slice %arg4[%add3A_458, %dma_wait3A_461] : memref<16384x4096xf32, #tpu.memory_space<hbm>> -> memref<1x4096xf32, #tpu.memory_space<hbm>>
        %dma_wait3A_463 = tpu.memref_squeeze %dma_wait3A_462 : memref<1x4096xf32, #tpu.memory_space<hbm>> -> memref<4096xf32, #tpu.memory_space<hbm>>
        %dma_wait3A_464 = arith.constant 0 : i32
        %dma_wait3A_465 = tpu.memref_slice %arg4[%add3A_458, %dma_wait3A_464] : memref<16384x4096xf32, #tpu.memory_space<hbm>> -> memref<1x4096xf32, #tpu.memory_space<hbm>>
        %dma_wait3A_466 = tpu.memref_squeeze %dma_wait3A_465 : memref<1x4096xf32, #tpu.memory_space<hbm>> -> memref<4096xf32, #tpu.memory_space<hbm>>
        %dma_wait3A_467 = arith.constant 0 : i32
        %dma_wait3A_468 = tpu.memref_slice %arg14[%dma_wait3A_467] : memref<8192xf32, #tpu.memory_space<vmem>> -> memref<4096xf32, #tpu.memory_space<vmem>>
        tpu.wait_dma2 semaphore(%arg16 : memref<!tpu.dma_semaphore, #tpu.memory_space<semaphore_mem>>) src(%dma_wait3A_468 : memref<4096xf32, #tpu.memory_space<vmem>>) dst(%dma_wait3A_466 : memref<4096xf32, #tpu.memory_space<hbm>>)
        %mul3A_469 = arith.constant 4 : i32
        %mul3A_470 = arith.muli %sub3A_423, %mul3A_469 : i32
        %add3A_471 = arith.addi %mul3A_2, %mul3A_470 : i32
        %add3A_472 = arith.constant 3 : i32
        %add3A_473 = arith.addi %add3A_471, %add3A_472 : i32
        %dma_wait3A_474 = arith.constant 4096 : i32
        %dma_wait3A_475 = tpu.memref_slice %arg14[%dma_wait3A_474] : memref<8192xf32, #tpu.memory_space<vmem>> -> memref<4096xf32, #tpu.memory_space<vmem>>
        %dma_wait3A_476 = arith.constant 0 : i32
        %dma_wait3A_477 = tpu.memref_slice %arg4[%add3A_473, %dma_wait3A_476] : memref<16384x4096xf32, #tpu.memory_space<hbm>> -> memref<1x4096xf32, #tpu.memory_space<hbm>>
        %dma_wait3A_478 = tpu.memref_squeeze %dma_wait3A_477 : memref<1x4096xf32, #tpu.memory_space<hbm>> -> memref<4096xf32, #tpu.memory_space<hbm>>
        %dma_wait3A_479 = arith.constant 0 : i32
        %dma_wait3A_480 = tpu.memref_slice %arg4[%add3A_473, %dma_wait3A_479] : memref<16384x4096xf32, #tpu.memory_space<hbm>> -> memref<1x4096xf32, #tpu.memory_space<hbm>>
        %dma_wait3A_481 = tpu.memref_squeeze %dma_wait3A_480 : memref<1x4096xf32, #tpu.memory_space<hbm>> -> memref<4096xf32, #tpu.memory_space<hbm>>
        %dma_wait3A_482 = arith.constant 4096 : i32
        %dma_wait3A_483 = tpu.memref_slice %arg14[%dma_wait3A_482] : memref<8192xf32, #tpu.memory_space<vmem>> -> memref<4096xf32, #tpu.memory_space<vmem>>
        tpu.wait_dma2 semaphore(%arg16 : memref<!tpu.dma_semaphore, #tpu.memory_space<semaphore_mem>>) src(%dma_wait3A_483 : memref<4096xf32, #tpu.memory_space<vmem>>) dst(%dma_wait3A_481 : memref<4096xf32, #tpu.memory_space<hbm>>)
      } else {
      }
      %add3A_251 = arith.constant 1 : i32
      %add3A_252 = arith.addi %mul3A_242, %add3A_251 : i32
      %lt3A_253 = arith.constant 128 : i32
      %lt3A_254 = arith.cmpi slt, %add3A_252, %lt3A_253 : i32
      %convert_element_type3A_255 = arith.extui %lt3A_254 : i1 to i32
      %cond3A_256 = arith.constant 0 : i32
      %cond3A_257 = arith.cmpi ne, %convert_element_type3A_255, %cond3A_256 : i32
      scf.if %cond3A_257 {
        %dma_start3A_423 = arith.constant 0 : i32
        %dma_start3A_424 = tpu.memref_slice %arg2[%dma_start3A_423] : memref<67108864xf32, #tpu.memory_space<hbm>> -> memref<67108864xf32, #tpu.memory_space<hbm>>
        tpu.enqueue_indirect_dma source(%dma_start3A_424 : memref<67108864xf32, #tpu.memory_space<hbm>>) target(%arg13 : memref<8192xf32, #tpu.memory_space<vmem>>) offsets(%arg9 : memref<8192xi32, #tpu.memory_space<vmem>>) semaphore(%arg19 : memref<!tpu.dma_semaphore, #tpu.memory_space<semaphore_mem>>)
        %dma_start3A_425 = arith.constant 0 : i32
        %dma_start3A_426 = tpu.memref_slice %arg2[%dma_start3A_425] : memref<67108864xf32, #tpu.memory_space<hbm>> -> memref<67108864xf32, #tpu.memory_space<hbm>>
        tpu.enqueue_indirect_dma source(%dma_start3A_426 : memref<67108864xf32, #tpu.memory_space<hbm>>) target(%arg14 : memref<8192xf32, #tpu.memory_space<vmem>>) offsets(%arg10 : memref<8192xi32, #tpu.memory_space<vmem>>) semaphore(%arg20 : memref<!tpu.dma_semaphore, #tpu.memory_space<semaphore_mem>>)
      } else {
      }
      %dma_wait3A_258 = arith.constant 0 : i32
      %dma_wait3A_259 = tpu.memref_slice %arg2[%dma_wait3A_258] : memref<67108864xf32, #tpu.memory_space<hbm>> -> memref<67108864xf32, #tpu.memory_space<hbm>>
      tpu.wait_indirect_dma semaphore(%arg17 : memref<!tpu.dma_semaphore, #tpu.memory_space<semaphore_mem>>) src(%dma_wait3A_259 : memref<67108864xf32, #tpu.memory_space<hbm>>) dst(%arg11 : memref<8192xf32, #tpu.memory_space<vmem>>)
      %dma_wait3A_260 = arith.constant 0 : i32
      %dma_wait3A_261 = tpu.memref_slice %arg2[%dma_wait3A_260] : memref<67108864xf32, #tpu.memory_space<hbm>> -> memref<67108864xf32, #tpu.memory_space<hbm>>
      tpu.wait_indirect_dma semaphore(%arg18 : memref<!tpu.dma_semaphore, #tpu.memory_space<semaphore_mem>>) src(%dma_wait3A_261 : memref<67108864xf32, #tpu.memory_space<hbm>>) dst(%arg12 : memref<8192xf32, #tpu.memory_space<vmem>>)
      %mul3A_262 = arith.constant 4 : i32
      %mul3A_263 = arith.muli %mul3A_242, %mul3A_262 : i32
      %add3A_264 = arith.addi %mul3A_2, %mul3A_263 : i32
      %add3A_265 = arith.constant 0 : i32
      %add3A_266 = arith.addi %add3A_264, %add3A_265 : i32
      %dma_start3A_267 = arith.constant 0 : i32
      %dma_start3A_268 = tpu.memref_slice %arg11[%dma_start3A_267] : memref<8192xf32, #tpu.memory_space<vmem>> -> memref<4096xf32, #tpu.memory_space<vmem>>
      %dma_start3A_269 = arith.constant 0 : i32
      %dma_start3A_270 = tpu.memref_slice %arg4[%add3A_266, %dma_start3A_269] : memref<16384x4096xf32, #tpu.memory_space<hbm>> -> memref<1x4096xf32, #tpu.memory_space<hbm>>
      %dma_start3A_271 = tpu.memref_squeeze %dma_start3A_270 : memref<1x4096xf32, #tpu.memory_space<hbm>> -> memref<4096xf32, #tpu.memory_space<hbm>>
      %dma_start3A_272 = arith.constant 0 : i32
      %dma_start3A_273 = tpu.memref_slice %arg4[%add3A_266, %dma_start3A_272] : memref<16384x4096xf32, #tpu.memory_space<hbm>> -> memref<1x4096xf32, #tpu.memory_space<hbm>>
      %dma_start3A_274 = tpu.memref_squeeze %dma_start3A_273 : memref<1x4096xf32, #tpu.memory_space<hbm>> -> memref<4096xf32, #tpu.memory_space<hbm>>
      %dma_start3A_275 = arith.constant 0 : i32
      %dma_start3A_276 = tpu.memref_slice %arg11[%dma_start3A_275] : memref<8192xf32, #tpu.memory_space<vmem>> -> memref<4096xf32, #tpu.memory_space<vmem>>
      tpu.enqueue_dma source(%dma_start3A_276 : memref<4096xf32, #tpu.memory_space<vmem>>) target(%dma_start3A_274 : memref<4096xf32, #tpu.memory_space<hbm>>) target_semaphore(%arg16 : memref<!tpu.dma_semaphore, #tpu.memory_space<semaphore_mem>>)
      %mul3A_277 = arith.constant 4 : i32
      %mul3A_278 = arith.muli %mul3A_242, %mul3A_277 : i32
      %add3A_279 = arith.addi %mul3A_2, %mul3A_278 : i32
      %add3A_280 = arith.constant 1 : i32
      %add3A_281 = arith.addi %add3A_279, %add3A_280 : i32
      %dma_start3A_282 = arith.constant 4096 : i32
      %dma_start3A_283 = tpu.memref_slice %arg11[%dma_start3A_282] : memref<8192xf32, #tpu.memory_space<vmem>> -> memref<4096xf32, #tpu.memory_space<vmem>>
      %dma_start3A_284 = arith.constant 0 : i32
      %dma_start3A_285 = tpu.memref_slice %arg4[%add3A_281, %dma_start3A_284] : memref<16384x4096xf32, #tpu.memory_space<hbm>> -> memref<1x4096xf32, #tpu.memory_space<hbm>>
      %dma_start3A_286 = tpu.memref_squeeze %dma_start3A_285 : memref<1x4096xf32, #tpu.memory_space<hbm>> -> memref<4096xf32, #tpu.memory_space<hbm>>
      %dma_start3A_287 = arith.constant 0 : i32
      %dma_start3A_288 = tpu.memref_slice %arg4[%add3A_281, %dma_start3A_287] : memref<16384x4096xf32, #tpu.memory_space<hbm>> -> memref<1x4096xf32, #tpu.memory_space<hbm>>
      %dma_start3A_289 = tpu.memref_squeeze %dma_start3A_288 : memref<1x4096xf32, #tpu.memory_space<hbm>> -> memref<4096xf32, #tpu.memory_space<hbm>>
      %dma_start3A_290 = arith.constant 4096 : i32
      %dma_start3A_291 = tpu.memref_slice %arg11[%dma_start3A_290] : memref<8192xf32, #tpu.memory_space<vmem>> -> memref<4096xf32, #tpu.memory_space<vmem>>
      tpu.enqueue_dma source(%dma_start3A_291 : memref<4096xf32, #tpu.memory_space<vmem>>) target(%dma_start3A_289 : memref<4096xf32, #tpu.memory_space<hbm>>) target_semaphore(%arg16 : memref<!tpu.dma_semaphore, #tpu.memory_space<semaphore_mem>>)
      %mul3A_292 = arith.constant 4 : i32
      %mul3A_293 = arith.muli %mul3A_242, %mul3A_292 : i32
      %add3A_294 = arith.addi %mul3A_2, %mul3A_293 : i32
      %add3A_295 = arith.constant 2 : i32
      %add3A_296 = arith.addi %add3A_294, %add3A_295 : i32
      %dma_start3A_297 = arith.constant 0 : i32
      %dma_start3A_298 = tpu.memref_slice %arg12[%dma_start3A_297] : memref<8192xf32, #tpu.memory_space<vmem>> -> memref<4096xf32, #tpu.memory_space<vmem>>
      %dma_start3A_299 = arith.constant 0 : i32
      %dma_start3A_300 = tpu.memref_slice %arg4[%add3A_296, %dma_start3A_299] : memref<16384x4096xf32, #tpu.memory_space<hbm>> -> memref<1x4096xf32, #tpu.memory_space<hbm>>
      %dma_start3A_301 = tpu.memref_squeeze %dma_start3A_300 : memref<1x4096xf32, #tpu.memory_space<hbm>> -> memref<4096xf32, #tpu.memory_space<hbm>>
      %dma_start3A_302 = arith.constant 0 : i32
      %dma_start3A_303 = tpu.memref_slice %arg4[%add3A_296, %dma_start3A_302] : memref<16384x4096xf32, #tpu.memory_space<hbm>> -> memref<1x4096xf32, #tpu.memory_space<hbm>>
      %dma_start3A_304 = tpu.memref_squeeze %dma_start3A_303 : memref<1x4096xf32, #tpu.memory_space<hbm>> -> memref<4096xf32, #tpu.memory_space<hbm>>
      %dma_start3A_305 = arith.constant 0 : i32
      %dma_start3A_306 = tpu.memref_slice %arg12[%dma_start3A_305] : memref<8192xf32, #tpu.memory_space<vmem>> -> memref<4096xf32, #tpu.memory_space<vmem>>
      tpu.enqueue_dma source(%dma_start3A_306 : memref<4096xf32, #tpu.memory_space<vmem>>) target(%dma_start3A_304 : memref<4096xf32, #tpu.memory_space<hbm>>) target_semaphore(%arg16 : memref<!tpu.dma_semaphore, #tpu.memory_space<semaphore_mem>>)
      %mul3A_307 = arith.constant 4 : i32
      %mul3A_308 = arith.muli %mul3A_242, %mul3A_307 : i32
      %add3A_309 = arith.addi %mul3A_2, %mul3A_308 : i32
      %add3A_310 = arith.constant 3 : i32
      %add3A_311 = arith.addi %add3A_309, %add3A_310 : i32
      %dma_start3A_312 = arith.constant 4096 : i32
      %dma_start3A_313 = tpu.memref_slice %arg12[%dma_start3A_312] : memref<8192xf32, #tpu.memory_space<vmem>> -> memref<4096xf32, #tpu.memory_space<vmem>>
      %dma_start3A_314 = arith.constant 0 : i32
      %dma_start3A_315 = tpu.memref_slice %arg4[%add3A_311, %dma_start3A_314] : memref<16384x4096xf32, #tpu.memory_space<hbm>> -> memref<1x4096xf32, #tpu.memory_space<hbm>>
      %dma_start3A_316 = tpu.memref_squeeze %dma_start3A_315 : memref<1x4096xf32, #tpu.memory_space<hbm>> -> memref<4096xf32, #tpu.memory_space<hbm>>
      %dma_start3A_317 = arith.constant 0 : i32
      %dma_start3A_318 = tpu.memref_slice %arg4[%add3A_311, %dma_start3A_317] : memref<16384x4096xf32, #tpu.memory_space<hbm>> -> memref<1x4096xf32, #tpu.memory_space<hbm>>
      %dma_start3A_319 = tpu.memref_squeeze %dma_start3A_318 : memref<1x4096xf32, #tpu.memory_space<hbm>> -> memref<4096xf32, #tpu.memory_space<hbm>>
      %dma_start3A_320 = arith.constant 4096 : i32
      %dma_start3A_321 = tpu.memref_slice %arg12[%dma_start3A_320] : memref<8192xf32, #tpu.memory_space<vmem>> -> memref<4096xf32, #tpu.memory_space<vmem>>
      tpu.enqueue_dma source(%dma_start3A_321 : memref<4096xf32, #tpu.memory_space<vmem>>) target(%dma_start3A_319 : memref<4096xf32, #tpu.memory_space<hbm>>) target_semaphore(%arg16 : memref<!tpu.dma_semaphore, #tpu.memory_space<semaphore_mem>>)
      %add3A_322 = arith.constant 2 : i32
      %add3A_323 = arith.addi %mul3A_242, %add3A_322 : i32
      %lt3A_324 = arith.constant 128 : i32
      %lt3A_325 = arith.cmpi slt, %add3A_323, %lt3A_324 : i32
      %convert_element_type3A_326 = arith.extui %lt3A_325 : i1 to i32
      %cond3A_327 = arith.constant 0 : i32
      %cond3A_328 = arith.cmpi ne, %convert_element_type3A_326, %cond3A_327 : i32
      scf.if %cond3A_328 {
        %add3A_423 = arith.constant 2 : i32
        %add3A_424 = arith.addi %mul3A_242, %add3A_423 : i32
        %mul3A_425 = arith.constant 4 : i32
        %mul3A_426 = arith.muli %add3A_424, %mul3A_425 : i32
        %add3A_427 = arith.addi %mul3A_2, %mul3A_426 : i32
        %add3A_428 = arith.constant 0 : i32
        %add3A_429 = arith.addi %add3A_427, %add3A_428 : i32
        %dma_start3A_430 = arith.constant 0 : i32
        %dma_start3A_431 = tpu.memref_slice %arg5[%dma_start3A_430] : memref<16384xi32, #tpu.memory_space<vmem>> -> memref<4096xi32, #tpu.memory_space<vmem>>
        %dma_start3A_432 = arith.constant 0 : i32
        %dma_start3A_433 = tpu.memref_slice %arg3[%add3A_429, %dma_start3A_432] : memref<16384x4096xi32, #tpu.memory_space<hbm>> -> memref<1x4096xi32, #tpu.memory_space<hbm>>
        %dma_start3A_434 = tpu.memref_squeeze %dma_start3A_433 : memref<1x4096xi32, #tpu.memory_space<hbm>> -> memref<4096xi32, #tpu.memory_space<hbm>>
        %dma_start3A_435 = arith.constant 0 : i32
        %dma_start3A_436 = tpu.memref_slice %arg5[%dma_start3A_435] : memref<16384xi32, #tpu.memory_space<vmem>> -> memref<4096xi32, #tpu.memory_space<vmem>>
        %dma_start3A_437 = arith.constant 0 : i32
        %dma_start3A_438 = tpu.memref_slice %arg3[%add3A_429, %dma_start3A_437] : memref<16384x4096xi32, #tpu.memory_space<hbm>> -> memref<1x4096xi32, #tpu.memory_space<hbm>>
        %dma_start3A_439 = tpu.memref_squeeze %dma_start3A_438 : memref<1x4096xi32, #tpu.memory_space<hbm>> -> memref<4096xi32, #tpu.memory_space<hbm>>
        tpu.enqueue_dma source(%dma_start3A_439 : memref<4096xi32, #tpu.memory_space<hbm>>) target(%dma_start3A_436 : memref<4096xi32, #tpu.memory_space<vmem>>) target_semaphore(%arg15 : memref<!tpu.dma_semaphore, #tpu.memory_space<semaphore_mem>>)
        %mul3A_440 = arith.constant 4 : i32
        %mul3A_441 = arith.muli %add3A_424, %mul3A_440 : i32
        %add3A_442 = arith.addi %mul3A_2, %mul3A_441 : i32
        %add3A_443 = arith.constant 1 : i32
        %add3A_444 = arith.addi %add3A_442, %add3A_443 : i32
        %dma_start3A_445 = arith.constant 4096 : i32
        %dma_start3A_446 = tpu.memref_slice %arg5[%dma_start3A_445] : memref<16384xi32, #tpu.memory_space<vmem>> -> memref<4096xi32, #tpu.memory_space<vmem>>
        %dma_start3A_447 = arith.constant 0 : i32
        %dma_start3A_448 = tpu.memref_slice %arg3[%add3A_444, %dma_start3A_447] : memref<16384x4096xi32, #tpu.memory_space<hbm>> -> memref<1x4096xi32, #tpu.memory_space<hbm>>
        %dma_start3A_449 = tpu.memref_squeeze %dma_start3A_448 : memref<1x4096xi32, #tpu.memory_space<hbm>> -> memref<4096xi32, #tpu.memory_space<hbm>>
        %dma_start3A_450 = arith.constant 4096 : i32
        %dma_start3A_451 = tpu.memref_slice %arg5[%dma_start3A_450] : memref<16384xi32, #tpu.memory_space<vmem>> -> memref<4096xi32, #tpu.memory_space<vmem>>
        %dma_start3A_452 = arith.constant 0 : i32
        %dma_start3A_453 = tpu.memref_slice %arg3[%add3A_444, %dma_start3A_452] : memref<16384x4096xi32, #tpu.memory_space<hbm>> -> memref<1x4096xi32, #tpu.memory_space<hbm>>
        %dma_start3A_454 = tpu.memref_squeeze %dma_start3A_453 : memref<1x4096xi32, #tpu.memory_space<hbm>> -> memref<4096xi32, #tpu.memory_space<hbm>>
        tpu.enqueue_dma source(%dma_start3A_454 : memref<4096xi32, #tpu.memory_space<hbm>>) target(%dma_start3A_451 : memref<4096xi32, #tpu.memory_space<vmem>>) target_semaphore(%arg15 : memref<!tpu.dma_semaphore, #tpu.memory_space<semaphore_mem>>)
        %mul3A_455 = arith.constant 4 : i32
        %mul3A_456 = arith.muli %add3A_424, %mul3A_455 : i32
        %add3A_457 = arith.addi %mul3A_2, %mul3A_456 : i32
        %add3A_458 = arith.constant 2 : i32
        %add3A_459 = arith.addi %add3A_457, %add3A_458 : i32
        %dma_start3A_460 = arith.constant 8192 : i32
        %dma_start3A_461 = tpu.memref_slice %arg5[%dma_start3A_460] : memref<16384xi32, #tpu.memory_space<vmem>> -> memref<4096xi32, #tpu.memory_space<vmem>>
        %dma_start3A_462 = arith.constant 0 : i32
        %dma_start3A_463 = tpu.memref_slice %arg3[%add3A_459, %dma_start3A_462] : memref<16384x4096xi32, #tpu.memory_space<hbm>> -> memref<1x4096xi32, #tpu.memory_space<hbm>>
        %dma_start3A_464 = tpu.memref_squeeze %dma_start3A_463 : memref<1x4096xi32, #tpu.memory_space<hbm>> -> memref<4096xi32, #tpu.memory_space<hbm>>
        %dma_start3A_465 = arith.constant 8192 : i32
        %dma_start3A_466 = tpu.memref_slice %arg5[%dma_start3A_465] : memref<16384xi32, #tpu.memory_space<vmem>> -> memref<4096xi32, #tpu.memory_space<vmem>>
        %dma_start3A_467 = arith.constant 0 : i32
        %dma_start3A_468 = tpu.memref_slice %arg3[%add3A_459, %dma_start3A_467] : memref<16384x4096xi32, #tpu.memory_space<hbm>> -> memref<1x4096xi32, #tpu.memory_space<hbm>>
        %dma_start3A_469 = tpu.memref_squeeze %dma_start3A_468 : memref<1x4096xi32, #tpu.memory_space<hbm>> -> memref<4096xi32, #tpu.memory_space<hbm>>
        tpu.enqueue_dma source(%dma_start3A_469 : memref<4096xi32, #tpu.memory_space<hbm>>) target(%dma_start3A_466 : memref<4096xi32, #tpu.memory_space<vmem>>) target_semaphore(%arg15 : memref<!tpu.dma_semaphore, #tpu.memory_space<semaphore_mem>>)
        %mul3A_470 = arith.constant 4 : i32
        %mul3A_471 = arith.muli %add3A_424, %mul3A_470 : i32
        %add3A_472 = arith.addi %mul3A_2, %mul3A_471 : i32
        %add3A_473 = arith.constant 3 : i32
        %add3A_474 = arith.addi %add3A_472, %add3A_473 : i32
        %dma_start3A_475 = arith.constant 12288 : i32
        %dma_start3A_476 = tpu.memref_slice %arg5[%dma_start3A_475] : memref<16384xi32, #tpu.memory_space<vmem>> -> memref<4096xi32, #tpu.memory_space<vmem>>
        %dma_start3A_477 = arith.constant 0 : i32
        %dma_start3A_478 = tpu.memref_slice %arg3[%add3A_474, %dma_start3A_477] : memref<16384x4096xi32, #tpu.memory_space<hbm>> -> memref<1x4096xi32, #tpu.memory_space<hbm>>
        %dma_start3A_479 = tpu.memref_squeeze %dma_start3A_478 : memref<1x4096xi32, #tpu.memory_space<hbm>> -> memref<4096xi32, #tpu.memory_space<hbm>>
        %dma_start3A_480 = arith.constant 12288 : i32
        %dma_start3A_481 = tpu.memref_slice %arg5[%dma_start3A_480] : memref<16384xi32, #tpu.memory_space<vmem>> -> memref<4096xi32, #tpu.memory_space<vmem>>
        %dma_start3A_482 = arith.constant 0 : i32
        %dma_start3A_483 = tpu.memref_slice %arg3[%add3A_474, %dma_start3A_482] : memref<16384x4096xi32, #tpu.memory_space<hbm>> -> memref<1x4096xi32, #tpu.memory_space<hbm>>
        %dma_start3A_484 = tpu.memref_squeeze %dma_start3A_483 : memref<1x4096xi32, #tpu.memory_space<hbm>> -> memref<4096xi32, #tpu.memory_space<hbm>>
        tpu.enqueue_dma source(%dma_start3A_484 : memref<4096xi32, #tpu.memory_space<hbm>>) target(%dma_start3A_481 : memref<4096xi32, #tpu.memory_space<vmem>>) target_semaphore(%arg15 : memref<!tpu.dma_semaphore, #tpu.memory_space<semaphore_mem>>)
      } else {
      }
      %mul3A_329 = arith.constant 2 : i32
      %mul3A_330 = arith.muli %mul3A_329, %scan3A_240 : i32
      %add3A_331 = arith.constant 1 : i32
      %add3A_332 = arith.addi %mul3A_330, %add3A_331 : i32
      %add3A_333 = arith.constant 1 : i32
      %add3A_334 = arith.addi %add3A_332, %add3A_333 : i32
      %lt3A_335 = arith.constant 128 : i32
      %lt3A_336 = arith.cmpi slt, %add3A_334, %lt3A_335 : i32
      %convert_element_type3A_337 = arith.extui %lt3A_336 : i1 to i32
      %cond3A_338 = arith.constant 0 : i32
      %cond3A_339 = arith.cmpi ne, %convert_element_type3A_337, %cond3A_338 : i32
      scf.if %cond3A_339 {
        %add3A_423 = arith.constant 1 : i32
        %add3A_424 = arith.addi %add3A_332, %add3A_423 : i32
        %mul3A_425 = arith.constant 4 : i32
        %mul3A_426 = arith.muli %add3A_424, %mul3A_425 : i32
        %add3A_427 = arith.addi %mul3A_2, %mul3A_426 : i32
        %add3A_428 = arith.constant 0 : i32
        %add3A_429 = arith.addi %add3A_427, %add3A_428 : i32
        %dma_wait3A_430 = arith.constant 0 : i32
        %dma_wait3A_431 = tpu.memref_slice %arg5[%dma_wait3A_430] : memref<16384xi32, #tpu.memory_space<vmem>> -> memref<4096xi32, #tpu.memory_space<vmem>>
        %dma_wait3A_432 = arith.constant 0 : i32
        %dma_wait3A_433 = tpu.memref_slice %arg3[%add3A_429, %dma_wait3A_432] : memref<16384x4096xi32, #tpu.memory_space<hbm>> -> memref<1x4096xi32, #tpu.memory_space<hbm>>
        %dma_wait3A_434 = tpu.memref_squeeze %dma_wait3A_433 : memref<1x4096xi32, #tpu.memory_space<hbm>> -> memref<4096xi32, #tpu.memory_space<hbm>>
        %dma_wait3A_435 = arith.constant 0 : i32
        %dma_wait3A_436 = tpu.memref_slice %arg5[%dma_wait3A_435] : memref<16384xi32, #tpu.memory_space<vmem>> -> memref<4096xi32, #tpu.memory_space<vmem>>
        %dma_wait3A_437 = arith.constant 0 : i32
        %dma_wait3A_438 = tpu.memref_slice %arg3[%add3A_429, %dma_wait3A_437] : memref<16384x4096xi32, #tpu.memory_space<hbm>> -> memref<1x4096xi32, #tpu.memory_space<hbm>>
        %dma_wait3A_439 = tpu.memref_squeeze %dma_wait3A_438 : memref<1x4096xi32, #tpu.memory_space<hbm>> -> memref<4096xi32, #tpu.memory_space<hbm>>
        tpu.wait_dma2 semaphore(%arg15 : memref<!tpu.dma_semaphore, #tpu.memory_space<semaphore_mem>>) src(%dma_wait3A_439 : memref<4096xi32, #tpu.memory_space<hbm>>) dst(%dma_wait3A_436 : memref<4096xi32, #tpu.memory_space<vmem>>)
        %mul3A_440 = arith.constant 4 : i32
        %mul3A_441 = arith.muli %add3A_424, %mul3A_440 : i32
        %add3A_442 = arith.addi %mul3A_2, %mul3A_441 : i32
        %add3A_443 = arith.constant 1 : i32
        %add3A_444 = arith.addi %add3A_442, %add3A_443 : i32
        %dma_wait3A_445 = arith.constant 4096 : i32
        %dma_wait3A_446 = tpu.memref_slice %arg5[%dma_wait3A_445] : memref<16384xi32, #tpu.memory_space<vmem>> -> memref<4096xi32, #tpu.memory_space<vmem>>
        %dma_wait3A_447 = arith.constant 0 : i32
        %dma_wait3A_448 = tpu.memref_slice %arg3[%add3A_444, %dma_wait3A_447] : memref<16384x4096xi32, #tpu.memory_space<hbm>> -> memref<1x4096xi32, #tpu.memory_space<hbm>>
        %dma_wait3A_449 = tpu.memref_squeeze %dma_wait3A_448 : memref<1x4096xi32, #tpu.memory_space<hbm>> -> memref<4096xi32, #tpu.memory_space<hbm>>
        %dma_wait3A_450 = arith.constant 4096 : i32
        %dma_wait3A_451 = tpu.memref_slice %arg5[%dma_wait3A_450] : memref<16384xi32, #tpu.memory_space<vmem>> -> memref<4096xi32, #tpu.memory_space<vmem>>
        %dma_wait3A_452 = arith.constant 0 : i32
        %dma_wait3A_453 = tpu.memref_slice %arg3[%add3A_444, %dma_wait3A_452] : memref<16384x4096xi32, #tpu.memory_space<hbm>> -> memref<1x4096xi32, #tpu.memory_space<hbm>>
        %dma_wait3A_454 = tpu.memref_squeeze %dma_wait3A_453 : memref<1x4096xi32, #tpu.memory_space<hbm>> -> memref<4096xi32, #tpu.memory_space<hbm>>
        tpu.wait_dma2 semaphore(%arg15 : memref<!tpu.dma_semaphore, #tpu.memory_space<semaphore_mem>>) src(%dma_wait3A_454 : memref<4096xi32, #tpu.memory_space<hbm>>) dst(%dma_wait3A_451 : memref<4096xi32, #tpu.memory_space<vmem>>)
        %mul3A_455 = arith.constant 4 : i32
        %mul3A_456 = arith.muli %add3A_424, %mul3A_455 : i32
        %add3A_457 = arith.addi %mul3A_2, %mul3A_456 : i32
        %add3A_458 = arith.constant 2 : i32
        %add3A_459 = arith.addi %add3A_457, %add3A_458 : i32
        %dma_wait3A_460 = arith.constant 8192 : i32
        %dma_wait3A_461 = tpu.memref_slice %arg5[%dma_wait3A_460] : memref<16384xi32, #tpu.memory_space<vmem>> -> memref<4096xi32, #tpu.memory_space<vmem>>
        %dma_wait3A_462 = arith.constant 0 : i32
        %dma_wait3A_463 = tpu.memref_slice %arg3[%add3A_459, %dma_wait3A_462] : memref<16384x4096xi32, #tpu.memory_space<hbm>> -> memref<1x4096xi32, #tpu.memory_space<hbm>>
        %dma_wait3A_464 = tpu.memref_squeeze %dma_wait3A_463 : memref<1x4096xi32, #tpu.memory_space<hbm>> -> memref<4096xi32, #tpu.memory_space<hbm>>
        %dma_wait3A_465 = arith.constant 8192 : i32
        %dma_wait3A_466 = tpu.memref_slice %arg5[%dma_wait3A_465] : memref<16384xi32, #tpu.memory_space<vmem>> -> memref<4096xi32, #tpu.memory_space<vmem>>
        %dma_wait3A_467 = arith.constant 0 : i32
        %dma_wait3A_468 = tpu.memref_slice %arg3[%add3A_459, %dma_wait3A_467] : memref<16384x4096xi32, #tpu.memory_space<hbm>> -> memref<1x4096xi32, #tpu.memory_space<hbm>>
        %dma_wait3A_469 = tpu.memref_squeeze %dma_wait3A_468 : memref<1x4096xi32, #tpu.memory_space<hbm>> -> memref<4096xi32, #tpu.memory_space<hbm>>
        tpu.wait_dma2 semaphore(%arg15 : memref<!tpu.dma_semaphore, #tpu.memory_space<semaphore_mem>>) src(%dma_wait3A_469 : memref<4096xi32, #tpu.memory_space<hbm>>) dst(%dma_wait3A_466 : memref<4096xi32, #tpu.memory_space<vmem>>)
        %mul3A_470 = arith.constant 4 : i32
        %mul3A_471 = arith.muli %add3A_424, %mul3A_470 : i32
        %add3A_472 = arith.addi %mul3A_2, %mul3A_471 : i32
        %add3A_473 = arith.constant 3 : i32
        %add3A_474 = arith.addi %add3A_472, %add3A_473 : i32
        %dma_wait3A_475 = arith.constant 12288 : i32
        %dma_wait3A_476 = tpu.memref_slice %arg5[%dma_wait3A_475] : memref<16384xi32, #tpu.memory_space<vmem>> -> memref<4096xi32, #tpu.memory_space<vmem>>
        %dma_wait3A_477 = arith.constant 0 : i32
        %dma_wait3A_478 = tpu.memref_slice %arg3[%add3A_474, %dma_wait3A_477] : memref<16384x4096xi32, #tpu.memory_space<hbm>> -> memref<1x4096xi32, #tpu.memory_space<hbm>>
        %dma_wait3A_479 = tpu.memref_squeeze %dma_wait3A_478 : memref<1x4096xi32, #tpu.memory_space<hbm>> -> memref<4096xi32, #tpu.memory_space<hbm>>
        %dma_wait3A_480 = arith.constant 12288 : i32
        %dma_wait3A_481 = tpu.memref_slice %arg5[%dma_wait3A_480] : memref<16384xi32, #tpu.memory_space<vmem>> -> memref<4096xi32, #tpu.memory_space<vmem>>
        %dma_wait3A_482 = arith.constant 0 : i32
        %dma_wait3A_483 = tpu.memref_slice %arg3[%add3A_474, %dma_wait3A_482] : memref<16384x4096xi32, #tpu.memory_space<hbm>> -> memref<1x4096xi32, #tpu.memory_space<hbm>>
        %dma_wait3A_484 = tpu.memref_squeeze %dma_wait3A_483 : memref<1x4096xi32, #tpu.memory_space<hbm>> -> memref<4096xi32, #tpu.memory_space<hbm>>
        tpu.wait_dma2 semaphore(%arg15 : memref<!tpu.dma_semaphore, #tpu.memory_space<semaphore_mem>>) src(%dma_wait3A_484 : memref<4096xi32, #tpu.memory_space<hbm>>) dst(%dma_wait3A_481 : memref<4096xi32, #tpu.memory_space<vmem>>)
        %scan3A_485 = arith.constant 0 : i32
        %scan3A_486 = arith.constant 0 : i32
        %scan3A_487 = arith.constant 512 : i32
        %scan3A_488 = arith.addi %scan3A_486, %scan3A_487 : i32
        %scan3A_489 = arith.constant 8 : i32
        scf.for %scan3A_491 = %scan3A_486 to %scan3A_488 step %scan3A_489  : i32 {
          %rem3A = arith.constant 256 : i32
          %rem3A_492 = arith.remsi %scan3A_491, %rem3A : i32
          %shift_left3A = arith.constant 4 : i32
          %shift_left3A_493 = arith.shli %rem3A_492, %shift_left3A : i32
          %add3A_494 = vector.broadcast %shift_left3A_493 : i32 to vector<16xi32>
          %add3A_495 = arith.addi %add3A_494, %iota3A : vector<16xi32>
          %mul3A_496 = arith.constant 16 : i32
          %mul3A_497 = arith.muli %scan3A_491, %mul3A_496 : i32
          %get3A = arith.index_cast %mul3A_497 : i32 to index
          %get3A_498 = tpu.vector_load %arg5[%get3A] {strides = array<i32>} : memref<16384xi32, #tpu.memory_space<vmem>>, vector<16xi32>,
          %get3A_499 = vector.shape_cast %get3A_498 : vector<16xi32> to vector<16xi32>
          %shift_left3A_500 = arith.constant 12 : i32
          %shift_left3A_501 = vector.broadcast %shift_left3A_500 : i32 to vector<16xi32>
          %shift_left3A_502 = arith.shli %get3A_499, %shift_left3A_501 : vector<16xi32>
          %or3A = arith.ori %shift_left3A_502, %add3A_495 : vector<16xi32>
          %mul3A_503 = arith.constant 16 : i32
          %mul3A_504 = arith.muli %scan3A_491, %mul3A_503 : i32
          %swap3A = arith.index_cast %mul3A_504 : i32 to index
          %swap3A_505 = tpu.vector_load %arg7[%swap3A] {strides = array<i32>} : memref<8192xi32, #tpu.memory_space<vmem>>, vector<16xi32>,
          %swap3A_506 = vector.shape_cast %swap3A_505 : vector<16xi32> to vector<16xi32>
          %swap3A_507 = vector.shape_cast %or3A : vector<16xi32> to vector<16xi32>
          tpu.vector_store %arg7[%swap3A], %swap3A_507 {strides = array<i32>} : memref<8192xi32, #tpu.memory_space<vmem>>, vector<16xi32>,
          %mul3A_508 = arith.constant 16 : i32
          %mul3A_509 = arith.muli %scan3A_491, %mul3A_508 : i32
          %add3A_510 = arith.constant 8192 : i32
          %add3A_511 = arith.addi %add3A_510, %mul3A_509 : i32
          %get3A_512 = arith.index_cast %add3A_511 : i32 to index
          %get3A_513 = tpu.vector_load %arg5[%get3A_512] {strides = array<i32>} : memref<16384xi32, #tpu.memory_space<vmem>>, vector<16xi32>,
          %get3A_514 = vector.shape_cast %get3A_513 : vector<16xi32> to vector<16xi32>
          %shift_left3A_515 = arith.constant 12 : i32
          %shift_left3A_516 = vector.broadcast %shift_left3A_515 : i32 to vector<16xi32>
          %shift_left3A_517 = arith.shli %get3A_514, %shift_left3A_516 : vector<16xi32>
          %or3A_518 = arith.ori %shift_left3A_517, %add3A_495 : vector<16xi32>
          %mul3A_519 = arith.constant 16 : i32
          %mul3A_520 = arith.muli %scan3A_491, %mul3A_519 : i32
          %swap3A_521 = arith.index_cast %mul3A_520 : i32 to index
          %swap3A_522 = tpu.vector_load %arg8[%swap3A_521] {strides = array<i32>} : memref<8192xi32, #tpu.memory_space<vmem>>, vector<16xi32>,
          %swap3A_523 = vector.shape_cast %swap3A_522 : vector<16xi32> to vector<16xi32>
          %swap3A_524 = vector.shape_cast %or3A_518 : vector<16xi32> to vector<16xi32>
          tpu.vector_store %arg8[%swap3A_521], %swap3A_524 {strides = array<i32>} : memref<8192xi32, #tpu.memory_space<vmem>>, vector<16xi32>,
          %scan3A_525 = arith.constant 1 : i32
          %scan3A_526 = arith.addi %scan3A_491, %scan3A_525 : i32
          %rem3A_527 = arith.constant 256 : i32
          %rem3A_528 = arith.remsi %scan3A_526, %rem3A_527 : i32
          %shift_left3A_529 = arith.constant 4 : i32
          %shift_left3A_530 = arith.shli %rem3A_528, %shift_left3A_529 : i32
          %add3A_531 = vector.broadcast %shift_left3A_530 : i32 to vector<16xi32>
          %add3A_532 = arith.addi %add3A_531, %iota3A : vector<16xi32>
          %mul3A_533 = arith.constant 16 : i32
          %mul3A_534 = arith.muli %scan3A_526, %mul3A_533 : i32
          %get3A_535 = arith.index_cast %mul3A_534 : i32 to index
          %get3A_536 = tpu.vector_load %arg5[%get3A_535] {strides = array<i32>} : memref<16384xi32, #tpu.memory_space<vmem>>, vector<16xi32>,
          %get3A_537 = vector.shape_cast %get3A_536 : vector<16xi32> to vector<16xi32>
          %shift_left3A_538 = arith.constant 12 : i32
          %shift_left3A_539 = vector.broadcast %shift_left3A_538 : i32 to vector<16xi32>
          %shift_left3A_540 = arith.shli %get3A_537, %shift_left3A_539 : vector<16xi32>
          %or3A_541 = arith.ori %shift_left3A_540, %add3A_532 : vector<16xi32>
          %mul3A_542 = arith.constant 16 : i32
          %mul3A_543 = arith.muli %scan3A_526, %mul3A_542 : i32
          %swap3A_544 = arith.index_cast %mul3A_543 : i32 to index
          %swap3A_545 = tpu.vector_load %arg7[%swap3A_544] {strides = array<i32>} : memref<8192xi32, #tpu.memory_space<vmem>>, vector<16xi32>,
          %swap3A_546 = vector.shape_cast %swap3A_545 : vector<16xi32> to vector<16xi32>
          %swap3A_547 = vector.shape_cast %or3A_541 : vector<16xi32> to vector<16xi32>
          tpu.vector_store %arg7[%swap3A_544], %swap3A_547 {strides = array<i32>} : memref<8192xi32, #tpu.memory_space<vmem>>, vector<16xi32>,
          %mul3A_548 = arith.constant 16 : i32
          %mul3A_549 = arith.muli %scan3A_526, %mul3A_548 : i32
          %add3A_550 = arith.constant 8192 : i32
          %add3A_551 = arith.addi %add3A_550, %mul3A_549 : i32
          %get3A_552 = arith.index_cast %add3A_551 : i32 to index
          %get3A_553 = tpu.vector_load %arg5[%get3A_552] {strides = array<i32>} : memref<16384xi32, #tpu.memory_space<vmem>>, vector<16xi32>,
          %get3A_554 = vector.shape_cast %get3A_553 : vector<16xi32> to vector<16xi32>
          %shift_left3A_555 = arith.constant 12 : i32
          %shift_left3A_556 = vector.broadcast %shift_left3A_555 : i32 to vector<16xi32>
          %shift_left3A_557 = arith.shli %get3A_554, %shift_left3A_556 : vector<16xi32>
          %or3A_558 = arith.ori %shift_left3A_557, %add3A_532 : vector<16xi32>
          %mul3A_559 = arith.constant 16 : i32
          %mul3A_560 = arith.muli %scan3A_526, %mul3A_559 : i32
          %swap3A_561 = arith.index_cast %mul3A_560 : i32 to index
          %swap3A_562 = tpu.vector_load %arg8[%swap3A_561] {strides = array<i32>} : memref<8192xi32, #tpu.memory_space<vmem>>, vector<16xi32>,
          %swap3A_563 = vector.shape_cast %swap3A_562 : vector<16xi32> to vector<16xi32>
          %swap3A_564 = vector.shape_cast %or3A_558 : vector<16xi32> to vector<16xi32>
          tpu.vector_store %arg8[%swap3A_561], %swap3A_564 {strides = array<i32>} : memref<8192xi32, #tpu.memory_space<vmem>>, vector<16xi32>,
          %scan3A_565 = arith.constant 2 : i32
          %scan3A_566 = arith.addi %scan3A_491, %scan3A_565 : i32
          %rem3A_567 = arith.constant 256 : i32
          %rem3A_568 = arith.remsi %scan3A_566, %rem3A_567 : i32
          %shift_left3A_569 = arith.constant 4 : i32
          %shift_left3A_570 = arith.shli %rem3A_568, %shift_left3A_569 : i32
          %add3A_571 = vector.broadcast %shift_left3A_570 : i32 to vector<16xi32>
          %add3A_572 = arith.addi %add3A_571, %iota3A : vector<16xi32>
          %mul3A_573 = arith.constant 16 : i32
          %mul3A_574 = arith.muli %scan3A_566, %mul3A_573 : i32
          %get3A_575 = arith.index_cast %mul3A_574 : i32 to index
          %get3A_576 = tpu.vector_load %arg5[%get3A_575] {strides = array<i32>} : memref<16384xi32, #tpu.memory_space<vmem>>, vector<16xi32>,
          %get3A_577 = vector.shape_cast %get3A_576 : vector<16xi32> to vector<16xi32>
          %shift_left3A_578 = arith.constant 12 : i32
          %shift_left3A_579 = vector.broadcast %shift_left3A_578 : i32 to vector<16xi32>
          %shift_left3A_580 = arith.shli %get3A_577, %shift_left3A_579 : vector<16xi32>
          %or3A_581 = arith.ori %shift_left3A_580, %add3A_572 : vector<16xi32>
          %mul3A_582 = arith.constant 16 : i32
          %mul3A_583 = arith.muli %scan3A_566, %mul3A_582 : i32
          %swap3A_584 = arith.index_cast %mul3A_583 : i32 to index
          %swap3A_585 = tpu.vector_load %arg7[%swap3A_584] {strides = array<i32>} : memref<8192xi32, #tpu.memory_space<vmem>>, vector<16xi32>,
          %swap3A_586 = vector.shape_cast %swap3A_585 : vector<16xi32> to vector<16xi32>
          %swap3A_587 = vector.shape_cast %or3A_581 : vector<16xi32> to vector<16xi32>
          tpu.vector_store %arg7[%swap3A_584], %swap3A_587 {strides = array<i32>} : memref<8192xi32, #tpu.memory_space<vmem>>, vector<16xi32>,
          %mul3A_588 = arith.constant 16 : i32
          %mul3A_589 = arith.muli %scan3A_566, %mul3A_588 : i32
          %add3A_590 = arith.constant 8192 : i32
          %add3A_591 = arith.addi %add3A_590, %mul3A_589 : i32
          %get3A_592 = arith.index_cast %add3A_591 : i32 to index
          %get3A_593 = tpu.vector_load %arg5[%get3A_592] {strides = array<i32>} : memref<16384xi32, #tpu.memory_space<vmem>>, vector<16xi32>,
          %get3A_594 = vector.shape_cast %get3A_593 : vector<16xi32> to vector<16xi32>
          %shift_left3A_595 = arith.constant 12 : i32
          %shift_left3A_596 = vector.broadcast %shift_left3A_595 : i32 to vector<16xi32>
          %shift_left3A_597 = arith.shli %get3A_594, %shift_left3A_596 : vector<16xi32>
          %or3A_598 = arith.ori %shift_left3A_597, %add3A_572 : vector<16xi32>
          %mul3A_599 = arith.constant 16 : i32
          %mul3A_600 = arith.muli %scan3A_566, %mul3A_599 : i32
          %swap3A_601 = arith.index_cast %mul3A_600 : i32 to index
          %swap3A_602 = tpu.vector_load %arg8[%swap3A_601] {strides = array<i32>} : memref<8192xi32, #tpu.memory_space<vmem>>, vector<16xi32>,
          %swap3A_603 = vector.shape_cast %swap3A_602 : vector<16xi32> to vector<16xi32>
          %swap3A_604 = vector.shape_cast %or3A_598 : vector<16xi32> to vector<16xi32>
          tpu.vector_store %arg8[%swap3A_601], %swap3A_604 {strides = array<i32>} : memref<8192xi32, #tpu.memory_space<vmem>>, vector<16xi32>,
          %scan3A_605 = arith.constant 3 : i32
          %scan3A_606 = arith.addi %scan3A_491, %scan3A_605 : i32
          %rem3A_607 = arith.constant 256 : i32
          %rem3A_608 = arith.remsi %scan3A_606, %rem3A_607 : i32
          %shift_left3A_609 = arith.constant 4 : i32
          %shift_left3A_610 = arith.shli %rem3A_608, %shift_left3A_609 : i32
          %add3A_611 = vector.broadcast %shift_left3A_610 : i32 to vector<16xi32>
          %add3A_612 = arith.addi %add3A_611, %iota3A : vector<16xi32>
          %mul3A_613 = arith.constant 16 : i32
          %mul3A_614 = arith.muli %scan3A_606, %mul3A_613 : i32
          %get3A_615 = arith.index_cast %mul3A_614 : i32 to index
          %get3A_616 = tpu.vector_load %arg5[%get3A_615] {strides = array<i32>} : memref<16384xi32, #tpu.memory_space<vmem>>, vector<16xi32>,
          %get3A_617 = vector.shape_cast %get3A_616 : vector<16xi32> to vector<16xi32>
          %shift_left3A_618 = arith.constant 12 : i32
          %shift_left3A_619 = vector.broadcast %shift_left3A_618 : i32 to vector<16xi32>
          %shift_left3A_620 = arith.shli %get3A_617, %shift_left3A_619 : vector<16xi32>
          %or3A_621 = arith.ori %shift_left3A_620, %add3A_612 : vector<16xi32>
          %mul3A_622 = arith.constant 16 : i32
          %mul3A_623 = arith.muli %scan3A_606, %mul3A_622 : i32
          %swap3A_624 = arith.index_cast %mul3A_623 : i32 to index
          %swap3A_625 = tpu.vector_load %arg7[%swap3A_624] {strides = array<i32>} : memref<8192xi32, #tpu.memory_space<vmem>>, vector<16xi32>,
          %swap3A_626 = vector.shape_cast %swap3A_625 : vector<16xi32> to vector<16xi32>
          %swap3A_627 = vector.shape_cast %or3A_621 : vector<16xi32> to vector<16xi32>
          tpu.vector_store %arg7[%swap3A_624], %swap3A_627 {strides = array<i32>} : memref<8192xi32, #tpu.memory_space<vmem>>, vector<16xi32>,
          %mul3A_628 = arith.constant 16 : i32
          %mul3A_629 = arith.muli %scan3A_606, %mul3A_628 : i32
          %add3A_630 = arith.constant 8192 : i32
          %add3A_631 = arith.addi %add3A_630, %mul3A_629 : i32
          %get3A_632 = arith.index_cast %add3A_631 : i32 to index
          %get3A_633 = tpu.vector_load %arg5[%get3A_632] {strides = array<i32>} : memref<16384xi32, #tpu.memory_space<vmem>>, vector<16xi32>,
          %get3A_634 = vector.shape_cast %get3A_633 : vector<16xi32> to vector<16xi32>
          %shift_left3A_635 = arith.constant 12 : i32
          %shift_left3A_636 = vector.broadcast %shift_left3A_635 : i32 to vector<16xi32>
          %shift_left3A_637 = arith.shli %get3A_634, %shift_left3A_636 : vector<16xi32>
          %or3A_638 = arith.ori %shift_left3A_637, %add3A_612 : vector<16xi32>
          %mul3A_639 = arith.constant 16 : i32
          %mul3A_640 = arith.muli %scan3A_606, %mul3A_639 : i32
          %swap3A_641 = arith.index_cast %mul3A_640 : i32 to index
          %swap3A_642 = tpu.vector_load %arg8[%swap3A_641] {strides = array<i32>} : memref<8192xi32, #tpu.memory_space<vmem>>, vector<16xi32>,
          %swap3A_643 = vector.shape_cast %swap3A_642 : vector<16xi32> to vector<16xi32>
          %swap3A_644 = vector.shape_cast %or3A_638 : vector<16xi32> to vector<16xi32>
          tpu.vector_store %arg8[%swap3A_641], %swap3A_644 {strides = array<i32>} : memref<8192xi32, #tpu.memory_space<vmem>>, vector<16xi32>,
          %scan3A_645 = arith.constant 4 : i32
          %scan3A_646 = arith.addi %scan3A_491, %scan3A_645 : i32
          %rem3A_647 = arith.constant 256 : i32
          %rem3A_648 = arith.remsi %scan3A_646, %rem3A_647 : i32
          %shift_left3A_649 = arith.constant 4 : i32
          %shift_left3A_650 = arith.shli %rem3A_648, %shift_left3A_649 : i32
          %add3A_651 = vector.broadcast %shift_left3A_650 : i32 to vector<16xi32>
          %add3A_652 = arith.addi %add3A_651, %iota3A : vector<16xi32>
          %mul3A_653 = arith.constant 16 : i32
          %mul3A_654 = arith.muli %scan3A_646, %mul3A_653 : i32
          %get3A_655 = arith.index_cast %mul3A_654 : i32 to index
          %get3A_656 = tpu.vector_load %arg5[%get3A_655] {strides = array<i32>} : memref<16384xi32, #tpu.memory_space<vmem>>, vector<16xi32>,
          %get3A_657 = vector.shape_cast %get3A_656 : vector<16xi32> to vector<16xi32>
          %shift_left3A_658 = arith.constant 12 : i32
          %shift_left3A_659 = vector.broadcast %shift_left3A_658 : i32 to vector<16xi32>
          %shift_left3A_660 = arith.shli %get3A_657, %shift_left3A_659 : vector<16xi32>
          %or3A_661 = arith.ori %shift_left3A_660, %add3A_652 : vector<16xi32>
          %mul3A_662 = arith.constant 16 : i32
          %mul3A_663 = arith.muli %scan3A_646, %mul3A_662 : i32
          %swap3A_664 = arith.index_cast %mul3A_663 : i32 to index
          %swap3A_665 = tpu.vector_load %arg7[%swap3A_664] {strides = array<i32>} : memref<8192xi32, #tpu.memory_space<vmem>>, vector<16xi32>,
          %swap3A_666 = vector.shape_cast %swap3A_665 : vector<16xi32> to vector<16xi32>
          %swap3A_667 = vector.shape_cast %or3A_661 : vector<16xi32> to vector<16xi32>
          tpu.vector_store %arg7[%swap3A_664], %swap3A_667 {strides = array<i32>} : memref<8192xi32, #tpu.memory_space<vmem>>, vector<16xi32>,
          %mul3A_668 = arith.constant 16 : i32
          %mul3A_669 = arith.muli %scan3A_646, %mul3A_668 : i32
          %add3A_670 = arith.constant 8192 : i32
          %add3A_671 = arith.addi %add3A_670, %mul3A_669 : i32
          %get3A_672 = arith.index_cast %add3A_671 : i32 to index
          %get3A_673 = tpu.vector_load %arg5[%get3A_672] {strides = array<i32>} : memref<16384xi32, #tpu.memory_space<vmem>>, vector<16xi32>,
          %get3A_674 = vector.shape_cast %get3A_673 : vector<16xi32> to vector<16xi32>
          %shift_left3A_675 = arith.constant 12 : i32
          %shift_left3A_676 = vector.broadcast %shift_left3A_675 : i32 to vector<16xi32>
          %shift_left3A_677 = arith.shli %get3A_674, %shift_left3A_676 : vector<16xi32>
          %or3A_678 = arith.ori %shift_left3A_677, %add3A_652 : vector<16xi32>
          %mul3A_679 = arith.constant 16 : i32
          %mul3A_680 = arith.muli %scan3A_646, %mul3A_679 : i32
          %swap3A_681 = arith.index_cast %mul3A_680 : i32 to index
          %swap3A_682 = tpu.vector_load %arg8[%swap3A_681] {strides = array<i32>} : memref<8192xi32, #tpu.memory_space<vmem>>, vector<16xi32>,
          %swap3A_683 = vector.shape_cast %swap3A_682 : vector<16xi32> to vector<16xi32>
          %swap3A_684 = vector.shape_cast %or3A_678 : vector<16xi32> to vector<16xi32>
          tpu.vector_store %arg8[%swap3A_681], %swap3A_684 {strides = array<i32>} : memref<8192xi32, #tpu.memory_space<vmem>>, vector<16xi32>,
          %scan3A_685 = arith.constant 5 : i32
          %scan3A_686 = arith.addi %scan3A_491, %scan3A_685 : i32
          %rem3A_687 = arith.constant 256 : i32
          %rem3A_688 = arith.remsi %scan3A_686, %rem3A_687 : i32
          %shift_left3A_689 = arith.constant 4 : i32
          %shift_left3A_690 = arith.shli %rem3A_688, %shift_left3A_689 : i32
          %add3A_691 = vector.broadcast %shift_left3A_690 : i32 to vector<16xi32>
          %add3A_692 = arith.addi %add3A_691, %iota3A : vector<16xi32>
          %mul3A_693 = arith.constant 16 : i32
          %mul3A_694 = arith.muli %scan3A_686, %mul3A_693 : i32
          %get3A_695 = arith.index_cast %mul3A_694 : i32 to index
          %get3A_696 = tpu.vector_load %arg5[%get3A_695] {strides = array<i32>} : memref<16384xi32, #tpu.memory_space<vmem>>, vector<16xi32>,
          %get3A_697 = vector.shape_cast %get3A_696 : vector<16xi32> to vector<16xi32>
          %shift_left3A_698 = arith.constant 12 : i32
          %shift_left3A_699 = vector.broadcast %shift_left3A_698 : i32 to vector<16xi32>
          %shift_left3A_700 = arith.shli %get3A_697, %shift_left3A_699 : vector<16xi32>
          %or3A_701 = arith.ori %shift_left3A_700, %add3A_692 : vector<16xi32>
          %mul3A_702 = arith.constant 16 : i32
          %mul3A_703 = arith.muli %scan3A_686, %mul3A_702 : i32
          %swap3A_704 = arith.index_cast %mul3A_703 : i32 to index
          %swap3A_705 = tpu.vector_load %arg7[%swap3A_704] {strides = array<i32>} : memref<8192xi32, #tpu.memory_space<vmem>>, vector<16xi32>,
          %swap3A_706 = vector.shape_cast %swap3A_705 : vector<16xi32> to vector<16xi32>
          %swap3A_707 = vector.shape_cast %or3A_701 : vector<16xi32> to vector<16xi32>
          tpu.vector_store %arg7[%swap3A_704], %swap3A_707 {strides = array<i32>} : memref<8192xi32, #tpu.memory_space<vmem>>, vector<16xi32>,
          %mul3A_708 = arith.constant 16 : i32
          %mul3A_709 = arith.muli %scan3A_686, %mul3A_708 : i32
          %add3A_710 = arith.constant 8192 : i32
          %add3A_711 = arith.addi %add3A_710, %mul3A_709 : i32
          %get3A_712 = arith.index_cast %add3A_711 : i32 to index
          %get3A_713 = tpu.vector_load %arg5[%get3A_712] {strides = array<i32>} : memref<16384xi32, #tpu.memory_space<vmem>>, vector<16xi32>,
          %get3A_714 = vector.shape_cast %get3A_713 : vector<16xi32> to vector<16xi32>
          %shift_left3A_715 = arith.constant 12 : i32
          %shift_left3A_716 = vector.broadcast %shift_left3A_715 : i32 to vector<16xi32>
          %shift_left3A_717 = arith.shli %get3A_714, %shift_left3A_716 : vector<16xi32>
          %or3A_718 = arith.ori %shift_left3A_717, %add3A_692 : vector<16xi32>
          %mul3A_719 = arith.constant 16 : i32
          %mul3A_720 = arith.muli %scan3A_686, %mul3A_719 : i32
          %swap3A_721 = arith.index_cast %mul3A_720 : i32 to index
          %swap3A_722 = tpu.vector_load %arg8[%swap3A_721] {strides = array<i32>} : memref<8192xi32, #tpu.memory_space<vmem>>, vector<16xi32>,
          %swap3A_723 = vector.shape_cast %swap3A_722 : vector<16xi32> to vector<16xi32>
          %swap3A_724 = vector.shape_cast %or3A_718 : vector<16xi32> to vector<16xi32>
          tpu.vector_store %arg8[%swap3A_721], %swap3A_724 {strides = array<i32>} : memref<8192xi32, #tpu.memory_space<vmem>>, vector<16xi32>,
          %scan3A_725 = arith.constant 6 : i32
          %scan3A_726 = arith.addi %scan3A_491, %scan3A_725 : i32
          %rem3A_727 = arith.constant 256 : i32
          %rem3A_728 = arith.remsi %scan3A_726, %rem3A_727 : i32
          %shift_left3A_729 = arith.constant 4 : i32
          %shift_left3A_730 = arith.shli %rem3A_728, %shift_left3A_729 : i32
          %add3A_731 = vector.broadcast %shift_left3A_730 : i32 to vector<16xi32>
          %add3A_732 = arith.addi %add3A_731, %iota3A : vector<16xi32>
          %mul3A_733 = arith.constant 16 : i32
          %mul3A_734 = arith.muli %scan3A_726, %mul3A_733 : i32
          %get3A_735 = arith.index_cast %mul3A_734 : i32 to index
          %get3A_736 = tpu.vector_load %arg5[%get3A_735] {strides = array<i32>} : memref<16384xi32, #tpu.memory_space<vmem>>, vector<16xi32>,
          %get3A_737 = vector.shape_cast %get3A_736 : vector<16xi32> to vector<16xi32>
          %shift_left3A_738 = arith.constant 12 : i32
          %shift_left3A_739 = vector.broadcast %shift_left3A_738 : i32 to vector<16xi32>
          %shift_left3A_740 = arith.shli %get3A_737, %shift_left3A_739 : vector<16xi32>
          %or3A_741 = arith.ori %shift_left3A_740, %add3A_732 : vector<16xi32>
          %mul3A_742 = arith.constant 16 : i32
          %mul3A_743 = arith.muli %scan3A_726, %mul3A_742 : i32
          %swap3A_744 = arith.index_cast %mul3A_743 : i32 to index
          %swap3A_745 = tpu.vector_load %arg7[%swap3A_744] {strides = array<i32>} : memref<8192xi32, #tpu.memory_space<vmem>>, vector<16xi32>,
          %swap3A_746 = vector.shape_cast %swap3A_745 : vector<16xi32> to vector<16xi32>
          %swap3A_747 = vector.shape_cast %or3A_741 : vector<16xi32> to vector<16xi32>
          tpu.vector_store %arg7[%swap3A_744], %swap3A_747 {strides = array<i32>} : memref<8192xi32, #tpu.memory_space<vmem>>, vector<16xi32>,
          %mul3A_748 = arith.constant 16 : i32
          %mul3A_749 = arith.muli %scan3A_726, %mul3A_748 : i32
          %add3A_750 = arith.constant 8192 : i32
          %add3A_751 = arith.addi %add3A_750, %mul3A_749 : i32
          %get3A_752 = arith.index_cast %add3A_751 : i32 to index
          %get3A_753 = tpu.vector_load %arg5[%get3A_752] {strides = array<i32>} : memref<16384xi32, #tpu.memory_space<vmem>>, vector<16xi32>,
          %get3A_754 = vector.shape_cast %get3A_753 : vector<16xi32> to vector<16xi32>
          %shift_left3A_755 = arith.constant 12 : i32
          %shift_left3A_756 = vector.broadcast %shift_left3A_755 : i32 to vector<16xi32>
          %shift_left3A_757 = arith.shli %get3A_754, %shift_left3A_756 : vector<16xi32>
          %or3A_758 = arith.ori %shift_left3A_757, %add3A_732 : vector<16xi32>
          %mul3A_759 = arith.constant 16 : i32
          %mul3A_760 = arith.muli %scan3A_726, %mul3A_759 : i32
          %swap3A_761 = arith.index_cast %mul3A_760 : i32 to index
          %swap3A_762 = tpu.vector_load %arg8[%swap3A_761] {strides = array<i32>} : memref<8192xi32, #tpu.memory_space<vmem>>, vector<16xi32>,
          %swap3A_763 = vector.shape_cast %swap3A_762 : vector<16xi32> to vector<16xi32>
          %swap3A_764 = vector.shape_cast %or3A_758 : vector<16xi32> to vector<16xi32>
          tpu.vector_store %arg8[%swap3A_761], %swap3A_764 {strides = array<i32>} : memref<8192xi32, #tpu.memory_space<vmem>>, vector<16xi32>,
          %scan3A_765 = arith.constant 7 : i32
          %scan3A_766 = arith.addi %scan3A_491, %scan3A_765 : i32
          %rem3A_767 = arith.constant 256 : i32
          %rem3A_768 = arith.remsi %scan3A_766, %rem3A_767 : i32
          %shift_left3A_769 = arith.constant 4 : i32
          %shift_left3A_770 = arith.shli %rem3A_768, %shift_left3A_769 : i32
          %add3A_771 = vector.broadcast %shift_left3A_770 : i32 to vector<16xi32>
          %add3A_772 = arith.addi %add3A_771, %iota3A : vector<16xi32>
          %mul3A_773 = arith.constant 16 : i32
          %mul3A_774 = arith.muli %scan3A_766, %mul3A_773 : i32
          %get3A_775 = arith.index_cast %mul3A_774 : i32 to index
          %get3A_776 = tpu.vector_load %arg5[%get3A_775] {strides = array<i32>} : memref<16384xi32, #tpu.memory_space<vmem>>, vector<16xi32>,
          %get3A_777 = vector.shape_cast %get3A_776 : vector<16xi32> to vector<16xi32>
          %shift_left3A_778 = arith.constant 12 : i32
          %shift_left3A_779 = vector.broadcast %shift_left3A_778 : i32 to vector<16xi32>
          %shift_left3A_780 = arith.shli %get3A_777, %shift_left3A_779 : vector<16xi32>
          %or3A_781 = arith.ori %shift_left3A_780, %add3A_772 : vector<16xi32>
          %mul3A_782 = arith.constant 16 : i32
          %mul3A_783 = arith.muli %scan3A_766, %mul3A_782 : i32
          %swap3A_784 = arith.index_cast %mul3A_783 : i32 to index
          %swap3A_785 = tpu.vector_load %arg7[%swap3A_784] {strides = array<i32>} : memref<8192xi32, #tpu.memory_space<vmem>>, vector<16xi32>,
          %swap3A_786 = vector.shape_cast %swap3A_785 : vector<16xi32> to vector<16xi32>
          %swap3A_787 = vector.shape_cast %or3A_781 : vector<16xi32> to vector<16xi32>
          tpu.vector_store %arg7[%swap3A_784], %swap3A_787 {strides = array<i32>} : memref<8192xi32, #tpu.memory_space<vmem>>, vector<16xi32>,
          %mul3A_788 = arith.constant 16 : i32
          %mul3A_789 = arith.muli %scan3A_766, %mul3A_788 : i32
          %add3A_790 = arith.constant 8192 : i32
          %add3A_791 = arith.addi %add3A_790, %mul3A_789 : i32
          %get3A_792 = arith.index_cast %add3A_791 : i32 to index
          %get3A_793 = tpu.vector_load %arg5[%get3A_792] {strides = array<i32>} : memref<16384xi32, #tpu.memory_space<vmem>>, vector<16xi32>,
          %get3A_794 = vector.shape_cast %get3A_793 : vector<16xi32> to vector<16xi32>
          %shift_left3A_795 = arith.constant 12 : i32
          %shift_left3A_796 = vector.broadcast %shift_left3A_795 : i32 to vector<16xi32>
          %shift_left3A_797 = arith.shli %get3A_794, %shift_left3A_796 : vector<16xi32>
          %or3A_798 = arith.ori %shift_left3A_797, %add3A_772 : vector<16xi32>
          %mul3A_799 = arith.constant 16 : i32
          %mul3A_800 = arith.muli %scan3A_766, %mul3A_799 : i32
          %swap3A_801 = arith.index_cast %mul3A_800 : i32 to index
          %swap3A_802 = tpu.vector_load %arg8[%swap3A_801] {strides = array<i32>} : memref<8192xi32, #tpu.memory_space<vmem>>, vector<16xi32>,
          %swap3A_803 = vector.shape_cast %swap3A_802 : vector<16xi32> to vector<16xi32>
          %swap3A_804 = vector.shape_cast %or3A_798 : vector<16xi32> to vector<16xi32>
          tpu.vector_store %arg8[%swap3A_801], %swap3A_804 {strides = array<i32>} : memref<8192xi32, #tpu.memory_space<vmem>>, vector<16xi32>,
        }
        %scan3A_490 = arith.constant 512 : i32
      } else {
      }
      %gt3A_340 = arith.constant 0 : i32
      %gt3A_341 = arith.cmpi sgt, %add3A_332, %gt3A_340 : i32
      %convert_element_type3A_342 = arith.extui %gt3A_341 : i1 to i32
      %cond3A_343 = arith.constant 0 : i32
      %cond3A_344 = arith.cmpi ne, %convert_element_type3A_342, %cond3A_343 : i32
      scf.if %cond3A_344 {
        %sub3A = arith.constant 1 : i32
        %sub3A_423 = arith.subi %add3A_332, %sub3A : i32
        %mul3A_424 = arith.constant 4 : i32
        %mul3A_425 = arith.muli %sub3A_423, %mul3A_424 : i32
        %add3A_426 = arith.addi %mul3A_2, %mul3A_425 : i32
        %add3A_427 = arith.constant 0 : i32
        %add3A_428 = arith.addi %add3A_426, %add3A_427 : i32
        %dma_wait3A_429 = arith.constant 0 : i32
        %dma_wait3A_430 = tpu.memref_slice %arg11[%dma_wait3A_429] : memref<8192xf32, #tpu.memory_space<vmem>> -> memref<4096xf32, #tpu.memory_space<vmem>>
        %dma_wait3A_431 = arith.constant 0 : i32
        %dma_wait3A_432 = tpu.memref_slice %arg4[%add3A_428, %dma_wait3A_431] : memref<16384x4096xf32, #tpu.memory_space<hbm>> -> memref<1x4096xf32, #tpu.memory_space<hbm>>
        %dma_wait3A_433 = tpu.memref_squeeze %dma_wait3A_432 : memref<1x4096xf32, #tpu.memory_space<hbm>> -> memref<4096xf32, #tpu.memory_space<hbm>>
        %dma_wait3A_434 = arith.constant 0 : i32
        %dma_wait3A_435 = tpu.memref_slice %arg4[%add3A_428, %dma_wait3A_434] : memref<16384x4096xf32, #tpu.memory_space<hbm>> -> memref<1x4096xf32, #tpu.memory_space<hbm>>
        %dma_wait3A_436 = tpu.memref_squeeze %dma_wait3A_435 : memref<1x4096xf32, #tpu.memory_space<hbm>> -> memref<4096xf32, #tpu.memory_space<hbm>>
        %dma_wait3A_437 = arith.constant 0 : i32
        %dma_wait3A_438 = tpu.memref_slice %arg11[%dma_wait3A_437] : memref<8192xf32, #tpu.memory_space<vmem>> -> memref<4096xf32, #tpu.memory_space<vmem>>
        tpu.wait_dma2 semaphore(%arg16 : memref<!tpu.dma_semaphore, #tpu.memory_space<semaphore_mem>>) src(%dma_wait3A_438 : memref<4096xf32, #tpu.memory_space<vmem>>) dst(%dma_wait3A_436 : memref<4096xf32, #tpu.memory_space<hbm>>)
        %mul3A_439 = arith.constant 4 : i32
        %mul3A_440 = arith.muli %sub3A_423, %mul3A_439 : i32
        %add3A_441 = arith.addi %mul3A_2, %mul3A_440 : i32
        %add3A_442 = arith.constant 1 : i32
        %add3A_443 = arith.addi %add3A_441, %add3A_442 : i32
        %dma_wait3A_444 = arith.constant 4096 : i32
        %dma_wait3A_445 = tpu.memref_slice %arg11[%dma_wait3A_444] : memref<8192xf32, #tpu.memory_space<vmem>> -> memref<4096xf32, #tpu.memory_space<vmem>>
        %dma_wait3A_446 = arith.constant 0 : i32
        %dma_wait3A_447 = tpu.memref_slice %arg4[%add3A_443, %dma_wait3A_446] : memref<16384x4096xf32, #tpu.memory_space<hbm>> -> memref<1x4096xf32, #tpu.memory_space<hbm>>
        %dma_wait3A_448 = tpu.memref_squeeze %dma_wait3A_447 : memref<1x4096xf32, #tpu.memory_space<hbm>> -> memref<4096xf32, #tpu.memory_space<hbm>>
        %dma_wait3A_449 = arith.constant 0 : i32
        %dma_wait3A_450 = tpu.memref_slice %arg4[%add3A_443, %dma_wait3A_449] : memref<16384x4096xf32, #tpu.memory_space<hbm>> -> memref<1x4096xf32, #tpu.memory_space<hbm>>
        %dma_wait3A_451 = tpu.memref_squeeze %dma_wait3A_450 : memref<1x4096xf32, #tpu.memory_space<hbm>> -> memref<4096xf32, #tpu.memory_space<hbm>>
        %dma_wait3A_452 = arith.constant 4096 : i32
        %dma_wait3A_453 = tpu.memref_slice %arg11[%dma_wait3A_452] : memref<8192xf32, #tpu.memory_space<vmem>> -> memref<4096xf32, #tpu.memory_space<vmem>>
        tpu.wait_dma2 semaphore(%arg16 : memref<!tpu.dma_semaphore, #tpu.memory_space<semaphore_mem>>) src(%dma_wait3A_453 : memref<4096xf32, #tpu.memory_space<vmem>>) dst(%dma_wait3A_451 : memref<4096xf32, #tpu.memory_space<hbm>>)
        %mul3A_454 = arith.constant 4 : i32
        %mul3A_455 = arith.muli %sub3A_423, %mul3A_454 : i32
        %add3A_456 = arith.addi %mul3A_2, %mul3A_455 : i32
        %add3A_457 = arith.constant 2 : i32
        %add3A_458 = arith.addi %add3A_456, %add3A_457 : i32
        %dma_wait3A_459 = arith.constant 0 : i32
        %dma_wait3A_460 = tpu.memref_slice %arg12[%dma_wait3A_459] : memref<8192xf32, #tpu.memory_space<vmem>> -> memref<4096xf32, #tpu.memory_space<vmem>>
        %dma_wait3A_461 = arith.constant 0 : i32
        %dma_wait3A_462 = tpu.memref_slice %arg4[%add3A_458, %dma_wait3A_461] : memref<16384x4096xf32, #tpu.memory_space<hbm>> -> memref<1x4096xf32, #tpu.memory_space<hbm>>
        %dma_wait3A_463 = tpu.memref_squeeze %dma_wait3A_462 : memref<1x4096xf32, #tpu.memory_space<hbm>> -> memref<4096xf32, #tpu.memory_space<hbm>>
        %dma_wait3A_464 = arith.constant 0 : i32
        %dma_wait3A_465 = tpu.memref_slice %arg4[%add3A_458, %dma_wait3A_464] : memref<16384x4096xf32, #tpu.memory_space<hbm>> -> memref<1x4096xf32, #tpu.memory_space<hbm>>
        %dma_wait3A_466 = tpu.memref_squeeze %dma_wait3A_465 : memref<1x4096xf32, #tpu.memory_space<hbm>> -> memref<4096xf32, #tpu.memory_space<hbm>>
        %dma_wait3A_467 = arith.constant 0 : i32
        %dma_wait3A_468 = tpu.memref_slice %arg12[%dma_wait3A_467] : memref<8192xf32, #tpu.memory_space<vmem>> -> memref<4096xf32, #tpu.memory_space<vmem>>
        tpu.wait_dma2 semaphore(%arg16 : memref<!tpu.dma_semaphore, #tpu.memory_space<semaphore_mem>>) src(%dma_wait3A_468 : memref<4096xf32, #tpu.memory_space<vmem>>) dst(%dma_wait3A_466 : memref<4096xf32, #tpu.memory_space<hbm>>)
        %mul3A_469 = arith.constant 4 : i32
        %mul3A_470 = arith.muli %sub3A_423, %mul3A_469 : i32
        %add3A_471 = arith.addi %mul3A_2, %mul3A_470 : i32
        %add3A_472 = arith.constant 3 : i32
        %add3A_473 = arith.addi %add3A_471, %add3A_472 : i32
        %dma_wait3A_474 = arith.constant 4096 : i32
        %dma_wait3A_475 = tpu.memref_slice %arg12[%dma_wait3A_474] : memref<8192xf32, #tpu.memory_space<vmem>> -> memref<4096xf32, #tpu.memory_space<vmem>>
        %dma_wait3A_476 = arith.constant 0 : i32
        %dma_wait3A_477 = tpu.memref_slice %arg4[%add3A_473, %dma_wait3A_476] : memref<16384x4096xf32, #tpu.memory_space<hbm>> -> memref<1x4096xf32, #tpu.memory_space<hbm>>
        %dma_wait3A_478 = tpu.memref_squeeze %dma_wait3A_477 : memref<1x4096xf32, #tpu.memory_space<hbm>> -> memref<4096xf32, #tpu.memory_space<hbm>>
        %dma_wait3A_479 = arith.constant 0 : i32
        %dma_wait3A_480 = tpu.memref_slice %arg4[%add3A_473, %dma_wait3A_479] : memref<16384x4096xf32, #tpu.memory_space<hbm>> -> memref<1x4096xf32, #tpu.memory_space<hbm>>
        %dma_wait3A_481 = tpu.memref_squeeze %dma_wait3A_480 : memref<1x4096xf32, #tpu.memory_space<hbm>> -> memref<4096xf32, #tpu.memory_space<hbm>>
        %dma_wait3A_482 = arith.constant 4096 : i32
        %dma_wait3A_483 = tpu.memref_slice %arg12[%dma_wait3A_482] : memref<8192xf32, #tpu.memory_space<vmem>> -> memref<4096xf32, #tpu.memory_space<vmem>>
        tpu.wait_dma2 semaphore(%arg16 : memref<!tpu.dma_semaphore, #tpu.memory_space<semaphore_mem>>) src(%dma_wait3A_483 : memref<4096xf32, #tpu.memory_space<vmem>>) dst(%dma_wait3A_481 : memref<4096xf32, #tpu.memory_space<hbm>>)
      } else {
      }
      %add3A_345 = arith.constant 1 : i32
      %add3A_346 = arith.addi %add3A_332, %add3A_345 : i32
      %lt3A_347 = arith.constant 128 : i32
      %lt3A_348 = arith.cmpi slt, %add3A_346, %lt3A_347 : i32
      %convert_element_type3A_349 = arith.extui %lt3A_348 : i1 to i32
      %cond3A_350 = arith.constant 0 : i32
      %cond3A_351 = arith.cmpi ne, %convert_element_type3A_349, %cond3A_350 : i32
      scf.if %cond3A_351 {
        %dma_start3A_423 = arith.constant 0 : i32
        %dma_start3A_424 = tpu.memref_slice %arg2[%dma_start3A_423] : memref<67108864xf32, #tpu.memory_space<hbm>> -> memref<67108864xf32, #tpu.memory_space<hbm>>
        tpu.enqueue_indirect_dma source(%dma_start3A_424 : memref<67108864xf32, #tpu.memory_space<hbm>>) target(%arg11 : memref<8192xf32, #tpu.memory_space<vmem>>) offsets(%arg7 : memref<8192xi32, #tpu.memory_space<vmem>>) semaphore(%arg17 : memref<!tpu.dma_semaphore, #tpu.memory_space<semaphore_mem>>)
        %dma_start3A_425 = arith.constant 0 : i32
        %dma_start3A_426 = tpu.memref_slice %arg2[%dma_start3A_425] : memref<67108864xf32, #tpu.memory_space<hbm>> -> memref<67108864xf32, #tpu.memory_space<hbm>>
        tpu.enqueue_indirect_dma source(%dma_start3A_426 : memref<67108864xf32, #tpu.memory_space<hbm>>) target(%arg12 : memref<8192xf32, #tpu.memory_space<vmem>>) offsets(%arg8 : memref<8192xi32, #tpu.memory_space<vmem>>) semaphore(%arg18 : memref<!tpu.dma_semaphore, #tpu.memory_space<semaphore_mem>>)
      } else {
      }
      %dma_wait3A_352 = arith.constant 0 : i32
      %dma_wait3A_353 = tpu.memref_slice %arg2[%dma_wait3A_352] : memref<67108864xf32, #tpu.memory_space<hbm>> -> memref<67108864xf32, #tpu.memory_space<hbm>>
      tpu.wait_indirect_dma semaphore(%arg19 : memref<!tpu.dma_semaphore, #tpu.memory_space<semaphore_mem>>) src(%dma_wait3A_353 : memref<67108864xf32, #tpu.memory_space<hbm>>) dst(%arg13 : memref<8192xf32, #tpu.memory_space<vmem>>)
      %dma_wait3A_354 = arith.constant 0 : i32
      %dma_wait3A_355 = tpu.memref_slice %arg2[%dma_wait3A_354] : memref<67108864xf32, #tpu.memory_space<hbm>> -> memref<67108864xf32, #tpu.memory_space<hbm>>
      tpu.wait_indirect_dma semaphore(%arg20 : memref<!tpu.dma_semaphore, #tpu.memory_space<semaphore_mem>>) src(%dma_wait3A_355 : memref<67108864xf32, #tpu.memory_space<hbm>>) dst(%arg14 : memref<8192xf32, #tpu.memory_space<vmem>>)
      %mul3A_356 = arith.constant 4 : i32
      %mul3A_357 = arith.muli %add3A_332, %mul3A_356 : i32
      %add3A_358 = arith.addi %mul3A_2, %mul3A_357 : i32
      %add3A_359 = arith.constant 0 : i32
      %add3A_360 = arith.addi %add3A_358, %add3A_359 : i32
      %dma_start3A_361 = arith.constant 0 : i32
      %dma_start3A_362 = tpu.memref_slice %arg13[%dma_start3A_361] : memref<8192xf32, #tpu.memory_space<vmem>> -> memref<4096xf32, #tpu.memory_space<vmem>>
      %dma_start3A_363 = arith.constant 0 : i32
      %dma_start3A_364 = tpu.memref_slice %arg4[%add3A_360, %dma_start3A_363] : memref<16384x4096xf32, #tpu.memory_space<hbm>> -> memref<1x4096xf32, #tpu.memory_space<hbm>>
      %dma_start3A_365 = tpu.memref_squeeze %dma_start3A_364 : memref<1x4096xf32, #tpu.memory_space<hbm>> -> memref<4096xf32, #tpu.memory_space<hbm>>
      %dma_start3A_366 = arith.constant 0 : i32
      %dma_start3A_367 = tpu.memref_slice %arg4[%add3A_360, %dma_start3A_366] : memref<16384x4096xf32, #tpu.memory_space<hbm>> -> memref<1x4096xf32, #tpu.memory_space<hbm>>
      %dma_start3A_368 = tpu.memref_squeeze %dma_start3A_367 : memref<1x4096xf32, #tpu.memory_space<hbm>> -> memref<4096xf32, #tpu.memory_space<hbm>>
      %dma_start3A_369 = arith.constant 0 : i32
      %dma_start3A_370 = tpu.memref_slice %arg13[%dma_start3A_369] : memref<8192xf32, #tpu.memory_space<vmem>> -> memref<4096xf32, #tpu.memory_space<vmem>>
      tpu.enqueue_dma source(%dma_start3A_370 : memref<4096xf32, #tpu.memory_space<vmem>>) target(%dma_start3A_368 : memref<4096xf32, #tpu.memory_space<hbm>>) target_semaphore(%arg16 : memref<!tpu.dma_semaphore, #tpu.memory_space<semaphore_mem>>)
      %mul3A_371 = arith.constant 4 : i32
      %mul3A_372 = arith.muli %add3A_332, %mul3A_371 : i32
      %add3A_373 = arith.addi %mul3A_2, %mul3A_372 : i32
      %add3A_374 = arith.constant 1 : i32
      %add3A_375 = arith.addi %add3A_373, %add3A_374 : i32
      %dma_start3A_376 = arith.constant 4096 : i32
      %dma_start3A_377 = tpu.memref_slice %arg13[%dma_start3A_376] : memref<8192xf32, #tpu.memory_space<vmem>> -> memref<4096xf32, #tpu.memory_space<vmem>>
      %dma_start3A_378 = arith.constant 0 : i32
      %dma_start3A_379 = tpu.memref_slice %arg4[%add3A_375, %dma_start3A_378] : memref<16384x4096xf32, #tpu.memory_space<hbm>> -> memref<1x4096xf32, #tpu.memory_space<hbm>>
      %dma_start3A_380 = tpu.memref_squeeze %dma_start3A_379 : memref<1x4096xf32, #tpu.memory_space<hbm>> -> memref<4096xf32, #tpu.memory_space<hbm>>
      %dma_start3A_381 = arith.constant 0 : i32
      %dma_start3A_382 = tpu.memref_slice %arg4[%add3A_375, %dma_start3A_381] : memref<16384x4096xf32, #tpu.memory_space<hbm>> -> memref<1x4096xf32, #tpu.memory_space<hbm>>
      %dma_start3A_383 = tpu.memref_squeeze %dma_start3A_382 : memref<1x4096xf32, #tpu.memory_space<hbm>> -> memref<4096xf32, #tpu.memory_space<hbm>>
      %dma_start3A_384 = arith.constant 4096 : i32
      %dma_start3A_385 = tpu.memref_slice %arg13[%dma_start3A_384] : memref<8192xf32, #tpu.memory_space<vmem>> -> memref<4096xf32, #tpu.memory_space<vmem>>
      tpu.enqueue_dma source(%dma_start3A_385 : memref<4096xf32, #tpu.memory_space<vmem>>) target(%dma_start3A_383 : memref<4096xf32, #tpu.memory_space<hbm>>) target_semaphore(%arg16 : memref<!tpu.dma_semaphore, #tpu.memory_space<semaphore_mem>>)
      %mul3A_386 = arith.constant 4 : i32
      %mul3A_387 = arith.muli %add3A_332, %mul3A_386 : i32
      %add3A_388 = arith.addi %mul3A_2, %mul3A_387 : i32
      %add3A_389 = arith.constant 2 : i32
      %add3A_390 = arith.addi %add3A_388, %add3A_389 : i32
      %dma_start3A_391 = arith.constant 0 : i32
      %dma_start3A_392 = tpu.memref_slice %arg14[%dma_start3A_391] : memref<8192xf32, #tpu.memory_space<vmem>> -> memref<4096xf32, #tpu.memory_space<vmem>>
      %dma_start3A_393 = arith.constant 0 : i32
      %dma_start3A_394 = tpu.memref_slice %arg4[%add3A_390, %dma_start3A_393] : memref<16384x4096xf32, #tpu.memory_space<hbm>> -> memref<1x4096xf32, #tpu.memory_space<hbm>>
      %dma_start3A_395 = tpu.memref_squeeze %dma_start3A_394 : memref<1x4096xf32, #tpu.memory_space<hbm>> -> memref<4096xf32, #tpu.memory_space<hbm>>
      %dma_start3A_396 = arith.constant 0 : i32
      %dma_start3A_397 = tpu.memref_slice %arg4[%add3A_390, %dma_start3A_396] : memref<16384x4096xf32, #tpu.memory_space<hbm>> -> memref<1x4096xf32, #tpu.memory_space<hbm>>
      %dma_start3A_398 = tpu.memref_squeeze %dma_start3A_397 : memref<1x4096xf32, #tpu.memory_space<hbm>> -> memref<4096xf32, #tpu.memory_space<hbm>>
      %dma_start3A_399 = arith.constant 0 : i32
      %dma_start3A_400 = tpu.memref_slice %arg14[%dma_start3A_399] : memref<8192xf32, #tpu.memory_space<vmem>> -> memref<4096xf32, #tpu.memory_space<vmem>>
      tpu.enqueue_dma source(%dma_start3A_400 : memref<4096xf32, #tpu.memory_space<vmem>>) target(%dma_start3A_398 : memref<4096xf32, #tpu.memory_space<hbm>>) target_semaphore(%arg16 : memref<!tpu.dma_semaphore, #tpu.memory_space<semaphore_mem>>)
      %mul3A_401 = arith.constant 4 : i32
      %mul3A_402 = arith.muli %add3A_332, %mul3A_401 : i32
      %add3A_403 = arith.addi %mul3A_2, %mul3A_402 : i32
      %add3A_404 = arith.constant 3 : i32
      %add3A_405 = arith.addi %add3A_403, %add3A_404 : i32
      %dma_start3A_406 = arith.constant 4096 : i32
      %dma_start3A_407 = tpu.memref_slice %arg14[%dma_start3A_406] : memref<8192xf32, #tpu.memory_space<vmem>> -> memref<4096xf32, #tpu.memory_space<vmem>>
      %dma_start3A_408 = arith.constant 0 : i32
      %dma_start3A_409 = tpu.memref_slice %arg4[%add3A_405, %dma_start3A_408] : memref<16384x4096xf32, #tpu.memory_space<hbm>> -> memref<1x4096xf32, #tpu.memory_space<hbm>>
      %dma_start3A_410 = tpu.memref_squeeze %dma_start3A_409 : memref<1x4096xf32, #tpu.memory_space<hbm>> -> memref<4096xf32, #tpu.memory_space<hbm>>
      %dma_start3A_411 = arith.constant 0 : i32
      %dma_start3A_412 = tpu.memref_slice %arg4[%add3A_405, %dma_start3A_411] : memref<16384x4096xf32, #tpu.memory_space<hbm>> -> memref<1x4096xf32, #tpu.memory_space<hbm>>
      %dma_start3A_413 = tpu.memref_squeeze %dma_start3A_412 : memref<1x4096xf32, #tpu.memory_space<hbm>> -> memref<4096xf32, #tpu.memory_space<hbm>>
      %dma_start3A_414 = arith.constant 4096 : i32
      %dma_start3A_415 = tpu.memref_slice %arg14[%dma_start3A_414] : memref<8192xf32, #tpu.memory_space<vmem>> -> memref<4096xf32, #tpu.memory_space<vmem>>
      tpu.enqueue_dma source(%dma_start3A_415 : memref<4096xf32, #tpu.memory_space<vmem>>) target(%dma_start3A_413 : memref<4096xf32, #tpu.memory_space<hbm>>) target_semaphore(%arg16 : memref<!tpu.dma_semaphore, #tpu.memory_space<semaphore_mem>>)
      %add3A_416 = arith.constant 2 : i32
      %add3A_417 = arith.addi %add3A_332, %add3A_416 : i32
      %lt3A_418 = arith.constant 128 : i32
      %lt3A_419 = arith.cmpi slt, %add3A_417, %lt3A_418 : i32
      %convert_element_type3A_420 = arith.extui %lt3A_419 : i1 to i32
      %cond3A_421 = arith.constant 0 : i32
      %cond3A_422 = arith.cmpi ne, %convert_element_type3A_420, %cond3A_421 : i32
      scf.if %cond3A_422 {
        %add3A_423 = arith.constant 2 : i32
        %add3A_424 = arith.addi %add3A_332, %add3A_423 : i32
        %mul3A_425 = arith.constant 4 : i32
        %mul3A_426 = arith.muli %add3A_424, %mul3A_425 : i32
        %add3A_427 = arith.addi %mul3A_2, %mul3A_426 : i32
        %add3A_428 = arith.constant 0 : i32
        %add3A_429 = arith.addi %add3A_427, %add3A_428 : i32
        %dma_start3A_430 = arith.constant 0 : i32
        %dma_start3A_431 = tpu.memref_slice %arg6[%dma_start3A_430] : memref<16384xi32, #tpu.memory_space<vmem>> -> memref<4096xi32, #tpu.memory_space<vmem>>
        %dma_start3A_432 = arith.constant 0 : i32
        %dma_start3A_433 = tpu.memref_slice %arg3[%add3A_429, %dma_start3A_432] : memref<16384x4096xi32, #tpu.memory_space<hbm>> -> memref<1x4096xi32, #tpu.memory_space<hbm>>
        %dma_start3A_434 = tpu.memref_squeeze %dma_start3A_433 : memref<1x4096xi32, #tpu.memory_space<hbm>> -> memref<4096xi32, #tpu.memory_space<hbm>>
        %dma_start3A_435 = arith.constant 0 : i32
        %dma_start3A_436 = tpu.memref_slice %arg6[%dma_start3A_435] : memref<16384xi32, #tpu.memory_space<vmem>> -> memref<4096xi32, #tpu.memory_space<vmem>>
        %dma_start3A_437 = arith.constant 0 : i32
        %dma_start3A_438 = tpu.memref_slice %arg3[%add3A_429, %dma_start3A_437] : memref<16384x4096xi32, #tpu.memory_space<hbm>> -> memref<1x4096xi32, #tpu.memory_space<hbm>>
        %dma_start3A_439 = tpu.memref_squeeze %dma_start3A_438 : memref<1x4096xi32, #tpu.memory_space<hbm>> -> memref<4096xi32, #tpu.memory_space<hbm>>
        tpu.enqueue_dma source(%dma_start3A_439 : memref<4096xi32, #tpu.memory_space<hbm>>) target(%dma_start3A_436 : memref<4096xi32, #tpu.memory_space<vmem>>) target_semaphore(%arg15 : memref<!tpu.dma_semaphore, #tpu.memory_space<semaphore_mem>>)
        %mul3A_440 = arith.constant 4 : i32
        %mul3A_441 = arith.muli %add3A_424, %mul3A_440 : i32
        %add3A_442 = arith.addi %mul3A_2, %mul3A_441 : i32
        %add3A_443 = arith.constant 1 : i32
        %add3A_444 = arith.addi %add3A_442, %add3A_443 : i32
        %dma_start3A_445 = arith.constant 4096 : i32
        %dma_start3A_446 = tpu.memref_slice %arg6[%dma_start3A_445] : memref<16384xi32, #tpu.memory_space<vmem>> -> memref<4096xi32, #tpu.memory_space<vmem>>
        %dma_start3A_447 = arith.constant 0 : i32
        %dma_start3A_448 = tpu.memref_slice %arg3[%add3A_444, %dma_start3A_447] : memref<16384x4096xi32, #tpu.memory_space<hbm>> -> memref<1x4096xi32, #tpu.memory_space<hbm>>
        %dma_start3A_449 = tpu.memref_squeeze %dma_start3A_448 : memref<1x4096xi32, #tpu.memory_space<hbm>> -> memref<4096xi32, #tpu.memory_space<hbm>>
        %dma_start3A_450 = arith.constant 4096 : i32
        %dma_start3A_451 = tpu.memref_slice %arg6[%dma_start3A_450] : memref<16384xi32, #tpu.memory_space<vmem>> -> memref<4096xi32, #tpu.memory_space<vmem>>
        %dma_start3A_452 = arith.constant 0 : i32
        %dma_start3A_453 = tpu.memref_slice %arg3[%add3A_444, %dma_start3A_452] : memref<16384x4096xi32, #tpu.memory_space<hbm>> -> memref<1x4096xi32, #tpu.memory_space<hbm>>
        %dma_start3A_454 = tpu.memref_squeeze %dma_start3A_453 : memref<1x4096xi32, #tpu.memory_space<hbm>> -> memref<4096xi32, #tpu.memory_space<hbm>>
        tpu.enqueue_dma source(%dma_start3A_454 : memref<4096xi32, #tpu.memory_space<hbm>>) target(%dma_start3A_451 : memref<4096xi32, #tpu.memory_space<vmem>>) target_semaphore(%arg15 : memref<!tpu.dma_semaphore, #tpu.memory_space<semaphore_mem>>)
        %mul3A_455 = arith.constant 4 : i32
        %mul3A_456 = arith.muli %add3A_424, %mul3A_455 : i32
        %add3A_457 = arith.addi %mul3A_2, %mul3A_456 : i32
        %add3A_458 = arith.constant 2 : i32
        %add3A_459 = arith.addi %add3A_457, %add3A_458 : i32
        %dma_start3A_460 = arith.constant 8192 : i32
        %dma_start3A_461 = tpu.memref_slice %arg6[%dma_start3A_460] : memref<16384xi32, #tpu.memory_space<vmem>> -> memref<4096xi32, #tpu.memory_space<vmem>>
        %dma_start3A_462 = arith.constant 0 : i32
        %dma_start3A_463 = tpu.memref_slice %arg3[%add3A_459, %dma_start3A_462] : memref<16384x4096xi32, #tpu.memory_space<hbm>> -> memref<1x4096xi32, #tpu.memory_space<hbm>>
        %dma_start3A_464 = tpu.memref_squeeze %dma_start3A_463 : memref<1x4096xi32, #tpu.memory_space<hbm>> -> memref<4096xi32, #tpu.memory_space<hbm>>
        %dma_start3A_465 = arith.constant 8192 : i32
        %dma_start3A_466 = tpu.memref_slice %arg6[%dma_start3A_465] : memref<16384xi32, #tpu.memory_space<vmem>> -> memref<4096xi32, #tpu.memory_space<vmem>>
        %dma_start3A_467 = arith.constant 0 : i32
        %dma_start3A_468 = tpu.memref_slice %arg3[%add3A_459, %dma_start3A_467] : memref<16384x4096xi32, #tpu.memory_space<hbm>> -> memref<1x4096xi32, #tpu.memory_space<hbm>>
        %dma_start3A_469 = tpu.memref_squeeze %dma_start3A_468 : memref<1x4096xi32, #tpu.memory_space<hbm>> -> memref<4096xi32, #tpu.memory_space<hbm>>
        tpu.enqueue_dma source(%dma_start3A_469 : memref<4096xi32, #tpu.memory_space<hbm>>) target(%dma_start3A_466 : memref<4096xi32, #tpu.memory_space<vmem>>) target_semaphore(%arg15 : memref<!tpu.dma_semaphore, #tpu.memory_space<semaphore_mem>>)
        %mul3A_470 = arith.constant 4 : i32
        %mul3A_471 = arith.muli %add3A_424, %mul3A_470 : i32
        %add3A_472 = arith.addi %mul3A_2, %mul3A_471 : i32
        %add3A_473 = arith.constant 3 : i32
        %add3A_474 = arith.addi %add3A_472, %add3A_473 : i32
        %dma_start3A_475 = arith.constant 12288 : i32
        %dma_start3A_476 = tpu.memref_slice %arg6[%dma_start3A_475] : memref<16384xi32, #tpu.memory_space<vmem>> -> memref<4096xi32, #tpu.memory_space<vmem>>
        %dma_start3A_477 = arith.constant 0 : i32
        %dma_start3A_478 = tpu.memref_slice %arg3[%add3A_474, %dma_start3A_477] : memref<16384x4096xi32, #tpu.memory_space<hbm>> -> memref<1x4096xi32, #tpu.memory_space<hbm>>
        %dma_start3A_479 = tpu.memref_squeeze %dma_start3A_478 : memref<1x4096xi32, #tpu.memory_space<hbm>> -> memref<4096xi32, #tpu.memory_space<hbm>>
        %dma_start3A_480 = arith.constant 12288 : i32
        %dma_start3A_481 = tpu.memref_slice %arg6[%dma_start3A_480] : memref<16384xi32, #tpu.memory_space<vmem>> -> memref<4096xi32, #tpu.memory_space<vmem>>
        %dma_start3A_482 = arith.constant 0 : i32
        %dma_start3A_483 = tpu.memref_slice %arg3[%add3A_474, %dma_start3A_482] : memref<16384x4096xi32, #tpu.memory_space<hbm>> -> memref<1x4096xi32, #tpu.memory_space<hbm>>
        %dma_start3A_484 = tpu.memref_squeeze %dma_start3A_483 : memref<1x4096xi32, #tpu.memory_space<hbm>> -> memref<4096xi32, #tpu.memory_space<hbm>>
        tpu.enqueue_dma source(%dma_start3A_484 : memref<4096xi32, #tpu.memory_space<hbm>>) target(%dma_start3A_481 : memref<4096xi32, #tpu.memory_space<vmem>>) target_semaphore(%arg15 : memref<!tpu.dma_semaphore, #tpu.memory_space<semaphore_mem>>)
      } else {
      }
    }
    %scan3A_183 = arith.constant 64 : i32
    %add3A_184 = arith.constant 508 : i32
    %add3A_185 = arith.addi %mul3A_2, %add3A_184 : i32
    %add3A_186 = arith.constant 0 : i32
    %add3A_187 = arith.addi %add3A_185, %add3A_186 : i32
    %dma_wait3A_188 = arith.constant 0 : i32
    %dma_wait3A_189 = tpu.memref_slice %arg13[%dma_wait3A_188] : memref<8192xf32, #tpu.memory_space<vmem>> -> memref<4096xf32, #tpu.memory_space<vmem>>
    %dma_wait3A_190 = arith.constant 0 : i32
    %dma_wait3A_191 = tpu.memref_slice %arg4[%add3A_187, %dma_wait3A_190] : memref<16384x4096xf32, #tpu.memory_space<hbm>> -> memref<1x4096xf32, #tpu.memory_space<hbm>>
    %dma_wait3A_192 = tpu.memref_squeeze %dma_wait3A_191 : memref<1x4096xf32, #tpu.memory_space<hbm>> -> memref<4096xf32, #tpu.memory_space<hbm>>
    %dma_wait3A_193 = arith.constant 0 : i32
    %dma_wait3A_194 = tpu.memref_slice %arg4[%add3A_187, %dma_wait3A_193] : memref<16384x4096xf32, #tpu.memory_space<hbm>> -> memref<1x4096xf32, #tpu.memory_space<hbm>>
    %dma_wait3A_195 = tpu.memref_squeeze %dma_wait3A_194 : memref<1x4096xf32, #tpu.memory_space<hbm>> -> memref<4096xf32, #tpu.memory_space<hbm>>
    %dma_wait3A_196 = arith.constant 0 : i32
    %dma_wait3A_197 = tpu.memref_slice %arg13[%dma_wait3A_196] : memref<8192xf32, #tpu.memory_space<vmem>> -> memref<4096xf32, #tpu.memory_space<vmem>>
    tpu.wait_dma2 semaphore(%arg16 : memref<!tpu.dma_semaphore, #tpu.memory_space<semaphore_mem>>) src(%dma_wait3A_197 : memref<4096xf32, #tpu.memory_space<vmem>>) dst(%dma_wait3A_195 : memref<4096xf32, #tpu.memory_space<hbm>>)
    %add3A_198 = arith.constant 508 : i32
    %add3A_199 = arith.addi %mul3A_2, %add3A_198 : i32
    %add3A_200 = arith.constant 1 : i32
    %add3A_201 = arith.addi %add3A_199, %add3A_200 : i32
    %dma_wait3A_202 = arith.constant 4096 : i32
    %dma_wait3A_203 = tpu.memref_slice %arg13[%dma_wait3A_202] : memref<8192xf32, #tpu.memory_space<vmem>> -> memref<4096xf32, #tpu.memory_space<vmem>>
    %dma_wait3A_204 = arith.constant 0 : i32
    %dma_wait3A_205 = tpu.memref_slice %arg4[%add3A_201, %dma_wait3A_204] : memref<16384x4096xf32, #tpu.memory_space<hbm>> -> memref<1x4096xf32, #tpu.memory_space<hbm>>
    %dma_wait3A_206 = tpu.memref_squeeze %dma_wait3A_205 : memref<1x4096xf32, #tpu.memory_space<hbm>> -> memref<4096xf32, #tpu.memory_space<hbm>>
    %dma_wait3A_207 = arith.constant 0 : i32
    %dma_wait3A_208 = tpu.memref_slice %arg4[%add3A_201, %dma_wait3A_207] : memref<16384x4096xf32, #tpu.memory_space<hbm>> -> memref<1x4096xf32, #tpu.memory_space<hbm>>
    %dma_wait3A_209 = tpu.memref_squeeze %dma_wait3A_208 : memref<1x4096xf32, #tpu.memory_space<hbm>> -> memref<4096xf32, #tpu.memory_space<hbm>>
    %dma_wait3A_210 = arith.constant 4096 : i32
    %dma_wait3A_211 = tpu.memref_slice %arg13[%dma_wait3A_210] : memref<8192xf32, #tpu.memory_space<vmem>> -> memref<4096xf32, #tpu.memory_space<vmem>>
    tpu.wait_dma2 semaphore(%arg16 : memref<!tpu.dma_semaphore, #tpu.memory_space<semaphore_mem>>) src(%dma_wait3A_211 : memref<4096xf32, #tpu.memory_space<vmem>>) dst(%dma_wait3A_209 : memref<4096xf32, #tpu.memory_space<hbm>>)
    %add3A_212 = arith.constant 508 : i32
    %add3A_213 = arith.addi %mul3A_2, %add3A_212 : i32
    %add3A_214 = arith.constant 2 : i32
    %add3A_215 = arith.addi %add3A_213, %add3A_214 : i32
    %dma_wait3A_216 = arith.constant 0 : i32
    %dma_wait3A_217 = tpu.memref_slice %arg14[%dma_wait3A_216] : memref<8192xf32, #tpu.memory_space<vmem>> -> memref<4096xf32, #tpu.memory_space<vmem>>
    %dma_wait3A_218 = arith.constant 0 : i32
    %dma_wait3A_219 = tpu.memref_slice %arg4[%add3A_215, %dma_wait3A_218] : memref<16384x4096xf32, #tpu.memory_space<hbm>> -> memref<1x4096xf32, #tpu.memory_space<hbm>>
    %dma_wait3A_220 = tpu.memref_squeeze %dma_wait3A_219 : memref<1x4096xf32, #tpu.memory_space<hbm>> -> memref<4096xf32, #tpu.memory_space<hbm>>
    %dma_wait3A_221 = arith.constant 0 : i32
    %dma_wait3A_222 = tpu.memref_slice %arg4[%add3A_215, %dma_wait3A_221] : memref<16384x4096xf32, #tpu.memory_space<hbm>> -> memref<1x4096xf32, #tpu.memory_space<hbm>>
    %dma_wait3A_223 = tpu.memref_squeeze %dma_wait3A_222 : memref<1x4096xf32, #tpu.memory_space<hbm>> -> memref<4096xf32, #tpu.memory_space<hbm>>
    %dma_wait3A_224 = arith.constant 0 : i32
    %dma_wait3A_225 = tpu.memref_slice %arg14[%dma_wait3A_224] : memref<8192xf32, #tpu.memory_space<vmem>> -> memref<4096xf32, #tpu.memory_space<vmem>>
    tpu.wait_dma2 semaphore(%arg16 : memref<!tpu.dma_semaphore, #tpu.memory_space<semaphore_mem>>) src(%dma_wait3A_225 : memref<4096xf32, #tpu.memory_space<vmem>>) dst(%dma_wait3A_223 : memref<4096xf32, #tpu.memory_space<hbm>>)
    %add3A_226 = arith.constant 508 : i32
    %add3A_227 = arith.addi %mul3A_2, %add3A_226 : i32
    %add3A_228 = arith.constant 3 : i32
    %add3A_229 = arith.addi %add3A_227, %add3A_228 : i32
    %dma_wait3A_230 = arith.constant 4096 : i32
    %dma_wait3A_231 = tpu.memref_slice %arg14[%dma_wait3A_230] : memref<8192xf32, #tpu.memory_space<vmem>> -> memref<4096xf32, #tpu.memory_space<vmem>>
    %dma_wait3A_232 = arith.constant 0 : i32
    %dma_wait3A_233 = tpu.memref_slice %arg4[%add3A_229, %dma_wait3A_232] : memref<16384x4096xf32, #tpu.memory_space<hbm>> -> memref<1x4096xf32, #tpu.memory_space<hbm>>
    %dma_wait3A_234 = tpu.memref_squeeze %dma_wait3A_233 : memref<1x4096xf32, #tpu.memory_space<hbm>> -> memref<4096xf32, #tpu.memory_space<hbm>>
    %dma_wait3A_235 = arith.constant 0 : i32
    %dma_wait3A_236 = tpu.memref_slice %arg4[%add3A_229, %dma_wait3A_235] : memref<16384x4096xf32, #tpu.memory_space<hbm>> -> memref<1x4096xf32, #tpu.memory_space<hbm>>
    %dma_wait3A_237 = tpu.memref_squeeze %dma_wait3A_236 : memref<1x4096xf32, #tpu.memory_space<hbm>> -> memref<4096xf32, #tpu.memory_space<hbm>>
    %dma_wait3A_238 = arith.constant 4096 : i32
    %dma_wait3A_239 = tpu.memref_slice %arg14[%dma_wait3A_238] : memref<8192xf32, #tpu.memory_space<vmem>> -> memref<4096xf32, #tpu.memory_space<vmem>>
    tpu.wait_dma2 semaphore(%arg16 : memref<!tpu.dma_semaphore, #tpu.memory_space<semaphore_mem>>) src(%dma_wait3A_239 : memref<4096xf32, #tpu.memory_space<vmem>>) dst(%dma_wait3A_237 : memref<4096xf32, #tpu.memory_space<hbm>>)
    return
  }
}

</mosaic_0001>

<sc_bundles>
// kernel: kernel.3.cloned.1.call-start
scs
__scs_entry_jumppad:
0x0: {  	(pc) =	sbr.rel $0x88, $3  }
0x1: {  	(tag) =	ssettag $0x0;
	lr =	simm.s32 $0x1  }
0x2: {  	[smem:$0x3F9F] =	sst lr;
	_ =	strace $0xD0000000  }
0x3: {  	_ = 	snop  }
0x4: {  	_ = 	snop  }
0x5: {  	_ = 	snop  }
0x6: {  	_ = 	snop  }
0x7: {  	_ = 	snop  }
__scs_overlays_trampoline_lowered:
0x8: {  	[smem:$0x3FAE] =	sst s0  }
0x9: {  	[smem:$0x3FAF] =	sst s1  }
0xa: {  	[smem:$0x3FB0] =	sst s2  }
0xb: {  	[smem:$0x3FB1] =	sst s3  }
0xc: {  	[smem:$0x3FB2] =	sst s4  }
0xd: {  	[smem:$0x3FB3] =	sst s5  }
0xe: {  	[smem:$0x3FB4] =	sst s6  }
0xf: {  	[smem:$0x3FB5] =	sst s7  }
0x10: {  	[smem:$0x3FB6] =	sst s8  }
0x11: {  	[smem:$0x3FB7] =	sst s9;
	s0 =	simm.s32 @!p0 $0x0  }
0x12: {  	s1 =	sld [smem:$0x3F9D];
	s0 =	simm.s32 @p0 $0x1  }
0x13: {  	[smem:$0x3FB8] =	sst s0;
	s0 =	simm.s32 @!p1 $0x0  }
0x14: {  	s2 =	sld [smem:$0x3F9C];
	s0 =	simm.s32 @p1 $0x1  }
0x15: {  	[smem:$0x3FB9] =	sst s0;
	s0 =	simm.s32 @!p2 $0x0  }
0x16: {  	s3 =	sld [smem:$0x3FDB];
	s0 =	simm.s32 @p2 $0x1  }
0x17: {  	s4 =	simm.s32 $0x1BF5;
	[smem:$0x3FBB] =	sst s0  }
0x18: {  	s0 =	sld [smem:$0x3F9E];
	_ =	swait.ge [sflag:s4], $0x0  }
0x19: {  	s7 =	sld [smem:$0x3F9F]  }
0x1a: {  	s8 =	sadd.s32 $0xFFFFE003, lr  }
0x1b: {  	s9 =	sadd.s32 $0xFFFFFEF7, lr;
	s5 =	simm.s32 $0xFFFFFFFF;
	p2 =	slt.u32 s8, $0xFFFFF086  }
0x1c: {  	p1 =	slt.u32 s9, $0xF7A;
	s5 =	simm.s32 @!p2 $0x0  }
0x1d: {  	s5 =	simm.s32 @p1 $0x1;
	p0 =	seq.s32 s7, s2  }
0x1e: {  	s7 =	smul.u32 @!p0 $0xF7A, s2;
	p2 =	seq.s32 @!p0 s5, $0x0  }
0x1f: {  	s9 =	smul.u32 $0xF7A, s1;
	s8 =	simm.s32 @!p0 $0x1BF5;
	p2 =	por !p2, p0  }
0x20: {  	[sflag:s8] =	ssyncset.s32 @!p0 $0xFFFFF086;
	s6 =	sadd.s32 @!p0 s3, s7;
	s7 =	simm.s32 @!p0 $0x108  }
0x21: {  	s3 =	sadd.s32 s3, s9;
	s6 =	sadd.s32 @!p0 $0x88, s6;
	s7 =	simm.s32 @p2 $0x1082  }
0x22: {  	[simem:s7], [sflag:s8] =	dma.local @!p0 [hbm:s6], $0xF7A  }
0x23: {  	s9 =	sor.u32 $0xD0000000, s2;
	s6 =	simm.s32 $0x108;
	_ =	swait.ge @!p0 [sflag:s8], $0x0  }
0x24: {  	s3 =	sadd.s32 $0x88, s3;
	s6 =	simm.s32 @!p1 $0x1082;
	[sflag:s4] =	ssyncset.s32 $0xFFFFF086  }
0x25: {  	[simem:s6], [sflag:s4] =	dma.local [hbm:s3], $0xF7A  }
0x26: {  	[smem:$0x3F9F] =	sst s1;
	(tag) =	ssettag s2;
	_ =	strace s9  }
0x27: {  	s1 =	sld [smem:$0x3FAF]  }
0x28: {  	s2 =	sld [smem:$0x3FB0]  }
0x29: {  	s4 =	sld [smem:$0x3FB2]  }
0x2a: {  	p0 =	seq.s32 s5, $0x0;
	s5 =	sld [smem:$0x3FB3]  }
0x2b: {  	s6 =	sld [smem:$0x3FB4]  }
0x2c: {  	s7 =	sld [smem:$0x3FB5]  }
0x2d: {  	s3 =	simm.s32 $0x108;
	s8 =	sld [smem:$0x3FB6]  }
0x2e: {  	s3 =	simm.s32 @!p0 $0x1082;
	s9 =	sld [smem:$0x3FB7]  }
0x2f: {  	lr =	sadd.s32 s0, s3;
	s0 =	sld [smem:$0x3FAE]  }
0x30: {  	s3 =	sld [smem:$0x3FB1]  }
0x31: {  	[smem:$0x3FBA] =	sst s10  }
0x32: {  	s10 =	sld [smem:$0x3FB8];
	_ =	sdelay $0x3  }
0x33: {  	p0 =	seq.s32 s10, $0x1;
	s10 =	sld [smem:$0x3FBA];
	_ =	sdelay $0x3  }
0x34: {  	[smem:$0x3FBA] =	sst s10  }
0x35: {  	s10 =	sld [smem:$0x3FB9];
	_ =	sdelay $0x3  }
0x36: {  	p1 =	seq.s32 s10, $0x1;
	s10 =	sld [smem:$0x3FBA];
	_ =	sdelay $0x3  }
0x37: {  	[smem:$0x3FBA] =	sst s10  }
0x38: {  	s10 =	sld [smem:$0x3FBB]  }
0x39: {  	_ = 	snop;
	(pc) =	sbr.ind lr, $3  }
0x3a: {  	_ = 	snop  }
0x3b: {  	_ = 	snop  }
0x3c: {  	p2 =	seq.s32 s10, $0x1;
	s10 =	sld [smem:$0x3FBA]  }
0x3d: {  	_ =	shalt  }
0x3e: {  	_ =	shalt  }
0x3f: {  	_ =	shalt  }
0x40: {  	_ =	shalt  }
0x41: {  	_ =	shalt  }
0x42: {  	_ =	shalt  }
0x43: {  	_ =	shalt  }
0x44: {  	_ =	shalt  }
0x45: {  	_ =	shalt  }
0x46: {  	_ =	shalt  }
0x47: {  	_ =	shalt  }
0x48: {  	_ =	shalt  }
0x49: {  	_ =	shalt  }
0x4a: {  	_ =	shalt  }
0x4b: {  	_ =	shalt  }
0x4c: {  	_ =	shalt  }
0x4d: {  	_ =	shalt  }
0x4e: {  	_ =	shalt  }
0x4f: {  	_ =	shalt  }
0x50: {  	_ =	shalt  }
0x51: {  	_ =	shalt  }
0x52: {  	_ =	shalt  }
0x53: {  	_ =	shalt  }
0x54: {  	_ =	shalt  }
0x55: {  	_ =	shalt  }
0x56: {  	_ =	shalt  }
0x57: {  	_ =	shalt  }
0x58: {  	_ =	shalt  }
0x59: {  	_ =	shalt  }
0x5a: {  	_ =	shalt  }
0x5b: {  	_ =	shalt  }
0x5c: {  	_ =	shalt  }
0x5d: {  	_ =	shalt  }
0x5e: {  	_ =	shalt  }
0x5f: {  	_ =	shalt  }
0x60: {  	_ =	shalt  }
0x61: {  	_ =	shalt  }
0x62: {  	_ =	shalt  }
0x63: {  	_ =	shalt  }
0x64: {  	_ =	shalt  }
0x65: {  	_ =	shalt  }
0x66: {  	_ =	shalt  }
0x67: {  	_ =	shalt  }
0x68: {  	_ =	shalt  }
0x69: {  	_ =	shalt  }
0x6a: {  	_ =	shalt  }
0x6b: {  	_ =	shalt  }
0x6c: {  	_ =	shalt  }
0x6d: {  	_ =	shalt  }
0x6e: {  	_ =	shalt  }
0x6f: {  	_ =	shalt  }
0x70: {  	_ =	shalt  }
0x71: {  	_ =	shalt  }
0x72: {  	_ =	shalt  }
0x73: {  	_ =	shalt  }
0x74: {  	_ =	shalt  }
0x75: {  	_ =	shalt  }
0x76: {  	_ =	shalt  }
0x77: {  	_ =	shalt  }
0x78: {  	_ =	shalt  }
0x79: {  	_ =	shalt  }
0x7a: {  	_ =	shalt  }
0x7b: {  	_ =	shalt  }
0x7c: {  	_ =	shalt  }
0x7d: {  	_ =	shalt  }
0x7e: {  	_ =	shalt  }
0x7f: {  	_ =	shalt  }
0x80: {  	_ =	shalt  }
0x81: {  	_ =	shalt  }
0x82: {  	_ =	shalt  }
0x83: {  	_ =	shalt  }
0x84: {  	_ =	shalt  }
0x85: {  	_ =	shalt  }
0x86: {  	_ =	shalt  }
0x87: {  	_ =	shalt  }
.Lfunc_end0:
.L_simem_size_0:
called_computation.1_lowered:
.L_overlay_start_0:
0x88: {  	s2 =	sld [smem:$0x3FD9]  }
0x89: {  	s3 =	sld [smem:$0x3FFE];
	_ =	sdelay $0x1  }
0x8a: {  	s1 =	srdreg.scid  }
0x8b: {  	s0 =	sand.u32 $0x1, s1  }
0x8c: {  	s17 =	sshll.u32 s0, $0xA;
	s2 =	sadd.s32 s3, s2  }
0x8d: {  	s2 =	sadd.s32 s2, s17  }
0x8e: {  	[smem:$0x3FC6] =	sst s2  }
0x8f: {  	_ = 	snop  }
0x90: {  	s2 =	sld [smem:$0x3FC8]  }
0x91: {  	s18 =	sld [smem:$0x3FD0];
	(tm) =	ssettm $0x1  }
0x92: {  	s4 =	sld [smem:$0x3FFB];
	_ =	sdelay $0x3  }
0x93: {  	_ =	strace s4  }
0x94: {  	s4 =	sld [smem:$0x3FFC];
	_ =	sdelay $0x3  }
0x95: {  	_ =	strace s4  }
0x96: {  	s4 =	sld [smem:$0x3FFD];
	_ =	sdelay $0x3  }
0x97: {  	_ =	strace s4  }
0x98: {  	_ =	strace $0x8FFFFFFF  }
0x99: {  	s19 =	sld [smem:$0x3FDB];
	_ =	sdelay $0x1  }
0x9a: {  	s5 =	simm.s32 $_scs_section_size  }
0x9b: {  	s6 =	simm.s32 $_size__tile_overlayer_lowered;
	s7 =	simm.s32 $_tile_overlayer_lowered  }
0x9c: {  	s22 =	simm.s32 $0x1BFF;
	s21 =	sshll.u32 s7, $0x1;
	s4 =	sadd.s32 s5, s19  }
0x9d: {  	s8 =	simm.s32 $0x0;
	s20 =	sshll.u32 s6, $0x1;
	s6 =	sadd.s32 s21, s4  }
0x9e: {  	[timem:s8], [sflag:s22] =	dma.local [hbm:s6], s20  }
0x9f: {  	_ =	swait.ge [sflag:s22], s20  }
0xa0: {  	s5 =	ssub.s32 $0x0, s20;
	[sflag:s22] =	ssyncset.done $0x0  }
0xa1: {  	[sflag:s22] =	ssyncadd.s32 s5;
	_ =	sdelay $0x1  }
0xa2: {  	s23 =	simm.s32 $0x1B8B  }
0xa3: {  	_ =	swait.ge [sflag:s23], $0x1  }
0xa4: {  	[sflag:s23] =	ssyncset.done $0x0  }
0xa5: {  	s25 =	simm.s32 $0x1B8E;
	s24 =	sld [smem:$0x3FFE];
	[sflag:s23] =	ssyncadd.s32 $0xFFFFFFFF  }
0xa6: {  	s26 =	simm.s32 $execute0_lowered;
	[smem:$0x3FD2] =	sst s25  }
0xa7: {  	s6 =	sshll.u32 s26, $0x1;
	_ =	strace $0x80000049;
	[dreg:$0x1] =	wrdreg $0xFFFFFFFF  }
0xa8: {  	s28 =	simm.s32 $_size_execute0_lowered;
	s4 =	sadd.s32 s4, s6;
	[dreg:$0x0] =	wrdreg $0x0  }
0xa9: {  	s6 =	sshll.u32 s28, $0x1;
	[dreg:$0x2] =	wrdreg s4  }
0xaa: {  	[dreg:$0x3] =	wrdreg s6  }
0xab: {  	[dreg:$0x4] =	wrdreg $0xC0  }
0xac: {  	_ =	task [dreg:s8], $0x5FFFF  }
0xad: {  	[dreg:$0x1] =	wrdreg $0xFFFFFFFF  }
0xae: {  	[dreg:$0x0] =	wrdreg $0x60  }
0xaf: {  	[dreg:$0x2] =	wrdreg s24  }
0xb0: {  	[dreg:$0x3] =	wrdreg s2  }
0xb1: {  	[dreg:$0x4] =	wrdreg s18  }
0xb2: {  	[dreg:$0x5] =	wrdreg $0x9  }
0xb3: {  	_ =	task.clear_ibuf [dreg:s8], $0x6FFFF;
	_ =	strace $0x90000049  }
0xb4: {  	s29 =	simm.s32 $0x9;
	_ =	strace $0x8000004B  }
0xb5: {  	_ =	swait.ge [sflag:s29], $0x1  }
0xb6: {  	[sflag:s29] =	ssyncadd.s32 $0xFFFFFFFF  }
0xb7: {  	_ =	strace $0x9000004B  }
0xb8: {  	_ =	sfence  }
0xb9: {  	s30 =	sld [smem:$0x0];
	_ =	sdelay $0x2  }
0xba: {  	s31 =	sshll.u32 s1, $0xD;
	s1 =	sshrl.u32 s1, $0x2  }
0xbb: {  	s3 =	sand.u32 $0x4000, s31;
	s1 =	sadd.s32 s1, s30  }
0xbc: {  	s0 =	sor.u32 s3, s0;
	s1 =	sshll.u32 s1, $0x11  }
0xbd: {  	s0 =	sor.u32 s1, s0  }
0xbe: {  	s0 =	sadd.s32 $0x8F2B, s0  }
0xbf: {  	[sflag:s0] =	ssyncadd.remote.s32 $0x1  }
0xc0: {  	_ =	sfence.sel $0xFFFF  }
0xc1: {  	[dreg:$0x0] =	wrdreg $0xFFFFFFFF;
	(pc) =	sbr.abs _section_cstart, $3  }
0xc2: {  	[dreg:$0x1] =	wrdreg $0xFFFFFFFF  }
0xc3: {  	_ =	task.clear_ibuf [dreg:s8], $0x2FFFF;
	_ =	strace $0x9FFFFFFF  }
0xc4: {  	(tm) =	ssettm $0x7FFFFFFF  }
0xc5: {  	_ =	shalt  }
tec
execute0_lowered:
.L_overlay_start_1:
0x0: {  	(tag) =	ssettag $0x1  }
0x1: {  	s0 =	rddreg [dreg:$0x0]  }
0x2: {  	s4 =	rddreg [dreg:$0x1]  }
0x3: {  	s19 =	rddreg [dreg:$0x2];
	s1 =	simm.s32 $0x0;
	s15 =	srdreg.scid  }
0x4: {  	s3 =	stileid.u32;
	s8 =	simm.s32 $0x4000;
	s31 =	simm.s32 $0x5000  }
0x5: {  	s7 =	simm.s32 $0x3;
	s10 =	simm.s32 $0x4;
	s14 =	simm.s32 $0x2  }
0x6: {  	[smem:$0x7FF] =	sst s1;
	s1 =	sand.u32 $0x1, s15;
	s3 =	sshll.u32 s3, $0xA  }
0x7: {  	s5 =	sadd.s32 $0x800, s0;
	s17 =	sadd.s32 $0x10, s4;
	s20 =	sadd.s32 $0x20, s4  }
0x8: {  	s21 =	sadd.s32 $0x30, s4;
	_ =	strace $0x8000004A;
	[dreg:$0x4] =	wrdreg s17  }
0x9: {  	s22 =	sadd.s32 $0x40, s4;
	s24 =	sadd.s32 $0x50, s4;
	[dreg:$0x7] =	wrdreg s20  }
0xa: {  	s25 =	sadd.s32 $0x60, s4;
	s26 =	sadd.s32 $0x70, s4;
	[dreg:$0x9] =	wrdreg s21  }
0xb: {  	s28 =	sadd.s32 $0x50, s19;
	s29 =	sadd.s32 $0x60, s19;
	[dreg:$0xa] =	wrdreg s22  }
0xc: {  	s30 =	sadd.s32 $0x70, s19;
	s15 =	simm.s32 $0x5;
	[dreg:$0xd] =	wrdreg s24  }
0xd: {  	s2 =	ssub.s32 $0x2, s1;
	s1 =	sshll.u32 s1, $0x9;
	[dreg:$0xf] =	wrdreg s25  }
0xe: {  	[dreg:$0x10] =	wrdreg s26;
	s16 =	sshrl.u32 s2, $0x1;
	s6 =	sor.u32 s1, s3  }
0xf: {  	s3 =	simm.s32 $0x400;
	s0 =	ssub.s32 s2, s16;
	s1 =	sshll.u32 s6, $0x9  }
0x10: {  	s18 =	sadd.s32 s4, s1;
	s2 =	sadd.s32 s1, s17;
	s23 =	sadd.s32 s1, s22  }
0x11: {  	s22 =	sadd.s32 $0x10, s19;
	s0 =	smax.u32 s0, $0x1;
	[dreg:$0x5] =	wrdreg s18  }
0x12: {  	s17 =	simm.s32 $0x6;
	s4 =	simm.s32 $0x0;
	[dreg:$0x6] =	wrdreg s2  }
0x13: {  	s2 =	sadd.s32 s1, s20;
	[dreg:$0xc] =	wrdreg s23;
	s23 =	sadd.s32 $0x20, s19  }
0x14: {  	[dreg:$0x13] =	wrdreg s0;
	s0 =	simm.s32 $0x80;
	s20 =	simm.s32 $0x1  }
.Ltmp0:
0x15: {  	[dreg:$0x8] =	wrdreg s2;
	s2 =	sadd.s32 s1, s21;
	(pc) =	sbr.rel .LBB2_1-.Ltmp0, $4  }
0x16: {  	s21 =	simm.s32 $0x2000;
	[dreg:$0xb] =	wrdreg s2;
	s2 =	sadd.s32 s1, s24  }
0x17: {  	s24 =	sadd.s32 $0x30, s19;
	[dreg:$0xe] =	wrdreg s2;
	s2 =	sadd.s32 s1, s25  }
0x18: {  	s1 =	sadd.s32 s1, s26;
	s26 =	sor.u32 $0x8, s6;
	[dreg:$0x11] =	wrdreg s2  }
0x19: {  	v0 =	vlaneseq.u32;
	s25 =	sadd.s32 $0x40, s19;
	[dreg:$0x12] =	wrdreg s1;
	s2 =	simm.s32 $0x16000  }
.LBB2_12:
0x1a: {  	_ =	swait.ge [sflag:s14], $0x1000  }
0x1b: {  	[sflag:s14] =	ssyncset.done $0x0  }
0x1c: {  	[sflag:s14] =	ssyncadd.s32 $0xFFFFF000  }
0x1d: {  	_ =	swait.ge [sflag:s14], $0x1000  }
0x1e: {  	[sflag:s14] =	ssyncset.done $0x0  }
0x1f: {  	[sflag:s14] =	ssyncadd.s32 $0xFFFFF000  }
0x20: {  	_ =	swait.ge [sflag:s14], $0x1000  }
0x21: {  	[sflag:s14] =	ssyncset.done $0x0  }
0x22: {  	[sflag:s14] =	ssyncadd.s32 $0xFFFFF000  }
0x23: {  	_ =	swait.ge [sflag:s14], $0x1000  }
0x24: {  	s4 =	rddreg [dreg:$0x14]  }
0x25: {  	s1 =	rddreg [dreg:$0x13];
	s4 =	sadd.s32 $0x1, s4  }
0x26: {  	p0 =	sne.s32 s4, s1  }
.Ltmp1:
0x27: {  	_ = 	snop;
	(pc) =	sbr.rel @!p0 .LBB2_13-.Ltmp1, $3  }
0x28: {  	_ =	sdelay $0x1  }
0x29: {  	[sflag:s14] =	ssyncset.done $0x0  }
0x2a: {  	[sflag:s14] =	ssyncadd.s32 $0xFFFFF000  }
.LBB2_1:
0x2b: {  	[dreg:$0x14] =	wrdreg s4  }
0x2c: {  	s1 =	simm.s32 $0x0;
	s9 =	rddreg [dreg:$0x5]  }
0x2d: {  	[tilespmem:s1], [sflag:$0x1] =	stream.strided.gather [hbm4b:s9+s0], $0x1000, s3, s0, $0x38;
	[tilespmem:$0x18000] =	vst v63  }
0x2e: {  	s11 =	rddreg [dreg:$0x6];
	s12 =	simm.s32 $0x1000  }
0x2f: {  	[tilespmem:s12], [sflag:$0x1] =	stream.strided.gather [hbm4b:s11+s0], $0x1000, s3, s0, $0x38;
	[tilespmem:$0x18000] =	vst v63  }
0x30: {  	s13 =	rddreg [dreg:$0x8]  }
0x31: {  	[tilespmem:s21], [sflag:$0x1] =	stream.strided.gather [hbm4b:s13+s0], $0x1000, s3, s0, $0x38;
	[tilespmem:$0x18000] =	vst v63  }
0x32: {  	s16 =	rddreg [dreg:$0xb];
	s18 =	simm.s32 $0x3000  }
0x33: {  	[tilespmem:s18], [sflag:$0x1] =	stream.strided.gather [hbm4b:s16+s0], $0x1000, s3, s0, $0x38;
	[tilespmem:$0x18000] =	vst v63  }
0x34: {  	s9 =	rddreg [dreg:$0xc]  }
0x35: {  	[tilespmem:s8], [sflag:$0x1] =	stream.strided.gather [hbm4b:s9+s0], $0x1000, s3, s0, $0x38;
	[tilespmem:$0x18000] =	vst v63  }
0x36: {  	s11 =	rddreg [dreg:$0xe]  }
0x37: {  	[tilespmem:s31], [sflag:$0x1] =	stream.strided.gather [hbm4b:s11+s0], $0x1000, s3, s0, $0x38;
	[tilespmem:$0x18000] =	vst v63  }
0x38: {  	s12 =	rddreg [dreg:$0x11];
	s13 =	simm.s32 $0x6000  }
0x39: {  	[tilespmem:s13], [sflag:$0x1] =	stream.strided.gather [hbm4b:s12+s0], $0x1000, s3, s0, $0x38;
	[tilespmem:$0x18000] =	vst v63  }
0x3a: {  	s16 =	rddreg [dreg:$0x12];
	s18 =	simm.s32 $0x7000  }
0x3b: {  	[tilespmem:s18], [sflag:$0x1] =	stream.strided.gather [hbm4b:s16+s0], $0x1000, s3, s0, $0x38;
	[tilespmem:$0x18000] =	vst v63  }
0x3c: {  	_ =	swait.ge [sflag:s20], $0x1000  }
0x3d: {  	[sflag:s20] =	ssyncset.done $0x0  }
0x3e: {  	[sflag:s20] =	ssyncadd.s32 $0xFFFFF000  }
0x3f: {  	_ =	swait.ge [sflag:s20], $0x1000  }
0x40: {  	[sflag:s20] =	ssyncset.done $0x0  }
0x41: {  	[sflag:s20] =	ssyncadd.s32 $0xFFFFF000  }
0x42: {  	_ =	swait.ge [sflag:s20], $0x1000  }
0x43: {  	[sflag:s20] =	ssyncset.done $0x0  }
0x44: {  	[sflag:s20] =	ssyncadd.s32 $0xFFFFF000  }
0x45: {  	_ =	swait.ge [sflag:s20], $0x1000  }
0x46: {  	[sflag:s20] =	ssyncset.done $0x0  }
0x47: {  	[sflag:s20] =	ssyncadd.s32 $0xFFFFF000  }
0x48: {  	v1 =	vld [tilespmem:s21+$0xFFFFE000];
	_ =	sdelay $0x2  }
0x49: {  	s9 =	simm.s32 $0x0  }
0x4a: {  	s1 =	sand.u32 $0xF80, s9  }
0x4b: {  	v2 =	vor.u32 s1, v0;
	v1 =	vshll.u32 v1, $0xC  }
0x4c: {  	s1 =	simm.s32 $0x8040;
	v1 =	vor.u32 v2, v1  }
0x4d: {  	[tilespmem:s1+$0xFFFFFFC0] =	vst v1  }
0x4e: {  	v1 =	vld [tilespmem:s21+$0x0];
	_ =	sdelay $0x4  }
0x4f: {  	v1 =	vshll.u32 v1, $0xC  }
0x50: {  	s4 =	simm.s32 $0xA040;
	v1 =	vor.u32 v2, v1  }
0x51: {  	[tilespmem:s4+$0xFFFFFFC0] =	vst v1  }
0x52: {  	v1 =	vld [tilespmem:s21+$0xFFFFE010];
	_ =	sdelay $0x2  }
0x53: {  	s9 =	simm.s32 $0x10  }
0x54: {  	s9 =	sand.u32 $0xF90, s9  }
0x55: {  	v2 =	vor.u32 s9, v0;
	v1 =	vshll.u32 v1, $0xC  }
0x56: {  	v1 =	vor.u32 v2, v1  }
0x57: {  	[tilespmem:s1+$0xFFFFFFD0] =	vst v1  }
0x58: {  	v1 =	vld [tilespmem:s21+$0x10];
	_ =	sdelay $0x4  }
0x59: {  	v1 =	vshll.u32 v1, $0xC  }
0x5a: {  	v1 =	vor.u32 v2, v1  }
0x5b: {  	[tilespmem:s4+$0xFFFFFFD0] =	vst v1  }
0x5c: {  	v1 =	vld [tilespmem:s21+$0xFFFFE020];
	_ =	sdelay $0x2  }
0x5d: {  	s11 =	simm.s32 $0x20  }
0x5e: {  	s9 =	sand.u32 $0xFA0, s11  }
0x5f: {  	v2 =	vor.u32 s9, v0;
	v1 =	vshll.u32 v1, $0xC  }
0x60: {  	v1 =	vor.u32 v2, v1  }
0x61: {  	[tilespmem:s1+$0xFFFFFFE0] =	vst v1  }
0x62: {  	v1 =	vld [tilespmem:s21+$0x20];
	_ =	sdelay $0x4  }
0x63: {  	v1 =	vshll.u32 v1, $0xC  }
0x64: {  	v1 =	vor.u32 v2, v1  }
0x65: {  	[tilespmem:s4+$0xFFFFFFE0] =	vst v1  }
0x66: {  	v1 =	vld [tilespmem:s21+$0xFFFFE030];
	_ =	sdelay $0x2  }
0x67: {  	s12 =	simm.s32 $0x30  }
0x68: {  	s9 =	sand.u32 $0xFB0, s12  }
0x69: {  	v2 =	vor.u32 s9, v0;
	v1 =	vshll.u32 v1, $0xC  }
0x6a: {  	v1 =	vor.u32 v2, v1  }
0x6b: {  	[tilespmem:s1+$0xFFFFFFF0] =	vst v1  }
0x6c: {  	v1 =	vld [tilespmem:s21+$0x30];
	_ =	sdelay $0x4  }
0x6d: {  	v1 =	vshll.u32 v1, $0xC  }
0x6e: {  	v1 =	vor.u32 v2, v1  }
0x6f: {  	[tilespmem:s4+$0xFFFFFFF0] =	vst v1  }
0x70: {  	v1 =	vld [tilespmem:s21+$0xFFFFE040];
	_ =	sdelay $0x2  }
0x71: {  	s13 =	simm.s32 $0x40  }
0x72: {  	s9 =	sand.u32 $0xFC0, s13  }
0x73: {  	v2 =	vor.u32 s9, v0;
	v1 =	vshll.u32 v1, $0xC  }
0x74: {  	v1 =	vor.u32 v2, v1  }
0x75: {  	[tilespmem:s1+$0x0] =	vst v1  }
0x76: {  	v1 =	vld [tilespmem:s21+$0x40];
	_ =	sdelay $0x4  }
0x77: {  	v1 =	vshll.u32 v1, $0xC  }
0x78: {  	v1 =	vor.u32 v2, v1  }
0x79: {  	[tilespmem:s4+$0x0] =	vst v1  }
0x7a: {  	v1 =	vld [tilespmem:s21+$0xFFFFE050];
	_ =	sdelay $0x2  }
0x7b: {  	s16 =	simm.s32 $0x50  }
0x7c: {  	s9 =	sand.u32 $0xFD0, s16  }
0x7d: {  	v2 =	vor.u32 s9, v0;
	v1 =	vshll.u32 v1, $0xC  }
0x7e: {  	v1 =	vor.u32 v2, v1  }
0x7f: {  	[tilespmem:s1+$0x10] =	vst v1  }
0x80: {  	v1 =	vld [tilespmem:s21+$0x50];
	_ =	sdelay $0x4  }
0x81: {  	v1 =	vshll.u32 v1, $0xC  }
0x82: {  	v1 =	vor.u32 v2, v1  }
0x83: {  	[tilespmem:s4+$0x10] =	vst v1  }
0x84: {  	v1 =	vld [tilespmem:s21+$0xFFFFE060];
	_ =	sdelay $0x2  }
0x85: {  	s18 =	simm.s32 $0x60  }
0x86: {  	s9 =	sand.u32 $0xFE0, s18  }
0x87: {  	v2 =	vor.u32 s9, v0;
	v1 =	vshll.u32 v1, $0xC  }
0x88: {  	v1 =	vor.u32 v2, v1  }
0x89: {  	[tilespmem:s1+$0x20] =	vst v1  }
0x8a: {  	v1 =	vld [tilespmem:s21+$0x60];
	_ =	sdelay $0x4  }
0x8b: {  	v1 =	vshll.u32 v1, $0xC  }
0x8c: {  	v1 =	vor.u32 v2, v1  }
0x8d: {  	[tilespmem:s4+$0x20] =	vst v1  }
0x8e: {  	v1 =	vld [tilespmem:s21+$0xFFFFE070];
	_ =	sdelay $0x2  }
0x8f: {  	s9 =	simm.s32 $0x70  }
0x90: {  	s11 =	sand.u32 $0xFF0, s9  }
0x91: {  	v2 =	vor.u32 s11, v0;
	v1 =	vshll.u32 v1, $0xC  }
0x92: {  	v1 =	vor.u32 v2, v1  }
0x93: {  	[tilespmem:s1+$0x30] =	vst v1  }
0x94: {  	v1 =	vld [tilespmem:s21+$0x70];
	_ =	sdelay $0x4  }
0x95: {  	s12 =	simm.s32 $0xA0C0;
	v1 =	vshll.u32 v1, $0xC  }
0x96: {  	s13 =	simm.s32 $0x2000;
	s11 =	simm.s32 $0x80C0;
	s1 =	simm.s32 $0x0;
	v1 =	vor.u32 v2, v1  }
.LBB2_2:
0x97: {  	s1 =	sadd.s32 $0x8, s1;
	[tilespmem:s4+$0x30] =	vst v1;
	s9 =	sadd.s32 $0x80, s9;
	s13 =	sadd.s32 $0x80, s13  }
0x98: {  	s4 =	smov.u32 s12;
	v1 =	vld [tilespmem:s13+$0xFFFFE000];
	p0 =	slt.u32 s1, $0x1F8;
	_ =	sdelay $0x2  }
0x99: {  	s16 =	sadd.s32 $0xFFFFFF90, s9  }
0x9a: {  	s16 =	sand.u32 $0xF80, s16  }
0x9b: {  	v2 =	vor.u32 s16, v0;
	v1 =	vshll.u32 v1, $0xC  }
0x9c: {  	v1 =	vor.u32 v2, v1  }
0x9d: {  	[tilespmem:s11+$0xFFFFFFC0] =	vst v1  }
0x9e: {  	v1 =	vld [tilespmem:s13+$0x0];
	_ =	sdelay $0x4  }
0x9f: {  	v1 =	vshll.u32 v1, $0xC  }
0xa0: {  	v1 =	vor.u32 v2, v1  }
0xa1: {  	[tilespmem:s12+$0xFFFFFFC0] =	vst v1  }
0xa2: {  	v1 =	vld [tilespmem:s13+$0xFFFFE010];
	_ =	sdelay $0x2  }
0xa3: {  	s16 =	sadd.s32 $0xFFFFFFA0, s9  }
0xa4: {  	s16 =	sand.u32 $0xF90, s16  }
0xa5: {  	v2 =	vor.u32 s16, v0;
	v1 =	vshll.u32 v1, $0xC  }
0xa6: {  	v1 =	vor.u32 v2, v1  }
0xa7: {  	[tilespmem:s11+$0xFFFFFFD0] =	vst v1  }
0xa8: {  	v1 =	vld [tilespmem:s13+$0x10];
	_ =	sdelay $0x4  }
0xa9: {  	v1 =	vshll.u32 v1, $0xC  }
0xaa: {  	v1 =	vor.u32 v2, v1  }
0xab: {  	[tilespmem:s12+$0xFFFFFFD0] =	vst v1  }
0xac: {  	v1 =	vld [tilespmem:s13+$0xFFFFE020];
	_ =	sdelay $0x2  }
0xad: {  	s16 =	sadd.s32 $0xFFFFFFB0, s9  }
0xae: {  	s16 =	sand.u32 $0xFA0, s16  }
0xaf: {  	v2 =	vor.u32 s16, v0;
	v1 =	vshll.u32 v1, $0xC  }
0xb0: {  	v1 =	vor.u32 v2, v1  }
0xb1: {  	[tilespmem:s11+$0xFFFFFFE0] =	vst v1  }
0xb2: {  	v1 =	vld [tilespmem:s13+$0x20];
	_ =	sdelay $0x4  }
0xb3: {  	v1 =	vshll.u32 v1, $0xC  }
0xb4: {  	v1 =	vor.u32 v2, v1  }
0xb5: {  	[tilespmem:s12+$0xFFFFFFE0] =	vst v1  }
0xb6: {  	v1 =	vld [tilespmem:s13+$0xFFFFE030];
	_ =	sdelay $0x2  }
0xb7: {  	s16 =	sadd.s32 $0xFFFFFFC0, s9  }
0xb8: {  	s16 =	sand.u32 $0xFB0, s16  }
0xb9: {  	v2 =	vor.u32 s16, v0;
	v1 =	vshll.u32 v1, $0xC  }
0xba: {  	v1 =	vor.u32 v2, v1  }
0xbb: {  	[tilespmem:s11+$0xFFFFFFF0] =	vst v1  }
0xbc: {  	v1 =	vld [tilespmem:s13+$0x30];
	_ =	sdelay $0x4  }
0xbd: {  	v1 =	vshll.u32 v1, $0xC  }
0xbe: {  	v1 =	vor.u32 v2, v1  }
0xbf: {  	[tilespmem:s12+$0xFFFFFFF0] =	vst v1  }
0xc0: {  	v1 =	vld [tilespmem:s13+$0xFFFFE040];
	_ =	sdelay $0x2  }
0xc1: {  	s16 =	sadd.s32 $0xFFFFFFD0, s9  }
0xc2: {  	s16 =	sand.u32 $0xFC0, s16  }
0xc3: {  	v2 =	vor.u32 s16, v0;
	v1 =	vshll.u32 v1, $0xC  }
0xc4: {  	v1 =	vor.u32 v2, v1  }
0xc5: {  	[tilespmem:s11+$0x0] =	vst v1  }
0xc6: {  	v1 =	vld [tilespmem:s13+$0x40];
	_ =	sdelay $0x4  }
0xc7: {  	v1 =	vshll.u32 v1, $0xC  }
0xc8: {  	v1 =	vor.u32 v2, v1  }
0xc9: {  	[tilespmem:s12+$0x0] =	vst v1  }
0xca: {  	v1 =	vld [tilespmem:s13+$0xFFFFE050];
	_ =	sdelay $0x2  }
0xcb: {  	s16 =	sadd.s32 $0xFFFFFFE0, s9  }
0xcc: {  	s16 =	sand.u32 $0xFD0, s16  }
0xcd: {  	v2 =	vor.u32 s16, v0;
	v1 =	vshll.u32 v1, $0xC  }
0xce: {  	v1 =	vor.u32 v2, v1  }
0xcf: {  	[tilespmem:s11+$0x10] =	vst v1  }
0xd0: {  	v1 =	vld [tilespmem:s13+$0x50];
	_ =	sdelay $0x4  }
0xd1: {  	v1 =	vshll.u32 v1, $0xC  }
0xd2: {  	v1 =	vor.u32 v2, v1  }
0xd3: {  	[tilespmem:s12+$0x10] =	vst v1  }
0xd4: {  	v1 =	vld [tilespmem:s13+$0xFFFFE060];
	_ =	sdelay $0x2  }
0xd5: {  	s16 =	sadd.s32 $0xFFFFFFF0, s9  }
0xd6: {  	s16 =	sand.u32 $0xFE0, s16  }
0xd7: {  	v2 =	vor.u32 s16, v0;
	v1 =	vshll.u32 v1, $0xC  }
0xd8: {  	v1 =	vor.u32 v2, v1  }
0xd9: {  	[tilespmem:s11+$0x20] =	vst v1  }
0xda: {  	v1 =	vld [tilespmem:s13+$0x60];
	_ =	sdelay $0x4  }
0xdb: {  	v1 =	vshll.u32 v1, $0xC  }
0xdc: {  	v1 =	vor.u32 v2, v1  }
0xdd: {  	[tilespmem:s12+$0x20] =	vst v1  }
0xde: {  	v1 =	vld [tilespmem:s13+$0xFFFFE070];
	_ =	sdelay $0x3  }
0xdf: {  	s16 =	sand.u32 $0xFF0, s9  }
0xe0: {  	v2 =	vor.u32 s16, v0;
	v1 =	vshll.u32 v1, $0xC  }
0xe1: {  	v1 =	vor.u32 v2, v1  }
0xe2: {  	[tilespmem:s11+$0x30] =	vst v1  }
0xe3: {  	v1 =	vld [tilespmem:s13+$0x70];
	_ =	sdelay $0x1  }
.Ltmp2:
0xe4: {  	(pc) =	sbr.rel @p0 .LBB2_2-.Ltmp2, $3  }
0xe5: {  	_ =	sdelay $0x1  }
0xe6: {  	v1 =	vshll.u32 v1, $0xC  }
0xe7: {  	s12 =	sadd.s32 $0x80, s12;
	s11 =	sadd.s32 $0x80, s11;
	v1 =	vor.u32 v2, v1  }
0xe8: {  	[tilespmem:s4+$0x30] =	vst v1;
	s1 =	simm.s32 $0x8000;
	s13 =	simm.s32 $0x10000  }
0xe9: {  	[tilespmem:s13], [sflag:$0x3] =	stream.indirect.gather [hbm4b:s5+s21], $0x1, s1, s21, $0xb8;
	[tilespmem:$0x18000] =	vst v63  }
0xea: {  	s16 =	simm.s32 $0xA000;
	s18 =	simm.s32 $0x12000;
	s12 =	simm.s32 $0x0  }
0xeb: {  	[tilespmem:s18], [sflag:$0x4] =	stream.indirect.gather [hbm4b:s5+s21], $0x1, s16, s21, $0xb8;
	[tilespmem:$0x18000] =	vst v63  }
.LBB2_4:
0xec: {  	_ =	swait.ge [sflag:s20], $0x1000  }
0xed: {  	[sflag:s20] =	ssyncset.done $0x0  }
0xee: {  	[sflag:s20] =	ssyncadd.s32 $0xFFFFF000  }
0xef: {  	_ =	swait.ge [sflag:s20], $0x1000  }
0xf0: {  	[sflag:s20] =	ssyncset.done $0x0  }
0xf1: {  	[sflag:s20] =	ssyncadd.s32 $0xFFFFF000  }
0xf2: {  	_ =	swait.ge [sflag:s20], $0x1000  }
0xf3: {  	[sflag:s20] =	ssyncset.done $0x0  }
0xf4: {  	[sflag:s20] =	ssyncadd.s32 $0xFFFFF000  }
0xf5: {  	_ =	swait.ge [sflag:s20], $0x1000  }
0xf6: {  	[sflag:s20] =	ssyncset.done $0x0  }
0xf7: {  	s4 =	simm.s32 $0x6000;
	[sflag:s20] =	ssyncadd.s32 $0xFFFFF000  }
0xf8: {  	v1 =	vld [tilespmem:s4+$0xFFFFE000];
	_ =	sdelay $0x2  }
0xf9: {  	s1 =	simm.s32 $0x0  }
0xfa: {  	s1 =	sand.u32 $0xF80, s1  }
0xfb: {  	v2 =	vor.u32 s1, v0;
	v1 =	vshll.u32 v1, $0xC  }
0xfc: {  	s1 =	simm.s32 $0xC040;
	v1 =	vor.u32 v2, v1  }
0xfd: {  	[tilespmem:s1+$0xFFFFFFC0] =	vst v1  }
0xfe: {  	v1 =	vld [tilespmem:s4+$0x0];
	_ =	sdelay $0x4  }
0xff: {  	v1 =	vshll.u32 v1, $0xC  }
0x100: {  	s9 =	simm.s32 $0xE040;
	v1 =	vor.u32 v2, v1  }
0x101: {  	[tilespmem:s9+$0xFFFFFFC0] =	vst v1  }
0x102: {  	v1 =	vld [tilespmem:s4+$0xFFFFE010];
	_ =	sdelay $0x2  }
0x103: {  	s11 =	simm.s32 $0x10  }
0x104: {  	s11 =	sand.u32 $0xF90, s11  }
0x105: {  	v2 =	vor.u32 s11, v0;
	v1 =	vshll.u32 v1, $0xC  }
0x106: {  	v1 =	vor.u32 v2, v1  }
0x107: {  	[tilespmem:s1+$0xFFFFFFD0] =	vst v1  }
0x108: {  	v1 =	vld [tilespmem:s4+$0x10];
	_ =	sdelay $0x4  }
0x109: {  	v1 =	vshll.u32 v1, $0xC  }
0x10a: {  	v1 =	vor.u32 v2, v1  }
0x10b: {  	[tilespmem:s9+$0xFFFFFFD0] =	vst v1  }
0x10c: {  	v1 =	vld [tilespmem:s4+$0xFFFFE020];
	_ =	sdelay $0x2  }
0x10d: {  	s16 =	simm.s32 $0x20  }
0x10e: {  	s11 =	sand.u32 $0xFA0, s16  }
0x10f: {  	v2 =	vor.u32 s11, v0;
	v1 =	vshll.u32 v1, $0xC  }
0x110: {  	v1 =	vor.u32 v2, v1  }
0x111: {  	[tilespmem:s1+$0xFFFFFFE0] =	vst v1  }
0x112: {  	v1 =	vld [tilespmem:s4+$0x20];
	_ =	sdelay $0x4  }
0x113: {  	v1 =	vshll.u32 v1, $0xC  }
0x114: {  	v1 =	vor.u32 v2, v1  }
0x115: {  	[tilespmem:s9+$0xFFFFFFE0] =	vst v1  }
0x116: {  	v1 =	vld [tilespmem:s4+$0xFFFFE030];
	_ =	sdelay $0x2  }
0x117: {  	s18 =	simm.s32 $0x30  }
0x118: {  	s11 =	sand.u32 $0xFB0, s18  }
0x119: {  	v2 =	vor.u32 s11, v0;
	v1 =	vshll.u32 v1, $0xC  }
0x11a: {  	v1 =	vor.u32 v2, v1  }
0x11b: {  	[tilespmem:s1+$0xFFFFFFF0] =	vst v1  }
0x11c: {  	v1 =	vld [tilespmem:s4+$0x30];
	_ =	sdelay $0x4  }
0x11d: {  	v1 =	vshll.u32 v1, $0xC  }
0x11e: {  	v1 =	vor.u32 v2, v1  }
0x11f: {  	[tilespmem:s9+$0xFFFFFFF0] =	vst v1  }
0x120: {  	v1 =	vld [tilespmem:s4+$0xFFFFE040];
	_ =	sdelay $0x2  }
0x121: {  	s13 =	simm.s32 $0x40  }
0x122: {  	s11 =	sand.u32 $0xFC0, s13  }
0x123: {  	v2 =	vor.u32 s11, v0;
	v1 =	vshll.u32 v1, $0xC  }
0x124: {  	v1 =	vor.u32 v2, v1  }
0x125: {  	[tilespmem:s1+$0x0] =	vst v1  }
0x126: {  	v1 =	vld [tilespmem:s4+$0x40];
	_ =	sdelay $0x4  }
0x127: {  	v1 =	vshll.u32 v1, $0xC  }
0x128: {  	v1 =	vor.u32 v2, v1  }
0x129: {  	[tilespmem:s9+$0x0] =	vst v1  }
0x12a: {  	v1 =	vld [tilespmem:s4+$0xFFFFE050];
	_ =	sdelay $0x2  }
0x12b: {  	s16 =	simm.s32 $0x50  }
0x12c: {  	s11 =	sand.u32 $0xFD0, s16  }
0x12d: {  	v2 =	vor.u32 s11, v0;
	v1 =	vshll.u32 v1, $0xC  }
0x12e: {  	v1 =	vor.u32 v2, v1  }
0x12f: {  	[tilespmem:s1+$0x10] =	vst v1  }
0x130: {  	v1 =	vld [tilespmem:s4+$0x50];
	_ =	sdelay $0x4  }
0x131: {  	v1 =	vshll.u32 v1, $0xC  }
0x132: {  	v1 =	vor.u32 v2, v1  }
0x133: {  	[tilespmem:s9+$0x10] =	vst v1  }
0x134: {  	v1 =	vld [tilespmem:s4+$0xFFFFE060];
	_ =	sdelay $0x2  }
0x135: {  	s18 =	simm.s32 $0x60  }
0x136: {  	s11 =	sand.u32 $0xFE0, s18  }
0x137: {  	v2 =	vor.u32 s11, v0;
	v1 =	vshll.u32 v1, $0xC  }
0x138: {  	v1 =	vor.u32 v2, v1  }
0x139: {  	[tilespmem:s1+$0x20] =	vst v1  }
0x13a: {  	v1 =	vld [tilespmem:s4+$0x60];
	_ =	sdelay $0x4  }
0x13b: {  	v1 =	vshll.u32 v1, $0xC  }
0x13c: {  	v1 =	vor.u32 v2, v1  }
0x13d: {  	[tilespmem:s9+$0x20] =	vst v1  }
0x13e: {  	v1 =	vld [tilespmem:s4+$0xFFFFE070];
	_ =	sdelay $0x2  }
0x13f: {  	s11 =	simm.s32 $0x70  }
0x140: {  	s13 =	sand.u32 $0xFF0, s11  }
0x141: {  	v2 =	vor.u32 s13, v0;
	v1 =	vshll.u32 v1, $0xC  }
0x142: {  	v1 =	vor.u32 v2, v1  }
0x143: {  	[tilespmem:s1+$0x30] =	vst v1  }
0x144: {  	v1 =	vld [tilespmem:s4+$0x70];
	_ =	sdelay $0x4  }
0x145: {  	v1 =	vshll.u32 v1, $0xC  }
0x146: {  	s16 =	simm.s32 $0xE0C0;
	s13 =	simm.s32 $0xC0C0;
	s1 =	simm.s32 $0x0;
	v1 =	vor.u32 v2, v1  }
.LBB2_5:
0x147: {  	s1 =	sadd.s32 $0x8, s1;
	[tilespmem:s9+$0x30] =	vst v1;
	s11 =	sadd.s32 $0x80, s11;
	s4 =	sadd.s32 $0x80, s4  }
0x148: {  	s9 =	smov.u32 s16;
	v1 =	vld [tilespmem:s4+$0xFFFFE000];
	p0 =	slt.u32 s1, $0x1F8;
	_ =	sdelay $0x2  }
0x149: {  	s18 =	sadd.s32 $0xFFFFFF90, s11  }
0x14a: {  	s18 =	sand.u32 $0xF80, s18  }
0x14b: {  	v2 =	vor.u32 s18, v0;
	v1 =	vshll.u32 v1, $0xC  }
0x14c: {  	v1 =	vor.u32 v2, v1  }
0x14d: {  	[tilespmem:s13+$0xFFFFFFC0] =	vst v1  }
0x14e: {  	v1 =	vld [tilespmem:s4+$0x0];
	_ =	sdelay $0x4  }
0x14f: {  	v1 =	vshll.u32 v1, $0xC  }
0x150: {  	v1 =	vor.u32 v2, v1  }
0x151: {  	[tilespmem:s16+$0xFFFFFFC0] =	vst v1  }
0x152: {  	v1 =	vld [tilespmem:s4+$0xFFFFE010];
	_ =	sdelay $0x2  }
0x153: {  	s18 =	sadd.s32 $0xFFFFFFA0, s11  }
0x154: {  	s18 =	sand.u32 $0xF90, s18  }
0x155: {  	v2 =	vor.u32 s18, v0;
	v1 =	vshll.u32 v1, $0xC  }
0x156: {  	v1 =	vor.u32 v2, v1  }
0x157: {  	[tilespmem:s13+$0xFFFFFFD0] =	vst v1  }
0x158: {  	v1 =	vld [tilespmem:s4+$0x10];
	_ =	sdelay $0x4  }
0x159: {  	v1 =	vshll.u32 v1, $0xC  }
0x15a: {  	v1 =	vor.u32 v2, v1  }
0x15b: {  	[tilespmem:s16+$0xFFFFFFD0] =	vst v1  }
0x15c: {  	v1 =	vld [tilespmem:s4+$0xFFFFE020];
	_ =	sdelay $0x2  }
0x15d: {  	s18 =	sadd.s32 $0xFFFFFFB0, s11  }
0x15e: {  	s18 =	sand.u32 $0xFA0, s18  }
0x15f: {  	v2 =	vor.u32 s18, v0;
	v1 =	vshll.u32 v1, $0xC  }
0x160: {  	v1 =	vor.u32 v2, v1  }
0x161: {  	[tilespmem:s13+$0xFFFFFFE0] =	vst v1  }
0x162: {  	v1 =	vld [tilespmem:s4+$0x20];
	_ =	sdelay $0x4  }
0x163: {  	v1 =	vshll.u32 v1, $0xC  }
0x164: {  	v1 =	vor.u32 v2, v1  }
0x165: {  	[tilespmem:s16+$0xFFFFFFE0] =	vst v1  }
0x166: {  	v1 =	vld [tilespmem:s4+$0xFFFFE030];
	_ =	sdelay $0x2  }
0x167: {  	s18 =	sadd.s32 $0xFFFFFFC0, s11  }
0x168: {  	s18 =	sand.u32 $0xFB0, s18  }
0x169: {  	v2 =	vor.u32 s18, v0;
	v1 =	vshll.u32 v1, $0xC  }
0x16a: {  	v1 =	vor.u32 v2, v1  }
0x16b: {  	[tilespmem:s13+$0xFFFFFFF0] =	vst v1  }
0x16c: {  	v1 =	vld [tilespmem:s4+$0x30];
	_ =	sdelay $0x4  }
0x16d: {  	v1 =	vshll.u32 v1, $0xC  }
0x16e: {  	v1 =	vor.u32 v2, v1  }
0x16f: {  	[tilespmem:s16+$0xFFFFFFF0] =	vst v1  }
0x170: {  	v1 =	vld [tilespmem:s4+$0xFFFFE040];
	_ =	sdelay $0x2  }
0x171: {  	s18 =	sadd.s32 $0xFFFFFFD0, s11  }
0x172: {  	s18 =	sand.u32 $0xFC0, s18  }
0x173: {  	v2 =	vor.u32 s18, v0;
	v1 =	vshll.u32 v1, $0xC  }
0x174: {  	v1 =	vor.u32 v2, v1  }
0x175: {  	[tilespmem:s13+$0x0] =	vst v1  }
0x176: {  	v1 =	vld [tilespmem:s4+$0x40];
	_ =	sdelay $0x4  }
0x177: {  	v1 =	vshll.u32 v1, $0xC  }
0x178: {  	v1 =	vor.u32 v2, v1  }
0x179: {  	[tilespmem:s16+$0x0] =	vst v1  }
0x17a: {  	v1 =	vld [tilespmem:s4+$0xFFFFE050];
	_ =	sdelay $0x2  }
0x17b: {  	s18 =	sadd.s32 $0xFFFFFFE0, s11  }
0x17c: {  	s18 =	sand.u32 $0xFD0, s18  }
0x17d: {  	v2 =	vor.u32 s18, v0;
	v1 =	vshll.u32 v1, $0xC  }
0x17e: {  	v1 =	vor.u32 v2, v1  }
0x17f: {  	[tilespmem:s13+$0x10] =	vst v1  }
0x180: {  	v1 =	vld [tilespmem:s4+$0x50];
	_ =	sdelay $0x4  }
0x181: {  	v1 =	vshll.u32 v1, $0xC  }
0x182: {  	v1 =	vor.u32 v2, v1  }
0x183: {  	[tilespmem:s16+$0x10] =	vst v1  }
0x184: {  	v1 =	vld [tilespmem:s4+$0xFFFFE060];
	_ =	sdelay $0x2  }
0x185: {  	s18 =	sadd.s32 $0xFFFFFFF0, s11  }
0x186: {  	s18 =	sand.u32 $0xFE0, s18  }
0x187: {  	v2 =	vor.u32 s18, v0;
	v1 =	vshll.u32 v1, $0xC  }
0x188: {  	v1 =	vor.u32 v2, v1  }
0x189: {  	[tilespmem:s13+$0x20] =	vst v1  }
0x18a: {  	v1 =	vld [tilespmem:s4+$0x60];
	_ =	sdelay $0x4  }
0x18b: {  	v1 =	vshll.u32 v1, $0xC  }
0x18c: {  	v1 =	vor.u32 v2, v1  }
0x18d: {  	[tilespmem:s16+$0x20] =	vst v1  }
0x18e: {  	v1 =	vld [tilespmem:s4+$0xFFFFE070];
	_ =	sdelay $0x3  }
0x18f: {  	s18 =	sand.u32 $0xFF0, s11  }
0x190: {  	v2 =	vor.u32 s18, v0;
	v1 =	vshll.u32 v1, $0xC  }
0x191: {  	v1 =	vor.u32 v2, v1  }
0x192: {  	[tilespmem:s13+$0x30] =	vst v1  }
0x193: {  	v1 =	vld [tilespmem:s4+$0x70];
	_ =	sdelay $0x1  }
.Ltmp3:
0x194: {  	(pc) =	sbr.rel @p0 .LBB2_5-.Ltmp3, $3  }
0x195: {  	_ =	sdelay $0x1  }
0x196: {  	v1 =	vshll.u32 v1, $0xC  }
0x197: {  	s16 =	sadd.s32 $0x80, s16;
	s13 =	sadd.s32 $0x80, s13;
	v1 =	vor.u32 v2, v1  }
0x198: {  	p0 =	seq.s32 s12, $0x0  }
0x199: {  	[tilespmem:s9+$0x30] =	vst v1;
	s1 =	simm.s32 @!p0 $0x2  }
0x19a: {  	_ =	swait.ge @!p0 [sflag:s1], $0x1000  }
0x19b: {  	[sflag:s1] =	ssyncset.done @!p0 $0x0  }
0x19c: {  	[sflag:s1] =	ssyncadd.s32 @!p0 $0xFFFFF000  }
0x19d: {  	_ =	swait.ge @!p0 [sflag:s1], $0x1000  }
0x19e: {  	[sflag:s1] =	ssyncset.done @!p0 $0x0  }
0x19f: {  	[sflag:s1] =	ssyncadd.s32 @!p0 $0xFFFFF000  }
0x1a0: {  	_ =	swait.ge @!p0 [sflag:s1], $0x1000  }
0x1a1: {  	[sflag:s1] =	ssyncset.done @!p0 $0x0  }
0x1a2: {  	[sflag:s1] =	ssyncadd.s32 @!p0 $0xFFFFF000  }
0x1a3: {  	_ =	swait.ge @!p0 [sflag:s1], $0x1000  }
0x1a4: {  	[sflag:s1] =	ssyncset.done @!p0 $0x0  }
0x1a5: {  	s18 =	simm.s32 $0xC000;
	s4 =	simm.s32 $0x14000;
	[sflag:s1] =	ssyncadd.s32 @!p0 $0xFFFFF000  }
0x1a6: {  	[tilespmem:s4], [sflag:$0x5] =	stream.indirect.gather [hbm4b:s5+s21], $0x1, s18, s21, $0xb8;
	[tilespmem:$0x18000] =	vst v63  }
0x1a7: {  	s4 =	simm.s32 $0xE000  }
0x1a8: {  	[tilespmem:s2], [sflag:$0x6] =	stream.indirect.gather [hbm4b:s5+s21], $0x1, s4, s21, $0xb8;
	[tilespmem:$0x18000] =	vst v63  }
0x1a9: {  	_ =	swait.ge [sflag:s7], $0x2000  }
0x1aa: {  	[sflag:s7] =	ssyncset.done $0x0  }
0x1ab: {  	s11 =	sshll.u32 s12, $0x3;
	[sflag:s7] =	ssyncadd.s32 $0xFFFFE000  }
0x1ac: {  	s9 =	sor.u32 s6, s11;
	_ =	swait.ge [sflag:s10], $0x2000  }
0x1ad: {  	s4 =	sshll.u32 s9, $0x9;
	[sflag:s10] =	ssyncset.done $0x0  }
0x1ae: {  	s13 =	simm.s32 $0x10000;
	s1 =	sadd.s32 s19, s4;
	[sflag:s10] =	ssyncadd.s32 $0xFFFFE000  }
0x1af: {  	[hbm4b:s1+s0] =	stream.strided.scatter [tilespmem:s13], [sflag:$0x2], $0x1000, s3, s0, $0x38;
	[tilespmem:$0x18000] =	vst v63  }
0x1b0: {  	p0 =	seq.s32 s12, $0x3F;
	s18 =	simm.s32 $0x11000;
	s16 =	sadd.s32 s4, s22  }
0x1b1: {  	[hbm4b:s16+s0] =	stream.strided.scatter [tilespmem:s18], [sflag:$0x2], $0x1000, s3, s0, $0x38;
	[tilespmem:$0x18000] =	vst v63  }
.Ltmp4:
0x1b2: {  	_ = 	snop;
	(pc) =	sbr.rel @p0 .LBB2_10-.Ltmp4, $4  }
0x1b3: {  	s9 =	sadd.s32 s4, s23;
	s13 =	simm.s32 $0x12000  }
0x1b4: {  	[hbm4b:s9+s0] =	stream.strided.scatter [tilespmem:s13], [sflag:$0x2], $0x1000, s3, s0, $0x38;
	[tilespmem:$0x18000] =	vst v63  }
0x1b5: {  	s16 =	sadd.s32 s4, s24;
	s18 =	simm.s32 $0x13000  }
0x1b6: {  	[hbm4b:s16+s0] =	stream.strided.scatter [tilespmem:s18], [sflag:$0x2], $0x1000, s3, s0, $0x38;
	[tilespmem:$0x18000] =	vst v63  }
0x1b7: {  	s8 =	smov.u32 s30;
	s31 =	smov.u32 s29;
	s30 =	smov.u32 s28  }
0x1b8: {  	s29 =	smov.u32 s25;
	s28 =	smov.u32 s24;
	s24 =	smov.u32 s23  }
0x1b9: {  	s23 =	smov.u32 s22;
	s22 =	smov.u32 s6;
	s1 =	sadd.s32 s11, s26  }
0x1ba: {  	s6 =	smov.u32 s19;
	s9 =	rddreg [dreg:$0x1];
	s1 =	sshll.u32 s1, $0x9  }
0x1bb: {  	s13 =	simm.s32 $0x0;
	s19 =	rddreg [dreg:$0x4];
	s9 =	sadd.s32 s9, s1  }
0x1bc: {  	[tilespmem:s13], [sflag:$0x1] =	stream.strided.gather [hbm4b:s9+s0], $0x1000, s3, s0, $0x38;
	[tilespmem:$0x18000] =	vst v63  }
0x1bd: {  	s25 =	simm.s32 $0x1000;
	s16 =	rddreg [dreg:$0x7];
	s9 =	sadd.s32 s1, s19  }
0x1be: {  	[tilespmem:s25], [sflag:$0x1] =	stream.strided.gather [hbm4b:s9+s0], $0x1000, s3, s0, $0x38;
	[tilespmem:$0x18000] =	vst v63  }
0x1bf: {  	s18 =	sadd.s32 s1, s16;
	s19 =	rddreg [dreg:$0x9];
	s9 =	simm.s32 $0x2000  }
0x1c0: {  	[tilespmem:s9], [sflag:$0x1] =	stream.strided.gather [hbm4b:s18+s0], $0x1000, s3, s0, $0x38;
	[tilespmem:$0x18000] =	vst v63  }
0x1c1: {  	s1 =	sadd.s32 s1, s19;
	s25 =	simm.s32 $0x3000  }
0x1c2: {  	[tilespmem:s25], [sflag:$0x1] =	stream.strided.gather [hbm4b:s1+s0], $0x1000, s3, s0, $0x38;
	[tilespmem:$0x18000] =	vst v63  }
0x1c3: {  	_ =	swait.ge [sflag:s20], $0x1000  }
0x1c4: {  	[sflag:s20] =	ssyncset.done $0x0  }
0x1c5: {  	[sflag:s20] =	ssyncadd.s32 $0xFFFFF000  }
0x1c6: {  	_ =	swait.ge [sflag:s20], $0x1000  }
0x1c7: {  	[sflag:s20] =	ssyncset.done $0x0  }
0x1c8: {  	[sflag:s20] =	ssyncadd.s32 $0xFFFFF000  }
0x1c9: {  	_ =	swait.ge [sflag:s20], $0x1000  }
0x1ca: {  	[sflag:s20] =	ssyncset.done $0x0  }
0x1cb: {  	[sflag:s20] =	ssyncadd.s32 $0xFFFFF000  }
0x1cc: {  	_ =	swait.ge [sflag:s20], $0x1000  }
0x1cd: {  	[sflag:s20] =	ssyncset.done $0x0  }
0x1ce: {  	[sflag:s20] =	ssyncadd.s32 $0xFFFFF000  }
0x1cf: {  	v1 =	vld [tilespmem:s9+$0xFFFFE000];
	_ =	sdelay $0x2  }
0x1d0: {  	s13 =	simm.s32 $0x0  }
0x1d1: {  	s1 =	sand.u32 $0xF80, s13  }
0x1d2: {  	v2 =	vor.u32 s1, v0;
	v1 =	vshll.u32 v1, $0xC  }
0x1d3: {  	s13 =	simm.s32 $0x8040;
	v1 =	vor.u32 v2, v1  }
0x1d4: {  	[tilespmem:s13+$0xFFFFFFC0] =	vst v1  }
0x1d5: {  	v1 =	vld [tilespmem:s9+$0x0];
	_ =	sdelay $0x4  }
0x1d6: {  	v1 =	vshll.u32 v1, $0xC  }
0x1d7: {  	s25 =	simm.s32 $0xA040;
	v1 =	vor.u32 v2, v1  }
0x1d8: {  	[tilespmem:s25+$0xFFFFFFC0] =	vst v1  }
0x1d9: {  	v1 =	vld [tilespmem:s9+$0xFFFFE010];
	_ =	sdelay $0x2  }
0x1da: {  	s16 =	simm.s32 $0x10  }
0x1db: {  	s1 =	sand.u32 $0xF90, s16  }
0x1dc: {  	v2 =	vor.u32 s1, v0;
	v1 =	vshll.u32 v1, $0xC  }
0x1dd: {  	v1 =	vor.u32 v2, v1  }
0x1de: {  	[tilespmem:s13+$0xFFFFFFD0] =	vst v1  }
0x1df: {  	v1 =	vld [tilespmem:s9+$0x10];
	_ =	sdelay $0x4  }
0x1e0: {  	v1 =	vshll.u32 v1, $0xC  }
0x1e1: {  	v1 =	vor.u32 v2, v1  }
0x1e2: {  	[tilespmem:s25+$0xFFFFFFD0] =	vst v1  }
0x1e3: {  	v1 =	vld [tilespmem:s9+$0xFFFFE020];
	_ =	sdelay $0x2  }
0x1e4: {  	s18 =	simm.s32 $0x20  }
0x1e5: {  	s1 =	sand.u32 $0xFA0, s18  }
0x1e6: {  	v2 =	vor.u32 s1, v0;
	v1 =	vshll.u32 v1, $0xC  }
0x1e7: {  	v1 =	vor.u32 v2, v1  }
0x1e8: {  	[tilespmem:s13+$0xFFFFFFE0] =	vst v1  }
0x1e9: {  	v1 =	vld [tilespmem:s9+$0x20];
	_ =	sdelay $0x4  }
0x1ea: {  	v1 =	vshll.u32 v1, $0xC  }
0x1eb: {  	v1 =	vor.u32 v2, v1  }
0x1ec: {  	[tilespmem:s25+$0xFFFFFFE0] =	vst v1  }
0x1ed: {  	v1 =	vld [tilespmem:s9+$0xFFFFE030];
	_ =	sdelay $0x2  }
0x1ee: {  	s19 =	simm.s32 $0x30  }
0x1ef: {  	s1 =	sand.u32 $0xFB0, s19  }
0x1f0: {  	v2 =	vor.u32 s1, v0;
	v1 =	vshll.u32 v1, $0xC  }
0x1f1: {  	v1 =	vor.u32 v2, v1  }
0x1f2: {  	[tilespmem:s13+$0xFFFFFFF0] =	vst v1  }
0x1f3: {  	v1 =	vld [tilespmem:s9+$0x30];
	_ =	sdelay $0x4  }
0x1f4: {  	v1 =	vshll.u32 v1, $0xC  }
0x1f5: {  	v1 =	vor.u32 v2, v1  }
0x1f6: {  	[tilespmem:s25+$0xFFFFFFF0] =	vst v1  }
0x1f7: {  	v1 =	vld [tilespmem:s9+$0xFFFFE040];
	_ =	sdelay $0x2  }
0x1f8: {  	s16 =	simm.s32 $0x40  }
0x1f9: {  	s1 =	sand.u32 $0xFC0, s16  }
0x1fa: {  	v2 =	vor.u32 s1, v0;
	v1 =	vshll.u32 v1, $0xC  }
0x1fb: {  	v1 =	vor.u32 v2, v1  }
0x1fc: {  	[tilespmem:s13+$0x0] =	vst v1  }
0x1fd: {  	v1 =	vld [tilespmem:s9+$0x40];
	_ =	sdelay $0x4  }
0x1fe: {  	v1 =	vshll.u32 v1, $0xC  }
0x1ff: {  	v1 =	vor.u32 v2, v1  }
0x200: {  	[tilespmem:s25+$0x0] =	vst v1  }
0x201: {  	v1 =	vld [tilespmem:s9+$0xFFFFE050];
	_ =	sdelay $0x2  }
0x202: {  	s18 =	simm.s32 $0x50  }
0x203: {  	s1 =	sand.u32 $0xFD0, s18  }
0x204: {  	v2 =	vor.u32 s1, v0;
	v1 =	vshll.u32 v1, $0xC  }
0x205: {  	v1 =	vor.u32 v2, v1  }
0x206: {  	[tilespmem:s13+$0x10] =	vst v1  }
0x207: {  	v1 =	vld [tilespmem:s9+$0x50];
	_ =	sdelay $0x4  }
0x208: {  	v1 =	vshll.u32 v1, $0xC  }
0x209: {  	v1 =	vor.u32 v2, v1  }
0x20a: {  	[tilespmem:s25+$0x10] =	vst v1  }
0x20b: {  	v1 =	vld [tilespmem:s9+$0xFFFFE060];
	_ =	sdelay $0x2  }
0x20c: {  	s19 =	simm.s32 $0x60  }
0x20d: {  	s1 =	sand.u32 $0xFE0, s19  }
0x20e: {  	v2 =	vor.u32 s1, v0;
	v1 =	vshll.u32 v1, $0xC  }
0x20f: {  	v1 =	vor.u32 v2, v1  }
0x210: {  	[tilespmem:s13+$0x20] =	vst v1  }
0x211: {  	v1 =	vld [tilespmem:s9+$0x60];
	_ =	sdelay $0x4  }
0x212: {  	v1 =	vshll.u32 v1, $0xC  }
0x213: {  	v1 =	vor.u32 v2, v1  }
0x214: {  	[tilespmem:s25+$0x20] =	vst v1  }
0x215: {  	v1 =	vld [tilespmem:s9+$0xFFFFE070];
	_ =	sdelay $0x2  }
0x216: {  	s1 =	simm.s32 $0x70  }
0x217: {  	s16 =	sand.u32 $0xFF0, s1  }
0x218: {  	v2 =	vor.u32 s16, v0;
	v1 =	vshll.u32 v1, $0xC  }
0x219: {  	v1 =	vor.u32 v2, v1  }
0x21a: {  	[tilespmem:s13+$0x30] =	vst v1  }
0x21b: {  	v1 =	vld [tilespmem:s9+$0x70];
	_ =	sdelay $0x4  }
0x21c: {  	v1 =	vshll.u32 v1, $0xC  }
0x21d: {  	s18 =	simm.s32 $0xA0C0;
	s16 =	simm.s32 $0x80C0;
	s13 =	simm.s32 $0x0;
	v1 =	vor.u32 v2, v1  }
.LBB2_8:
0x21e: {  	s13 =	sadd.s32 $0x8, s13;
	[tilespmem:s25+$0x30] =	vst v1;
	s1 =	sadd.s32 $0x80, s1;
	s9 =	sadd.s32 $0x80, s9  }
0x21f: {  	s25 =	smov.u32 s18;
	v1 =	vld [tilespmem:s9+$0xFFFFE000];
	p1 =	slt.u32 s13, $0x1F8;
	_ =	sdelay $0x2  }
0x220: {  	s19 =	sadd.s32 $0xFFFFFF90, s1  }
0x221: {  	s19 =	sand.u32 $0xF80, s19  }
0x222: {  	v2 =	vor.u32 s19, v0;
	v1 =	vshll.u32 v1, $0xC  }
0x223: {  	v1 =	vor.u32 v2, v1  }
0x224: {  	[tilespmem:s16+$0xFFFFFFC0] =	vst v1  }
0x225: {  	v1 =	vld [tilespmem:s9+$0x0];
	_ =	sdelay $0x4  }
0x226: {  	v1 =	vshll.u32 v1, $0xC  }
0x227: {  	v1 =	vor.u32 v2, v1  }
0x228: {  	[tilespmem:s18+$0xFFFFFFC0] =	vst v1  }
0x229: {  	v1 =	vld [tilespmem:s9+$0xFFFFE010];
	_ =	sdelay $0x2  }
0x22a: {  	s19 =	sadd.s32 $0xFFFFFFA0, s1  }
0x22b: {  	s19 =	sand.u32 $0xF90, s19  }
0x22c: {  	v2 =	vor.u32 s19, v0;
	v1 =	vshll.u32 v1, $0xC  }
0x22d: {  	v1 =	vor.u32 v2, v1  }
0x22e: {  	[tilespmem:s16+$0xFFFFFFD0] =	vst v1  }
0x22f: {  	v1 =	vld [tilespmem:s9+$0x10];
	_ =	sdelay $0x4  }
0x230: {  	v1 =	vshll.u32 v1, $0xC  }
0x231: {  	v1 =	vor.u32 v2, v1  }
0x232: {  	[tilespmem:s18+$0xFFFFFFD0] =	vst v1  }
0x233: {  	v1 =	vld [tilespmem:s9+$0xFFFFE020];
	_ =	sdelay $0x2  }
0x234: {  	s19 =	sadd.s32 $0xFFFFFFB0, s1  }
0x235: {  	s19 =	sand.u32 $0xFA0, s19  }
0x236: {  	v2 =	vor.u32 s19, v0;
	v1 =	vshll.u32 v1, $0xC  }
0x237: {  	v1 =	vor.u32 v2, v1  }
0x238: {  	[tilespmem:s16+$0xFFFFFFE0] =	vst v1  }
0x239: {  	v1 =	vld [tilespmem:s9+$0x20];
	_ =	sdelay $0x4  }
0x23a: {  	v1 =	vshll.u32 v1, $0xC  }
0x23b: {  	v1 =	vor.u32 v2, v1  }
0x23c: {  	[tilespmem:s18+$0xFFFFFFE0] =	vst v1  }
0x23d: {  	v1 =	vld [tilespmem:s9+$0xFFFFE030];
	_ =	sdelay $0x2  }
0x23e: {  	s19 =	sadd.s32 $0xFFFFFFC0, s1  }
0x23f: {  	s19 =	sand.u32 $0xFB0, s19  }
0x240: {  	v2 =	vor.u32 s19, v0;
	v1 =	vshll.u32 v1, $0xC  }
0x241: {  	v1 =	vor.u32 v2, v1  }
0x242: {  	[tilespmem:s16+$0xFFFFFFF0] =	vst v1  }
0x243: {  	v1 =	vld [tilespmem:s9+$0x30];
	_ =	sdelay $0x4  }
0x244: {  	v1 =	vshll.u32 v1, $0xC  }
0x245: {  	v1 =	vor.u32 v2, v1  }
0x246: {  	[tilespmem:s18+$0xFFFFFFF0] =	vst v1  }
0x247: {  	v1 =	vld [tilespmem:s9+$0xFFFFE040];
	_ =	sdelay $0x2  }
0x248: {  	s19 =	sadd.s32 $0xFFFFFFD0, s1  }
0x249: {  	s19 =	sand.u32 $0xFC0, s19  }
0x24a: {  	v2 =	vor.u32 s19, v0;
	v1 =	vshll.u32 v1, $0xC  }
0x24b: {  	v1 =	vor.u32 v2, v1  }
0x24c: {  	[tilespmem:s16+$0x0] =	vst v1  }
0x24d: {  	v1 =	vld [tilespmem:s9+$0x40];
	_ =	sdelay $0x4  }
0x24e: {  	v1 =	vshll.u32 v1, $0xC  }
0x24f: {  	v1 =	vor.u32 v2, v1  }
0x250: {  	[tilespmem:s18+$0x0] =	vst v1  }
0x251: {  	v1 =	vld [tilespmem:s9+$0xFFFFE050];
	_ =	sdelay $0x2  }
0x252: {  	s19 =	sadd.s32 $0xFFFFFFE0, s1  }
0x253: {  	s19 =	sand.u32 $0xFD0, s19  }
0x254: {  	v2 =	vor.u32 s19, v0;
	v1 =	vshll.u32 v1, $0xC  }
0x255: {  	v1 =	vor.u32 v2, v1  }
0x256: {  	[tilespmem:s16+$0x10] =	vst v1  }
0x257: {  	v1 =	vld [tilespmem:s9+$0x50];
	_ =	sdelay $0x4  }
0x258: {  	v1 =	vshll.u32 v1, $0xC  }
0x259: {  	v1 =	vor.u32 v2, v1  }
0x25a: {  	[tilespmem:s18+$0x10] =	vst v1  }
0x25b: {  	v1 =	vld [tilespmem:s9+$0xFFFFE060];
	_ =	sdelay $0x2  }
0x25c: {  	s19 =	sadd.s32 $0xFFFFFFF0, s1  }
0x25d: {  	s19 =	sand.u32 $0xFE0, s19  }
0x25e: {  	v2 =	vor.u32 s19, v0;
	v1 =	vshll.u32 v1, $0xC  }
0x25f: {  	v1 =	vor.u32 v2, v1  }
0x260: {  	[tilespmem:s16+$0x20] =	vst v1  }
0x261: {  	v1 =	vld [tilespmem:s9+$0x60];
	_ =	sdelay $0x4  }
0x262: {  	v1 =	vshll.u32 v1, $0xC  }
0x263: {  	v1 =	vor.u32 v2, v1  }
0x264: {  	[tilespmem:s18+$0x20] =	vst v1  }
0x265: {  	v1 =	vld [tilespmem:s9+$0xFFFFE070];
	_ =	sdelay $0x3  }
0x266: {  	s19 =	sand.u32 $0xFF0, s1  }
0x267: {  	v2 =	vor.u32 s19, v0;
	v1 =	vshll.u32 v1, $0xC  }
0x268: {  	v1 =	vor.u32 v2, v1  }
0x269: {  	[tilespmem:s16+$0x30] =	vst v1  }
0x26a: {  	v1 =	vld [tilespmem:s9+$0x70];
	_ =	sdelay $0x1  }
.Ltmp5:
0x26b: {  	(pc) =	sbr.rel @p1 .LBB2_8-.Ltmp5, $3  }
0x26c: {  	_ =	sdelay $0x1  }
0x26d: {  	v1 =	vshll.u32 v1, $0xC  }
0x26e: {  	s18 =	sadd.s32 $0x80, s18;
	s16 =	sadd.s32 $0x80, s16;
	v1 =	vor.u32 v2, v1  }
0x26f: {  	s19 =	smov.u32 s6;
	s6 =	smov.u32 s22  }
0x270: {  	s22 =	smov.u32 s23;
	s23 =	smov.u32 s24;
	s24 =	smov.u32 s28  }
0x271: {  	[tilespmem:s25+$0x30] =	vst v1;
	s25 =	smov.u32 s29;
	s28 =	smov.u32 s30;
	s29 =	smov.u32 s31  }
0x272: {  	s30 =	smov.u32 s8;
	s8 =	simm.s32 $0x4000;
	s31 =	simm.s32 $0x5000  }
.LBB2_10:
0x273: {  	_ =	swait.ge [sflag:s14], $0x1000  }
0x274: {  	[sflag:s14] =	ssyncset.done $0x0  }
0x275: {  	[sflag:s14] =	ssyncadd.s32 $0xFFFFF000  }
0x276: {  	_ =	swait.ge [sflag:s14], $0x1000  }
0x277: {  	[sflag:s14] =	ssyncset.done $0x0  }
0x278: {  	[sflag:s14] =	ssyncadd.s32 $0xFFFFF000  }
0x279: {  	_ =	swait.ge [sflag:s14], $0x1000  }
0x27a: {  	[sflag:s14] =	ssyncset.done $0x0  }
0x27b: {  	[sflag:s14] =	ssyncadd.s32 $0xFFFFF000  }
0x27c: {  	_ =	swait.ge [sflag:s14], $0x1000  }
0x27d: {  	s1 =	simm.s32 @!p0 $0x2000;
	[sflag:s14] =	ssyncset.done $0x0  }
0x27e: {  	s9 =	simm.s32 @!p0 $0x8000;
	s13 =	simm.s32 @!p0 $0x10000;
	[sflag:s14] =	ssyncadd.s32 $0xFFFFF000  }
0x27f: {  	[tilespmem:s13], [sflag:$0x3] =	stream.indirect.gather @!p0 [hbm4b:s5+s1], $0x1, s9, s1, $0xb8;
	[tilespmem:$0x18000] =	vst v63  }
0x280: {  	s9 =	simm.s32 @!p0 $0xA000;
	s13 =	simm.s32 @!p0 $0x12000  }
0x281: {  	[tilespmem:s13], [sflag:$0x4] =	stream.indirect.gather @!p0 [hbm4b:s5+s1], $0x1, s9, s1, $0xb8;
	[tilespmem:$0x18000] =	vst v63  }
0x282: {  	_ =	swait.ge [sflag:s15], $0x2000  }
0x283: {  	[sflag:s15] =	ssyncset.done $0x0  }
0x284: {  	[sflag:s15] =	ssyncadd.s32 $0xFFFFE000  }
0x285: {  	_ =	swait.ge [sflag:s17], $0x2000  }
0x286: {  	[sflag:s17] =	ssyncset.done $0x0  }
0x287: {  	s9 =	sadd.s32 s4, s25;
	s13 =	simm.s32 $0x14000;
	[sflag:s17] =	ssyncadd.s32 $0xFFFFE000  }
0x288: {  	[hbm4b:s9+s0] =	stream.strided.scatter [tilespmem:s13], [sflag:$0x2], $0x1000, s3, s0, $0x38;
	[tilespmem:$0x18000] =	vst v63  }
0x289: {  	s16 =	sadd.s32 s4, s28;
	s18 =	simm.s32 $0x15000  }
0x28a: {  	[hbm4b:s16+s0] =	stream.strided.scatter [tilespmem:s18], [sflag:$0x2], $0x1000, s3, s0, $0x38;
	[tilespmem:$0x18000] =	vst v63  }
.Ltmp6:
0x28b: {  	_ = 	snop;
	(pc) =	sbr.rel @p0 .LBB2_12-.Ltmp6, $4  }
0x28c: {  	s13 =	sadd.s32 s4, s29  }
0x28d: {  	[hbm4b:s13+s0] =	stream.strided.scatter [tilespmem:s2], [sflag:$0x2], $0x1000, s3, s0, $0x38;
	[tilespmem:$0x18000] =	vst v63  }
0x28e: {  	s16 =	sadd.s32 s4, s30;
	s18 =	simm.s32 $0x17000  }
0x28f: {  	[hbm4b:s16+s0] =	stream.strided.scatter [tilespmem:s18], [sflag:$0x2], $0x1000, s3, s0, $0x38;
	[tilespmem:$0x18000] =	vst v63  }
0x290: {  	s1 =	sadd.s32 s11, s26  }
0x291: {  	s1 =	sshll.u32 s1, $0x9  }
0x292: {  	s4 =	rddreg [dreg:$0xa];
	s1 =	sand.u32 $0xFFF000, s1  }
0x293: {  	s11 =	rddreg [dreg:$0xd];
	s4 =	sadd.s32 s1, s4  }
0x294: {  	[tilespmem:s8], [sflag:$0x1] =	stream.strided.gather [hbm4b:s4+s0], $0x1000, s3, s0, $0x38;
	[tilespmem:$0x18000] =	vst v63  }
0x295: {  	s4 =	sadd.s32 s1, s11  }
0x296: {  	[tilespmem:s31], [sflag:$0x1] =	stream.strided.gather [hbm4b:s4+s0], $0x1000, s3, s0, $0x38;
	[tilespmem:$0x18000] =	vst v63  }
.Ltmp7:
0x297: {  	s13 =	rddreg [dreg:$0xf];
	(pc) =	sbr.rel .LBB2_4-.Ltmp7, $4  }
0x298: {  	s9 =	simm.s32 $0x6000;
	s16 =	rddreg [dreg:$0x10];
	s4 =	sadd.s32 s1, s13  }
0x299: {  	[tilespmem:s9], [sflag:$0x1] =	stream.strided.gather [hbm4b:s4+s0], $0x1000, s3, s0, $0x38;
	[tilespmem:$0x18000] =	vst v63  }
0x29a: {  	s18 =	simm.s32 $0x7000;
	s12 =	sadd.s32 $0x1, s12;
	s1 =	sadd.s32 s1, s16  }
0x29b: {  	[tilespmem:s18], [sflag:$0x1] =	stream.strided.gather [hbm4b:s1+s0], $0x1000, s3, s0, $0x38;
	[tilespmem:$0x18000] =	vst v63  }
.LBB2_13:
0x29c: {  	_ =	sfence.sel $0x180000  }
0x29d: {  	[bflag:$0x0] =	sbarrier.arrive $0xFFFF  }
0x29e: {  	_ =	strace $0x9000004A  }
0x29f: {  	s0 =	stileid.u32;
	[bflag:$0x2] =	sbarrier.arrive $0xFFFF  }
0x2a0: {  	p0 =	sne.s32 s0, $0x0;
	s0 =	rddreg [dreg:$0x3]  }
0x2a1: {  	s0 =	sadd.s32 @!p0 $0x100000, s0  }
0x2a2: {  	[sflag:s0] =	ssyncadd.tile.s32 @!p0 $0x1;
	_ =	shalt  }
.Lfunc_end2:
_tile_overlayer_lowered:
.L_overlay_start_2:
0x2a3: {  	(tag) =	ssettag $0x2  }
0x2a4: {  	s0 =	rddreg [dreg:$0x0];
	s2 =	stileid.u32  }
0x2a5: {  	s1 =	rddreg [dreg:$0x1];
	p0 =	sne.s32 s2, $0x0  }
0x2a6: {  	s3 =	rddreg [dreg:$0x2];
	[bflag:$0x3] =	sbarrier.arrive $0xFFFF;
	s2 =	simm.s32 @!p0 $0x1C07  }
0x2a7: {  	[timem:s3], [sflag:s2] =	dma.local @!p0 [hbm:s0], s1  }
0x2a8: {  	s0 =	simm.s32 @!p0 $0x7  }
0x2a9: {  	_ =	swait.ge @!p0 [sflag:s0], s1  }
0x2aa: {  	s1 =	ssub.s32 @!p0 $0x0, s1;
	[sflag:s0] =	ssyncset.done @!p0 $0x0  }
0x2ab: {  	[sflag:s0] =	ssyncadd.s32 @!p0 s1  }
0x2ac: {  	[bflag:$0x3] =	sbarrier.arrive $0xFFFF  }
0x2ad: {  	_ =	shalt  }

// kernel: sparse-core-data-format-call.cloned.1.call-start
scs
called_computation_lowered:
.L_overlay_start_0:
0x0: {  	s2 =	sld [smem:$0x3FD9]  }
0x1: {  	s3 =	sld [smem:$0x3FFE];
	_ =	sdelay $0x1  }
0x2: {  	s1 =	srdreg.scid  }
0x3: {  	s0 =	sand.u32 $0x1, s1  }
0x4: {  	s18 =	sshll.u32 s0, $0xA;
	s2 =	sadd.s32 s3, s2  }
0x5: {  	s2 =	sadd.s32 s2, s18  }
0x6: {  	[smem:$0x3FC6] =	sst s2  }
0x7: {  	_ = 	snop  }
0x8: {  	s2 =	sld [smem:$0x3FC9];
	(tm) =	ssettm $0x1  }
0x9: {  	s19 =	sld [smem:$0x3FFB];
	_ =	sdelay $0x3  }
0xa: {  	_ =	strace s19  }
0xb: {  	s3 =	sld [smem:$0x3FFC];
	_ =	sdelay $0x3  }
0xc: {  	_ =	strace s3  }
0xd: {  	s3 =	sld [smem:$0x3FFD];
	_ =	sdelay $0x3  }
0xe: {  	_ =	strace s3  }
0xf: {  	_ =	strace $0x8FFFFFFF  }
0x10: {  	s20 =	sld [smem:$0x3FDB];
	_ =	sdelay $0x1  }
0x11: {  	s4 =	simm.s32 $_scs_section_size  }
0x12: {  	s5 =	simm.s32 $_size__tile_overlayer_lowered;
	s6 =	simm.s32 $_tile_overlayer_lowered  }
0x13: {  	s23 =	simm.s32 $0x1BFF;
	s22 =	sshll.u32 s6, $0x1;
	s3 =	sadd.s32 s4, s20  }
0x14: {  	s7 =	simm.s32 $0x0;
	s21 =	sshll.u32 s5, $0x1;
	s5 =	sadd.s32 s22, s3  }
0x15: {  	[timem:s7], [sflag:s23] =	dma.local [hbm:s5], s21  }
0x16: {  	_ =	swait.ge [sflag:s23], s21  }
0x17: {  	s4 =	ssub.s32 $0x0, s21;
	[sflag:s23] =	ssyncset.done $0x0  }
0x18: {  	[sflag:s23] =	ssyncadd.s32 s4;
	_ =	sdelay $0x1  }
0x19: {  	s24 =	simm.s32 $0x1B8B  }
0x1a: {  	_ =	swait.ge [sflag:s24], $0x1  }
0x1b: {  	[sflag:s24] =	ssyncset.done $0x0  }
0x1c: {  	s26 =	simm.s32 $0x1B8E;
	s25 =	sld [smem:$0x3FFE];
	[sflag:s24] =	ssyncadd.s32 $0xFFFFFFFF  }
0x1d: {  	s27 =	simm.s32 $execute0_lowered;
	[smem:$0x3FD2] =	sst s26  }
0x1e: {  	s5 =	sshll.u32 s27, $0x1;
	_ =	strace $0x80000046;
	[dreg:$0x1] =	wrdreg $0xFFFFFFFF  }
0x1f: {  	s28 =	simm.s32 $_size_execute0_lowered;
	s3 =	sadd.s32 s3, s5;
	[dreg:$0x0] =	wrdreg $0x0  }
0x20: {  	s5 =	sshll.u32 s28, $0x1;
	[dreg:$0x2] =	wrdreg s3  }
0x21: {  	[dreg:$0x3] =	wrdreg s5  }
0x22: {  	[dreg:$0x4] =	wrdreg $0xC0  }
0x23: {  	_ =	task [dreg:s7], $0x5FFFF  }
0x24: {  	[dreg:$0x1] =	wrdreg $0xFFFFFFFF  }
0x25: {  	[dreg:$0x0] =	wrdreg $0x60  }
0x26: {  	[dreg:$0x2] =	wrdreg s2  }
0x27: {  	[dreg:$0x3] =	wrdreg s25  }
0x28: {  	[dreg:$0x4] =	wrdreg $0x9  }
0x29: {  	_ =	task.clear_ibuf [dreg:s7], $0x5FFFF;
	_ =	strace $0x90000046  }
0x2a: {  	s29 =	simm.s32 $0x9;
	_ =	strace $0x80000048  }
0x2b: {  	_ =	swait.ge [sflag:s29], $0x1  }
0x2c: {  	[sflag:s29] =	ssyncadd.s32 $0xFFFFFFFF  }
0x2d: {  	_ =	strace $0x90000048  }
0x2e: {  	_ =	sfence  }
0x2f: {  	s30 =	sld [smem:$0x0];
	_ =	sdelay $0x2  }
0x30: {  	s31 =	sshll.u32 s1, $0xD;
	s1 =	sshrl.u32 s1, $0x2  }
0x31: {  	s3 =	sand.u32 $0x4000, s31;
	s1 =	sadd.s32 s1, s30  }
0x32: {  	s0 =	sor.u32 s3, s0;
	s1 =	sshll.u32 s1, $0x11  }
0x33: {  	s0 =	sor.u32 s1, s0  }
0x34: {  	s0 =	sadd.s32 $0x8F2B, s0  }
0x35: {  	[sflag:s0] =	ssyncadd.remote.s32 $0x1  }
0x36: {  	_ =	sfence.sel $0xFFFF  }
0x37: {  	[dreg:$0x0] =	wrdreg $0xFFFFFFFF;
	(pc) =	sbr.abs _section_cstart, $3  }
0x38: {  	[dreg:$0x1] =	wrdreg $0xFFFFFFFF  }
0x39: {  	_ =	task.clear_ibuf [dreg:s7], $0x2FFFF;
	_ =	strace $0x9FFFFFFF  }
0x3a: {  	(tm) =	ssettm $0x7FFFFFFF  }
0x3b: {  	_ =	shalt  }
tec
execute0_lowered:
.L_overlay_start_1:
0x0: {  	(tag) =	ssettag $0x1  }
0x1: {  	s2 =	rddreg [dreg:$0x0]  }
0x2: {  	s1 =	rddreg [dreg:$0x1]  }
0x3: {  	s0 =	rddreg [dreg:$0x2];
	_ =	strace $0x80000047;
	s4 =	srdreg.scid  }
0x4: {  	s6 =	simm.s32 $0x2;
	s11 =	simm.s32 $0x0;
	p0 =	por $0x0, $0x0  }
.Ltmp0:
0x5: {  	s7 =	simm.s32 $0x1000;
	s12 =	simm.s32 $0x0;
	(pc) =	sbr.rel .LBB1_1-.Ltmp0, $4  }
0x6: {  	s9 =	simm.s32 $0x0;
	s3 =	sadd.s32 $0x800, s1;
	s5 =	sshll.u32 s4, $0x4  }
0x7: {  	s1 =	stileid.u32;
	s4 =	simm.s32 $0x1;
	s5 =	sand.u32 $0x10, s5  }
0x8: {  	s8 =	simm.s32 $0x0;
	[sflag:s4] =	ssyncpa.u1 $0x0;
	s5 =	sor.u32 s1, s5  }
0x9: {  	[sflag:s6] =	ssyncpa.u1 $0x0;
	s6 =	simm.s32 $0x800;
	s10 =	smov.u32 s5  }
.LBB1_7:
0xa: {  	s13 =	sadd.s32 $0x10, s9  }
0xb: {  	s11 =	sadd.s32 $0x20, s10;
	s15 =	smov.u32 s10;
	p2 =	sgt.s32 s13, $0x1F  }
0xc: {  	p1 =	slt.u32 s8, $0x2;
	s15 =	smov.u32 @p2 s11  }
0xd: {  	s8 =	sadd.s32 $0x1, s8;
	s13 =	simm.s32 @p2 $0x0;
	p2 =	sgt.s32 s15, $0x7FF  }
0xe: {  	s15 =	smov.u32 @p2 s5;
	p2 =	sne.s32 s8, $0x82  }
.Ltmp1:
0xf: {  	_ = 	snop;
	(pc) =	sbr.rel @!p2 .LBB1_8-.Ltmp1, $4  }
0x10: {  	s14 =	simm.s32 @!p1 $0x2  }
0x11: {  	s12 =	smov.u32 s10;
	_ =	swait.ge @!p1 [sflag:s14], $0x4000  }
0x12: {  	p0 =	por !p0, !p0;
	s11 =	smov.u32 s9;
	[sflag:s14] =	ssyncset.done @!p1 $0x0  }
0x13: {  	s9 =	smov.u32 s13;
	[sflag:s14] =	ssyncadd.s32 @!p1 $0xFFFFC000;
	s10 =	smov.u32 s15  }
.LBB1_1:
0x14: {  	p1 =	sgt.u32 s8, $0x7F  }
0x15: {  	s13 =	sxor.u32 @!p1 $0xFFFFFFFF, s8;
	s14 =	sshll.u32 @!p1 s10, $0xC  }
0x16: {  	s15 =	sshll.u32 @!p1 s9, $0x7;
	s13 =	sshll.u32 @!p1 s13, $0xE;
	s14 =	sadd.s32 @!p1 s2, s14  }
0x17: {  	s13 =	sand.u32 @!p1 $0x4000, s13;
	s14 =	sadd.s32 @!p1 s15, s14;
	s15 =	simm.s32 @!p1 $0x0  }
0x18: {  	[tilespmem:s13], [sflag:$0x1] =	stream.linear.gather @!p1 [hbm4b:s14+s15], $0x4000, $0x38;
	[tilespmem:$0x10000] =	vst v63  }
0x19: {  	p1 =	seq.s32 s8, $0x0  }
0x1a: {  	p2 =	seq.s32 @!p1 s8, $0x81  }
0x1b: {  	p1 =	por p1, p2  }
.Ltmp2:
0x1c: {  	_ = 	snop;
	(pc) =	sbr.rel @p1 .LBB1_7-.Ltmp2, $1  }
0x1d: {  	_ =	sdelay $0x3  }
0x1e: {  	s13 =	simm.s32 $0x1;
	_ =	swait.ge [sflag:s4], $0x4000;
	s16 =	sshll.u32 s8, $0xE  }
0x1f: {  	s13 =	simm.s32 @!p0 $0x0;
	[sflag:s4] =	ssyncset.done $0x0;
	s31 =	sand.u32 $0x4000, s16  }
0x20: {  	s16 =	simm.s32 $0x0;
	s14 =	sshll.u32 s13, $0xE;
	[sflag:s4] =	ssyncadd.s32 $0xFFFFC000  }
0x21: {  	s13 =	sor.u32 $0x8040, s14;
	s15 =	sor.u32 $0x40, s14;
	s14 =	sor.u32 $0x8000, s31  }
.LBB1_3:
0x22: {  	v0 =	vmov s15;
	_ =	sdelay $0x3  }
0x23: {  	s18 =	simm.s32 $0x0  }
0x24: {  	v6 =	vld.idx.msk [tilespmem:v0+s18+$0x30 ss:$0x1], $0xffff  }
0x25: {  	v7 =	vld.idx.msk [tilespmem:v0+s18+$0xFFFFFFC0 ss:$0x1], $0xffff  }
0x26: {  	v5 =	vld.idx.msk [tilespmem:v0+s18+$0xFFFFFFD0 ss:$0x1], $0xffff  }
0x27: {  	v4 =	vld.idx.msk [tilespmem:v0+s18+$0xFFFFFFE0 ss:$0x1], $0xffff  }
0x28: {  	v3 =	vld.idx.msk [tilespmem:v0+s18+$0xFFFFFFF0 ss:$0x1], $0xffff  }
0x29: {  	v1 =	vld.idx.msk [tilespmem:v0+s18+$0x0 ss:$0x1], $0xffff  }
0x2a: {  	v2 =	vld.idx.msk [tilespmem:v0+s18+$0x10 ss:$0x1], $0xffff;
	[tilespmem:s13+$0x30] =	vst v6  }
0x2b: {  	s17 =	simm.s32 $0x80;
	s19 =	simm.s32 $0x400;
	[tilespmem:s13+$0xFFFFFFC0] =	vst v7;
	v6 =	vld.idx.msk [tilespmem:v0+s18+$0x20 ss:$0x1], $0xffff;
	s18 =	smov.u32 s13  }
.LBB1_4:
0x2c: {  	p1 =	sne.s32 s19, $0xE00;
	v7 =	vld.idx.msk [tilespmem:v0+s17+$0x30 ss:$0x1], $0xffff;
	[tilespmem:s18+$0xFFFFFFD0] =	vst v5  }
0x2d: {  	v8 =	vld.idx.msk [tilespmem:v0+s17+$0xFFFFFFC0 ss:$0x1], $0xffff;
	[tilespmem:s18+$0xFFFFFFE0] =	vst v4  }
0x2e: {  	v5 =	vld.idx.msk [tilespmem:v0+s17+$0xFFFFFFD0 ss:$0x1], $0xffff;
	[tilespmem:s18+$0xFFFFFFF0] =	vst v3  }
.Ltmp3:
0x2f: {  	v4 =	vld.idx.msk [tilespmem:v0+s17+$0xFFFFFFE0 ss:$0x1], $0xffff;
	[tilespmem:s18+$0x0] =	vst v1;
	(pc) =	sbr.rel @p1 .LBB1_4-.Ltmp3, $4  }
0x30: {  	v3 =	vld.idx.msk [tilespmem:v0+s17+$0xFFFFFFF0 ss:$0x1], $0xffff;
	[tilespmem:s18+$0x10] =	vst v2  }
0x31: {  	v1 =	vld.idx.msk [tilespmem:v0+s17+$0x0 ss:$0x1], $0xffff;
	[tilespmem:s18+$0x20] =	vst v6;
	s18 =	sadd.s32 $0x800, s18  }
0x32: {  	v2 =	vld.idx.msk [tilespmem:v0+s17+$0x10 ss:$0x1], $0xffff;
	[tilespmem:s18+$0x30] =	vst v7  }
0x33: {  	[tilespmem:s18+$0xFFFFFFC0] =	vst v8;
	v6 =	vld.idx.msk [tilespmem:v0+s17+$0x20 ss:$0x1], $0xffff;
	s17 =	sshra.s32 s19, $0x2;
	s19 =	sadd.s32 $0x200, s19  }
0x34: {  	_ =	sdelay $0x2  }
0x35: {  	[tilespmem:s18+$0xFFFFFFD0] =	vst v5  }
0x36: {  	v56 =	vld.idx.msk [tilespmem:v0+s17+$0x30 ss:$0x1], $0xffff;
	[tilespmem:s18+$0xFFFFFFE0] =	vst v4  }
0x37: {  	v57 =	vld.idx.msk [tilespmem:v0+s17+$0xFFFFFFC0 ss:$0x1], $0xffff;
	[tilespmem:s18+$0xFFFFFFF0] =	vst v3  }
0x38: {  	v58 =	vld.idx.msk [tilespmem:v0+s17+$0xFFFFFFD0 ss:$0x1], $0xffff;
	[tilespmem:s18+$0x0] =	vst v1  }
0x39: {  	v59 =	vld.idx.msk [tilespmem:v0+s17+$0xFFFFFFE0 ss:$0x1], $0xffff;
	[tilespmem:s18+$0x10] =	vst v2  }
0x3a: {  	v60 =	vld.idx.msk [tilespmem:v0+s17+$0xFFFFFFF0 ss:$0x1], $0xffff;
	s31 =	sadd.s32 $0x800, s18;
	[tilespmem:s18+$0x20] =	vst v6  }
0x3b: {  	v61 =	vld.idx.msk [tilespmem:v0+s17+$0x0 ss:$0x1], $0xffff;
	[tilespmem:s31+$0x30] =	vst v56  }
0x3c: {  	v62 =	vld.idx.msk [tilespmem:v0+s17+$0x10 ss:$0x1], $0xffff;
	s16 =	sadd.s32 $0x1, s16;
	[tilespmem:s31+$0xFFFFFFC0] =	vst v57  }
0x3d: {  	v63 =	vld.idx.msk [tilespmem:v0+s17+$0x20 ss:$0x1], $0xffff;
	p1 =	sne.s32 s16, $0x10;
	[tilespmem:s31+$0xFFFFFFD0] =	vst v58  }
.Ltmp4:
0x3e: {  	[tilespmem:s31+$0xFFFFFFE0] =	vst v59;
	(pc) =	sbr.rel @p1 .LBB1_3-.Ltmp4, $4  }
0x3f: {  	[tilespmem:s31+$0xFFFFFFF0] =	vst v60  }
0x40: {  	[tilespmem:s31+$0x0] =	vst v61  }
0x41: {  	[tilespmem:s31+$0x10] =	vst v62  }
0x42: {  	s13 =	sadd.s32 $0x80, s13;
	s15 =	sadd.s32 $0x400, s15;
	[tilespmem:s31+$0x20] =	vst v63  }
.Ltmp5:
0x43: {  	(pc) =	sbr.rel .LBB1_7-.Ltmp5, $4  }
0x44: {  	s12 =	sshll.u32 s12, $0xC;
	s11 =	sshll.u32 s11, $0x4  }
0x45: {  	s11 =	sand.u32 $0x1F0, s11;
	s12 =	sadd.s32 s3, s12  }
0x46: {  	s11 =	sadd.s32 s11, s12  }
0x47: {  	[hbm4b:s11+s6] =	stream.strided.scatter [tilespmem:s14], [sflag:$0x2], $0x4000, s7, s6, $0x38;
	[tilespmem:$0x10000] =	vst v63  }
.LBB1_8:
0x48: {  	_ =	sfence.sel $0x180000  }
0x49: {  	s2 =	simm.s32 $0x1;
	[bflag:$0x0] =	sbarrier.arrive $0xFFFF  }
0x4a: {  	s31 =	simm.s32 $0x2;
	[sflag:s2] =	ssyncpa.u1 $0x1  }
0x4b: {  	[sflag:s31] =	ssyncpa.u1 $0x1  }
0x4c: {  	p0 =	sne.s32 s1, $0x0;
	_ =	strace $0x90000047  }
0x4d: {  	s0 =	sadd.s32 @!p0 $0x100000, s0;
	[bflag:$0x2] =	sbarrier.arrive $0xFFFF  }
0x4e: {  	[sflag:s0] =	ssyncadd.tile.s32 @!p0 $0x1;
	_ =	shalt  }
.Lfunc_end1:
_tile_overlayer_lowered:
.L_overlay_start_2:
0x4f: {  	(tag) =	ssettag $0x2  }
0x50: {  	s0 =	rddreg [dreg:$0x0];
	s2 =	stileid.u32  }
0x51: {  	s1 =	rddreg [dreg:$0x1];
	p0 =	sne.s32 s2, $0x0  }
0x52: {  	s3 =	rddreg [dreg:$0x2];
	[bflag:$0x3] =	sbarrier.arrive $0xFFFF;
	s2 =	simm.s32 @!p0 $0x1C01  }
0x53: {  	[timem:s3], [sflag:s2] =	dma.local @!p0 [hbm:s0], s1  }
0x54: {  	s0 =	simm.s32 @!p0 $0x1  }
0x55: {  	_ =	swait.ge @!p0 [sflag:s0], s1  }
0x56: {  	s1 =	ssub.s32 @!p0 $0x0, s1;
	[sflag:s0] =	ssyncset.done @!p0 $0x0  }
0x57: {  	[sflag:s0] =	ssyncadd.s32 @!p0 s1  }
0x58: {  	[bflag:$0x3] =	sbarrier.arrive $0xFFFF  }
0x59: {  	_ =	shalt  }

</sc_bundles>
